<compile_context>
chip_gen: v7x
topology: tpu7x:2x2x1
jax: 0.10.2.dev20260603
libtpu: 0.0.44.dev20260713+nightly
codegen_flags: <defaults>
</compile_context>

<pallas_src>
import functools
import jax
import jax.numpy as jnp
from jax import lax
from jax.experimental import pallas as pl
from jax.experimental.pallas import tpu as pltpu
from jax.experimental.pallas import tpu_sc as plsc

N_NODES = 10000
NODE_DIM = 128
EDGE_DIM = 16
OUT_DIM = 128
N_EDGES = 320000

NC = 2
NS = 16
HALF = OUT_DIM // NC
BLK = 128
NBLOCKS = N_EDGES // BLK
BPT = 156
K_MAIN = BPT // 4
K_LAST = (NBLOCKS - (NS - 1) * BPT) // 4
CP_ROWS = 632
CP_LAST = N_NODES - (NS - 1) * CP_ROWS

_ROW_BLK = 1000
_GRID = N_NODES // _ROW_BLK


def _tc1_body(x_ref, wxs_ref, wrt_ref, bias_ref, xw1_ref, xw2_ref, base_ref):
    x = x_ref[...]
    xw = jnp.dot(x, wxs_ref[...], preferred_element_type=jnp.float32)
    xw1_ref[...] = xw[:, :HALF]
    xw2_ref[...] = xw[:, HALF:]
    base_ref[...] = (
        jnp.dot(x, wrt_ref[...], preferred_element_type=jnp.float32)
        + bias_ref[...]
    )


def _tc1(x, wxs, wrt, bias):
    return pl.pallas_call(
        _tc1_body,
        grid=(_GRID,),
        in_specs=[
            pl.BlockSpec((_ROW_BLK, NODE_DIM), lambda i: (i, 0)),
            pl.BlockSpec((NODE_DIM, OUT_DIM), lambda i: (0, 0)),
            pl.BlockSpec((NODE_DIM, OUT_DIM), lambda i: (0, 0)),
            pl.BlockSpec((1, OUT_DIM), lambda i: (0, 0)),
        ],
        out_specs=[
            pl.BlockSpec((_ROW_BLK, HALF), lambda i: (i, 0)),
            pl.BlockSpec((_ROW_BLK, HALF), lambda i: (i, 0)),
            pl.BlockSpec((_ROW_BLK, OUT_DIM), lambda i: (i, 0)),
        ],
        out_shape=[
            jax.ShapeDtypeStruct((N_NODES, HALF), jnp.float32),
            jax.ShapeDtypeStruct((N_NODES, HALF), jnp.float32),
            jax.ShapeDtypeStruct((N_NODES, OUT_DIM), jnp.float32),
        ],
    )(x, wxs, wrt, bias)


_TBLK = 2048


def _tr_body(ea_ref, et_ref, ea_out, et_out):
    ea_out[...] = ea_ref[...].T
    et_out[...] = et_ref[...].T


def _tr(eat, ett):
    return pl.pallas_call(
        _tr_body,
        grid=(N_EDGES // _TBLK,),
        in_specs=[
            pl.BlockSpec((EDGE_DIM, _TBLK), lambda i: (0, i)),
            pl.BlockSpec((EDGE_DIM, _TBLK), lambda i: (0, i)),
        ],
        out_specs=[
            pl.BlockSpec((_TBLK, EDGE_DIM), lambda i: (i, 0)),
            pl.BlockSpec((_TBLK, EDGE_DIM), lambda i: (i, 0)),
        ],
        out_shape=[
            jax.ShapeDtypeStruct((N_EDGES, EDGE_DIM), jnp.float32),
            jax.ShapeDtypeStruct((N_EDGES, EDGE_DIM), jnp.float32),
        ],
    )(eat, ett)


def _sc_body(ei_hbm, ea_hbm, et_hbm, xw1_hbm, xw2_hbm,
             z64_hbm, z16_hbm,
             a1c0_out, a1c1_out, a2_out, a3_out,
             row00, row01, row10, row11,
             col00, col01, col10, col11,
             rv00, rv01, rv10, rv11,
             ev00, ev01, ev10, ev11,
             a1sh, aesh, sem_g0, sem_g1, sem_s0, sem_s1):
    c = lax.axis_index("c")
    s = lax.axis_index("s")
    r0 = pl.multiple_of(s * CP_ROWS, 8)
    row_hbm = ei_hbm.at[0]
    col_hbm = ei_hbm.at[1]
    rowb = ((row00, row01), (row10, row11))
    colb = ((col00, col01), (col10, col11))
    rvb = ((rv00, rv01), (rv10, rv11))
    evb = ((ev00, ev01), (ev10, ev11))
    semg = (sem_g0, sem_g1)
    sems = (sem_s0, sem_s1)

    @pl.when(s < NS - 1)
    def _zero_main():
        pltpu.sync_copy(z64_hbm, a1sh.at[pl.ds(r0, CP_ROWS)])
        pltpu.sync_copy(z16_hbm, aesh.at[pl.ds(r0, CP_ROWS)])

    @pl.when(s == NS - 1)
    def _zero_last():
        q0 = (NS - 1) * CP_ROWS
        pltpu.sync_copy(z64_hbm.at[pl.ds(0, CP_LAST)],
                        a1sh.at[pl.ds(q0, CP_LAST)])
        pltpu.sync_copy(z16_hbm.at[pl.ds(0, CP_LAST)],
                        aesh.at[pl.ds(q0, CP_LAST)])

    plsc.subcore_barrier()

    base_blk = s * BPT
    nk = jnp.where(s == NS - 1, K_LAST, K_MAIN)

    def run_side(xw_hbm, eat_hbm):
        def loads(b, blk):
            for j in (0, 1):
                off = pl.multiple_of((blk + j) * BLK, BLK)
                pltpu.sync_copy(row_hbm.at[pl.ds(off, BLK)], rowb[b][j])
                pltpu.sync_copy(col_hbm.at[pl.ds(off, BLK)], colb[b][j])
                pltpu.sync_copy(eat_hbm.at[pl.ds(off, BLK)], evb[b][j])

        def issue_g(b):
            for j in (0, 1):
                pltpu.async_copy(xw_hbm.at[colb[b][j]], rvb[b][j], semg[b])

        def drain_g(b):
            for j in (0, 1):
                pltpu.make_async_copy(
                    xw_hbm.at[colb[b][j]], rvb[b][j], semg[b]).wait()

        def scatter(b):
            for j in (0, 1):
                pltpu.sync_copy(rvb[b][j], a1sh.at[rowb[b][j]], add=True)
                pltpu.sync_copy(evb[b][j], aesh.at[rowb[b][j]], add=True)

        def body(k, _):
            blk0 = base_blk + k * 4
            loads(1, blk0 + 2)
            issue_g(1)
            drain_g(0)
            scatter(0)
            loads(0, jnp.where(k + 1 < nk, blk0 + 4, base_blk))
            issue_g(0)
            drain_g(1)
            scatter(1)
            return 0

        loads(0, base_blk)
        issue_g(0)
        lax.fori_loop(0, nk, body, 0)
        drain_g(0)

    @pl.when(c == 0)
    def _side0():
        run_side(xw1_hbm, ea_hbm)

    @pl.when(c == 1)
    def _side1():
        run_side(xw2_hbm, et_hbm)

    plsc.subcore_barrier()

    def copy_out(a1o, aeo):
        @pl.when(s < NS - 1)
        def _main():
            pltpu.sync_copy(a1sh.at[pl.ds(r0, CP_ROWS)],
                            a1o.at[pl.ds(r0, CP_ROWS)])
            pltpu.sync_copy(aesh.at[pl.ds(r0, CP_ROWS)],
                            aeo.at[pl.ds(r0, CP_ROWS)])

        @pl.when(s == NS - 1)
        def _last():
            q0 = (NS - 1) * CP_ROWS
            pltpu.sync_copy(a1sh.at[pl.ds(q0, CP_LAST)],
                            a1o.at[pl.ds(q0, CP_LAST)])
            pltpu.sync_copy(aesh.at[pl.ds(q0, CP_LAST)],
                            aeo.at[pl.ds(q0, CP_LAST)])

    @pl.when(c == 0)
    def _out0():
        copy_out(a1c0_out, a2_out)

    @pl.when(c == 1)
    def _out1():
        copy_out(a1c1_out, a3_out)


_sc_agg = functools.partial(
    pl.kernel,
    out_type=[
        jax.ShapeDtypeStruct((N_NODES, HALF), jnp.float32),
        jax.ShapeDtypeStruct((N_NODES, HALF), jnp.float32),
        jax.ShapeDtypeStruct((N_NODES, EDGE_DIM), jnp.float32),
        jax.ShapeDtypeStruct((N_NODES, EDGE_DIM), jnp.float32),
    ],
    mesh=plsc.VectorSubcoreMesh(core_axis_name="c", subcore_axis_name="s"),
    compiler_params=pltpu.CompilerParams(use_tc_tiling_on_sc=False),
    scratch_types=(
        [pltpu.VMEM((BLK,), jnp.int32)] * 8
        + [pltpu.VMEM((BLK, HALF), jnp.float32)] * 4
        + [pltpu.VMEM((BLK, EDGE_DIM), jnp.float32)] * 4
        + [
            pltpu.VMEM_SHARED((N_NODES, HALF), jnp.float32),
            pltpu.VMEM_SHARED((N_NODES, EDGE_DIM), jnp.float32),
            pltpu.SemaphoreType.DMA,
            pltpu.SemaphoreType.DMA,
            pltpu.SemaphoreType.DMA,
            pltpu.SemaphoreType.DMA,
        ]
    ),
)(_sc_body)


def _tc2_body(a1c0_ref, a1c1_ref, a2_ref, a3_ref, was_ref, wts_ref, base_ref,
              out_ref):
    a1 = jnp.concatenate([a1c0_ref[...], a1c1_ref[...]], axis=-1)
    out_ref[...] = (
        a1 + base_ref[...]
        + jnp.dot(a2_ref[...], was_ref[...], preferred_element_type=jnp.float32)
        + jnp.dot(a3_ref[...], wts_ref[...], preferred_element_type=jnp.float32)
    )


def _tc2(a1c0, a1c1, a2, a3, was, wts, base):
    return pl.pallas_call(
        _tc2_body,
        grid=(_GRID,),
        in_specs=[
            pl.BlockSpec((_ROW_BLK, HALF), lambda i: (i, 0)),
            pl.BlockSpec((_ROW_BLK, HALF), lambda i: (i, 0)),
            pl.BlockSpec((_ROW_BLK, EDGE_DIM), lambda i: (i, 0)),
            pl.BlockSpec((_ROW_BLK, EDGE_DIM), lambda i: (i, 0)),
            pl.BlockSpec((EDGE_DIM, OUT_DIM), lambda i: (0, 0)),
            pl.BlockSpec((EDGE_DIM, OUT_DIM), lambda i: (0, 0)),
            pl.BlockSpec((_ROW_BLK, OUT_DIM), lambda i: (i, 0)),
        ],
        out_specs=pl.BlockSpec((_ROW_BLK, OUT_DIM), lambda i: (i, 0)),
        out_shape=jax.ShapeDtypeStruct((N_NODES, OUT_DIM), jnp.float32),
    )(a1c0, a1c1, a2, a3, was, wts, base)


def kernel(x, edge_index, edge_attr, edge_t, W_m, b_m, W_r, b_r):
    ei = edge_index.astype(jnp.int32)
    wxs = 0.5 * W_m[:, :NODE_DIM].T
    was = 0.5 * W_m[:, NODE_DIM:NODE_DIM + EDGE_DIM].T
    wts = 0.5 * W_m[:, NODE_DIM + EDGE_DIM:].T
    bias = (b_r + 0.5 * b_m).reshape(1, OUT_DIM)
    z64 = jnp.zeros((CP_ROWS, HALF), jnp.float32)
    z16 = jnp.zeros((CP_ROWS, EDGE_DIM), jnp.float32)

    xw1, xw2, base = _tc1(x, wxs, W_r.T, bias)
    a1c0, a1c1, a2, a3 = _sc_agg(ei, edge_attr, edge_t, xw1, xw2, z64, z16)
    return _tc2(a1c0, a1c1, a2, a3, was, wts, base)

# --- scband reference (transcript-rebuilt; emitter-appended) ---
"""Pipeline reference for scband-simple-sageconv-7490422964616 (READ-ONLY COPY).

The authoritative reference and input builder live on the scoring server;
editing this copy changes nothing except your own understanding.
"""

import jax, jax.numpy as jnp
import numpy as np

NODE_DIM = 128
EDGE_DIM = 16
OUT_DIM = 128
N_NODES = 10000
N_EDGES = 320000

def setup_inputs(seed: int = 0) -> dict:
    key = jax.random.key(seed)
    k1, k2, k3, k4, k5, k6, k7, k8 = jax.random.split(key, 8)
    x = jax.random.normal(k1, (N_NODES, NODE_DIM), dtype=jnp.float32)
    edge_index = jax.random.randint(k2, (2, N_EDGES), 0, N_NODES, dtype=jnp.int64)
    edge_attr = jax.random.normal(k3, (N_EDGES, EDGE_DIM), dtype=jnp.float32)
    edge_t = jax.random.normal(k4, (N_EDGES, EDGE_DIM), dtype=jnp.float32)
    msg_dim = NODE_DIM + 2 * EDGE_DIM
    bound_m = 1.0 / np.sqrt(msg_dim)
    W_m = jax.random.uniform(k5, (OUT_DIM, msg_dim), minval=-bound_m, maxval=bound_m, dtype=jnp.float32)
    b_m = jax.random.uniform(k6, (OUT_DIM,), minval=-bound_m, maxval=bound_m, dtype=jnp.float32)
    bound_r = 1.0 / np.sqrt(NODE_DIM)
    W_r = jax.random.uniform(k7, (OUT_DIM, NODE_DIM), minval=-bound_r, maxval=bound_r, dtype=jnp.float32)
    b_r = jax.random.uniform(k8, (OUT_DIM,), minval=-bound_r, maxval=bound_r, dtype=jnp.float32)
    return {"x": x, "edge_index": edge_index, "edge_attr": edge_attr, "edge_t": edge_t,
            "W_m": W_m, "b_m": b_m, "W_r": W_r, "b_r": b_r}

def reference(x, edge_index, edge_attr, edge_t, W_m, b_m, W_r, b_r):
    row = edge_index[0]
    col = edge_index[1]
    msg = jnp.concatenate([jnp.take(x, col, axis=0), edge_attr, edge_t], axis=1)
    agg = jnp.zeros((x.shape[0], msg.shape[1]), dtype=x.dtype).at[row].add(msg)
    out = agg @ W_m.T + b_m
    out = 0.5 * out + (x @ W_r.T + b_r)
    return out

if __name__ == "__main__":
    import jax
    _d = setup_inputs()
    print(jax.jit(kernel)(*tuple(_d.values())))

</pallas_src>

<mosaic_0001>
#map = affine_map<(d0, d1) -> (0, 0)>
module attributes {stable_mosaic.version = 14 : i64} {
  func.func @_sc_body(%arg0: i32, %arg1: i32, %arg2: memref<2x320000xi32, #tpu.memory_space<hbm>>, %arg3: memref<320000x16xf32, #tpu.memory_space<hbm>>, %arg4: memref<320000x16xf32, #tpu.memory_space<hbm>>, %arg5: memref<10000x64xf32, #tpu.memory_space<hbm>>, %arg6: memref<10000x64xf32, #tpu.memory_space<hbm>>, %arg7: memref<632x64xf32, #tpu.memory_space<hbm>>, %arg8: memref<632x16xf32, #tpu.memory_space<hbm>>, %arg9: memref<10000x64xf32, #tpu.memory_space<hbm>>, %arg10: memref<10000x64xf32, #tpu.memory_space<hbm>>, %arg11: memref<10000x16xf32, #tpu.memory_space<hbm>>, %arg12: memref<10000x16xf32, #tpu.memory_space<hbm>>, %arg13: memref<128xi32, #tpu.memory_space<vmem>>, %arg14: memref<128xi32, #tpu.memory_space<vmem>>, %arg15: memref<128xi32, #tpu.memory_space<vmem>>, %arg16: memref<128xi32, #tpu.memory_space<vmem>>, %arg17: memref<128xi32, #tpu.memory_space<vmem>>, %arg18: memref<128xi32, #tpu.memory_space<vmem>>, %arg19: memref<128xi32, #tpu.memory_space<vmem>>, %arg20: memref<128xi32, #tpu.memory_space<vmem>>, %arg21: memref<128x64xf32, #tpu.memory_space<vmem>>, %arg22: memref<128x64xf32, #tpu.memory_space<vmem>>, %arg23: memref<128x64xf32, #tpu.memory_space<vmem>>, %arg24: memref<128x64xf32, #tpu.memory_space<vmem>>, %arg25: memref<128x16xf32, #tpu.memory_space<vmem>>, %arg26: memref<128x16xf32, #tpu.memory_space<vmem>>, %arg27: memref<128x16xf32, #tpu.memory_space<vmem>>, %arg28: memref<128x16xf32, #tpu.memory_space<vmem>>, %arg29: memref<10000x64xf32, #tpu.memory_space<vmem_shared>>, %arg30: memref<10000x16xf32, #tpu.memory_space<vmem_shared>>, %arg31: memref<!tpu.dma_semaphore, #tpu.memory_space<semaphore_mem>>, %arg32: memref<!tpu.dma_semaphore, #tpu.memory_space<semaphore_mem>>, %arg33: memref<!tpu.dma_semaphore, #tpu.memory_space<semaphore_mem>>, %arg34: memref<!tpu.dma_semaphore, #tpu.memory_space<semaphore_mem>>) attributes {dimension_semantics = [#tpu.dimension_semantics<core_parallel>, #tpu.dimension_semantics<subcore_parallel>], iteration_bounds = array<i64: 2, 16>, scalar_prefetch = 0 : i64, scratch_operands = 22 : i64, tpu.core_type = #tpu.core_type<sc_vector_subcore>, window_params = [{transform_indices = #map}, {transform_indices = #map}, {transform_indices = #map}, {transform_indices = #map}, {transform_indices = #map}, {transform_indices = #map}, {transform_indices = #map}, {transform_indices = #map}, {transform_indices = #map}, {transform_indices = #map}, {transform_indices = #map}]} {
    %mul3A = arith.constant 632 : i32
    %mul3A_0 = arith.muli %arg1, %mul3A : i32
    %multiple_of3A = tpu.assume_multiple %mul3A_0, 8 : i32
    %lt3A = arith.constant 15 : i32
    %lt3A_1 = arith.cmpi slt, %arg1, %lt3A : i32
    %convert_element_type3A = arith.extui %lt3A_1 : i1 to i32
    %cond3A = arith.constant 0 : i32
    %cond3A_2 = arith.cmpi ne, %convert_element_type3A, %cond3A : i32
    scf.if %cond3A_2 {
      "tpu.region"() ({
        %run_scoped3A = tpu.sem_alloc : memref<!tpu.dma_semaphore, #tpu.memory_space<semaphore_mem>>
        %dma_start3A = arith.constant 0 : i32
        %dma_start3A_37 = tpu.memref_slice %arg29[%multiple_of3A, %dma_start3A] : memref<10000x64xf32, #tpu.memory_space<vmem_shared>> -> memref<632x64xf32, #tpu.memory_space<vmem_shared>>
        tpu.enqueue_dma source(%arg7 : memref<632x64xf32, #tpu.memory_space<hbm>>) target(%dma_start3A_37 : memref<632x64xf32, #tpu.memory_space<vmem_shared>>) target_semaphore(%run_scoped3A : memref<!tpu.dma_semaphore, #tpu.memory_space<semaphore_mem>>)
        %dma_wait3A = arith.constant 0 : i32
        %dma_wait3A_38 = tpu.memref_slice %arg29[%multiple_of3A, %dma_wait3A] : memref<10000x64xf32, #tpu.memory_space<vmem_shared>> -> memref<632x64xf32, #tpu.memory_space<vmem_shared>>
        tpu.wait_dma2 semaphore(%run_scoped3A : memref<!tpu.dma_semaphore, #tpu.memory_space<semaphore_mem>>) src(%arg7 : memref<632x64xf32, #tpu.memory_space<hbm>>) dst(%dma_wait3A_38 : memref<632x64xf32, #tpu.memory_space<vmem_shared>>)
        tpu.yield
      }) : () -> ()
      "tpu.region"() ({
        %run_scoped3A = tpu.sem_alloc : memref<!tpu.dma_semaphore, #tpu.memory_space<semaphore_mem>>
        %dma_start3A = arith.constant 0 : i32
        %dma_start3A_37 = tpu.memref_slice %arg30[%multiple_of3A, %dma_start3A] : memref<10000x16xf32, #tpu.memory_space<vmem_shared>> -> memref<632x16xf32, #tpu.memory_space<vmem_shared>>
        tpu.enqueue_dma source(%arg8 : memref<632x16xf32, #tpu.memory_space<hbm>>) target(%dma_start3A_37 : memref<632x16xf32, #tpu.memory_space<vmem_shared>>) target_semaphore(%run_scoped3A : memref<!tpu.dma_semaphore, #tpu.memory_space<semaphore_mem>>)
        %dma_wait3A = arith.constant 0 : i32
        %dma_wait3A_38 = tpu.memref_slice %arg30[%multiple_of3A, %dma_wait3A] : memref<10000x16xf32, #tpu.memory_space<vmem_shared>> -> memref<632x16xf32, #tpu.memory_space<vmem_shared>>
        tpu.wait_dma2 semaphore(%run_scoped3A : memref<!tpu.dma_semaphore, #tpu.memory_space<semaphore_mem>>) src(%arg8 : memref<632x16xf32, #tpu.memory_space<hbm>>) dst(%dma_wait3A_38 : memref<632x16xf32, #tpu.memory_space<vmem_shared>>)
        tpu.yield
      }) : () -> ()
    } else {
    }
    %eq3A = arith.constant 15 : i32
    %eq3A_3 = arith.cmpi eq, %arg1, %eq3A : i32
    %convert_element_type3A_4 = arith.extui %eq3A_3 : i1 to i32
    %cond3A_5 = arith.constant 0 : i32
    %cond3A_6 = arith.cmpi ne, %convert_element_type3A_4, %cond3A_5 : i32
    scf.if %cond3A_6 {
      "tpu.region"() ({
        %run_scoped3A = tpu.sem_alloc : memref<!tpu.dma_semaphore, #tpu.memory_space<semaphore_mem>>
        %dma_start3A = arith.constant 9480 : i32
        %dma_start3A_37 = arith.constant 0 : i32
        %dma_start3A_38 = tpu.memref_slice %arg29[%dma_start3A, %dma_start3A_37] : memref<10000x64xf32, #tpu.memory_space<vmem_shared>> -> memref<520x64xf32, #tpu.memory_space<vmem_shared>>
        %dma_start3A_39 = arith.constant 0 : i32
        %dma_start3A_40 = arith.constant 0 : i32
        %dma_start3A_41 = tpu.memref_slice %arg7[%dma_start3A_39, %dma_start3A_40] : memref<632x64xf32, #tpu.memory_space<hbm>> -> memref<520x64xf32, #tpu.memory_space<hbm>>
        tpu.enqueue_dma source(%dma_start3A_41 : memref<520x64xf32, #tpu.memory_space<hbm>>) target(%dma_start3A_38 : memref<520x64xf32, #tpu.memory_space<vmem_shared>>) target_semaphore(%run_scoped3A : memref<!tpu.dma_semaphore, #tpu.memory_space<semaphore_mem>>)
        %dma_wait3A = arith.constant 9480 : i32
        %dma_wait3A_42 = arith.constant 0 : i32
        %dma_wait3A_43 = tpu.memref_slice %arg29[%dma_wait3A, %dma_wait3A_42] : memref<10000x64xf32, #tpu.memory_space<vmem_shared>> -> memref<520x64xf32, #tpu.memory_space<vmem_shared>>
        %dma_wait3A_44 = arith.constant 0 : i32
        %dma_wait3A_45 = arith.constant 0 : i32
        %dma_wait3A_46 = tpu.memref_slice %arg7[%dma_wait3A_44, %dma_wait3A_45] : memref<632x64xf32, #tpu.memory_space<hbm>> -> memref<520x64xf32, #tpu.memory_space<hbm>>
        tpu.wait_dma2 semaphore(%run_scoped3A : memref<!tpu.dma_semaphore, #tpu.memory_space<semaphore_mem>>) src(%dma_wait3A_46 : memref<520x64xf32, #tpu.memory_space<hbm>>) dst(%dma_wait3A_43 : memref<520x64xf32, #tpu.memory_space<vmem_shared>>)
        tpu.yield
      }) : () -> ()
      "tpu.region"() ({
        %run_scoped3A = tpu.sem_alloc : memref<!tpu.dma_semaphore, #tpu.memory_space<semaphore_mem>>
        %dma_start3A = arith.constant 9480 : i32
        %dma_start3A_37 = arith.constant 0 : i32
        %dma_start3A_38 = tpu.memref_slice %arg30[%dma_start3A, %dma_start3A_37] : memref<10000x16xf32, #tpu.memory_space<vmem_shared>> -> memref<520x16xf32, #tpu.memory_space<vmem_shared>>
        %dma_start3A_39 = arith.constant 0 : i32
        %dma_start3A_40 = arith.constant 0 : i32
        %dma_start3A_41 = tpu.memref_slice %arg8[%dma_start3A_39, %dma_start3A_40] : memref<632x16xf32, #tpu.memory_space<hbm>> -> memref<520x16xf32, #tpu.memory_space<hbm>>
        tpu.enqueue_dma source(%dma_start3A_41 : memref<520x16xf32, #tpu.memory_space<hbm>>) target(%dma_start3A_38 : memref<520x16xf32, #tpu.memory_space<vmem_shared>>) target_semaphore(%run_scoped3A : memref<!tpu.dma_semaphore, #tpu.memory_space<semaphore_mem>>)
        %dma_wait3A = arith.constant 9480 : i32
        %dma_wait3A_42 = arith.constant 0 : i32
        %dma_wait3A_43 = tpu.memref_slice %arg30[%dma_wait3A, %dma_wait3A_42] : memref<10000x16xf32, #tpu.memory_space<vmem_shared>> -> memref<520x16xf32, #tpu.memory_space<vmem_shared>>
        %dma_wait3A_44 = arith.constant 0 : i32
        %dma_wait3A_45 = arith.constant 0 : i32
        %dma_wait3A_46 = tpu.memref_slice %arg8[%dma_wait3A_44, %dma_wait3A_45] : memref<632x16xf32, #tpu.memory_space<hbm>> -> memref<520x16xf32, #tpu.memory_space<hbm>>
        tpu.wait_dma2 semaphore(%run_scoped3A : memref<!tpu.dma_semaphore, #tpu.memory_space<semaphore_mem>>) src(%dma_wait3A_46 : memref<520x16xf32, #tpu.memory_space<hbm>>) dst(%dma_wait3A_43 : memref<520x16xf32, #tpu.memory_space<vmem_shared>>)
        tpu.yield
      }) : () -> ()
    } else {
    }
    %barrier3A = arith.constant 0 : index
    tpu.barrier barrier_id(%barrier3A)
    %mul3A_7 = arith.constant 156 : i32
    %mul3A_8 = arith.muli %arg1, %mul3A_7 : i32
    %eq3A_9 = arith.constant 15 : i32
    %eq3A_10 = arith.cmpi eq, %arg1, %eq3A_9 : i32
    %jit3A = arith.constant 40 : i32
    %jit3A_11 = arith.constant 39 : i32
    %select_n3A = arith.select %eq3A_10, %jit3A, %jit3A_11 : i32
    %eq3A_12 = arith.constant 0 : i32
    %eq3A_13 = arith.cmpi eq, %arg0, %eq3A_12 : i32
    %convert_element_type3A_14 = arith.extui %eq3A_13 : i1 to i32
    %cond3A_15 = arith.constant 0 : i32
    %cond3A_16 = arith.constant 1 : i32
    %cond3A_17 = arith.constant 0 : i32
    %cond3A_18 = arith.cmpi ne, %convert_element_type3A_14, %cond3A_17 : i32
    scf.if %cond3A_18 {
      %add3A = arith.constant 0 : i32
      %add3A_37 = arith.addi %mul3A_8, %add3A : i32
      %mul3A_38 = arith.constant 128 : i32
      %mul3A_39 = arith.muli %add3A_37, %mul3A_38 : i32
      %multiple_of3A_40 = tpu.assume_multiple %mul3A_39, 128 : i32
      "tpu.region"() ({
        %run_scoped3A = tpu.sem_alloc : memref<!tpu.dma_semaphore, #tpu.memory_space<semaphore_mem>>
        %dma_start3A_67 = arith.constant 0 : i32
        %dma_start3A_68 = tpu.memref_slice %arg2[%cond3A_15, %dma_start3A_67] : memref<2x320000xi32, #tpu.memory_space<hbm>> -> memref<1x320000xi32, #tpu.memory_space<hbm>>
        %dma_start3A_69 = tpu.memref_squeeze %dma_start3A_68 : memref<1x320000xi32, #tpu.memory_space<hbm>> -> memref<320000xi32, #tpu.memory_space<hbm>>
        %dma_start3A_70 = tpu.memref_slice %dma_start3A_69[%multiple_of3A_40] : memref<320000xi32, #tpu.memory_space<hbm>> -> memref<128xi32, #tpu.memory_space<hbm>>
        %dma_start3A_71 = arith.constant 0 : i32
        %dma_start3A_72 = tpu.memref_slice %arg2[%cond3A_15, %dma_start3A_71] : memref<2x320000xi32, #tpu.memory_space<hbm>> -> memref<1x320000xi32, #tpu.memory_space<hbm>>
        %dma_start3A_73 = tpu.memref_squeeze %dma_start3A_72 : memref<1x320000xi32, #tpu.memory_space<hbm>> -> memref<320000xi32, #tpu.memory_space<hbm>>
        %dma_start3A_74 = tpu.memref_slice %dma_start3A_73[%multiple_of3A_40] : memref<320000xi32, #tpu.memory_space<hbm>> -> memref<128xi32, #tpu.memory_space<hbm>>
        tpu.enqueue_dma source(%dma_start3A_74 : memref<128xi32, #tpu.memory_space<hbm>>) target(%arg13 : memref<128xi32, #tpu.memory_space<vmem>>) target_semaphore(%run_scoped3A : memref<!tpu.dma_semaphore, #tpu.memory_space<semaphore_mem>>)
        %dma_wait3A_75 = arith.constant 0 : i32
        %dma_wait3A_76 = tpu.memref_slice %arg2[%cond3A_15, %dma_wait3A_75] : memref<2x320000xi32, #tpu.memory_space<hbm>> -> memref<1x320000xi32, #tpu.memory_space<hbm>>
        %dma_wait3A_77 = tpu.memref_squeeze %dma_wait3A_76 : memref<1x320000xi32, #tpu.memory_space<hbm>> -> memref<320000xi32, #tpu.memory_space<hbm>>
        %dma_wait3A_78 = tpu.memref_slice %dma_wait3A_77[%multiple_of3A_40] : memref<320000xi32, #tpu.memory_space<hbm>> -> memref<128xi32, #tpu.memory_space<hbm>>
        %dma_wait3A_79 = arith.constant 0 : i32
        %dma_wait3A_80 = tpu.memref_slice %arg2[%cond3A_15, %dma_wait3A_79] : memref<2x320000xi32, #tpu.memory_space<hbm>> -> memref<1x320000xi32, #tpu.memory_space<hbm>>
        %dma_wait3A_81 = tpu.memref_squeeze %dma_wait3A_80 : memref<1x320000xi32, #tpu.memory_space<hbm>> -> memref<320000xi32, #tpu.memory_space<hbm>>
        %dma_wait3A_82 = tpu.memref_slice %dma_wait3A_81[%multiple_of3A_40] : memref<320000xi32, #tpu.memory_space<hbm>> -> memref<128xi32, #tpu.memory_space<hbm>>
        tpu.wait_dma2 semaphore(%run_scoped3A : memref<!tpu.dma_semaphore, #tpu.memory_space<semaphore_mem>>) src(%dma_wait3A_82 : memref<128xi32, #tpu.memory_space<hbm>>) dst(%arg13 : memref<128xi32, #tpu.memory_space<vmem>>)
        tpu.yield
      }) : () -> ()
      "tpu.region"() ({
        %run_scoped3A = tpu.sem_alloc : memref<!tpu.dma_semaphore, #tpu.memory_space<semaphore_mem>>
        %dma_start3A_67 = arith.constant 0 : i32
        %dma_start3A_68 = tpu.memref_slice %arg2[%cond3A_16, %dma_start3A_67] : memref<2x320000xi32, #tpu.memory_space<hbm>> -> memref<1x320000xi32, #tpu.memory_space<hbm>>
        %dma_start3A_69 = tpu.memref_squeeze %dma_start3A_68 : memref<1x320000xi32, #tpu.memory_space<hbm>> -> memref<320000xi32, #tpu.memory_space<hbm>>
        %dma_start3A_70 = tpu.memref_slice %dma_start3A_69[%multiple_of3A_40] : memref<320000xi32, #tpu.memory_space<hbm>> -> memref<128xi32, #tpu.memory_space<hbm>>
        %dma_start3A_71 = arith.constant 0 : i32
        %dma_start3A_72 = tpu.memref_slice %arg2[%cond3A_16, %dma_start3A_71] : memref<2x320000xi32, #tpu.memory_space<hbm>> -> memref<1x320000xi32, #tpu.memory_space<hbm>>
        %dma_start3A_73 = tpu.memref_squeeze %dma_start3A_72 : memref<1x320000xi32, #tpu.memory_space<hbm>> -> memref<320000xi32, #tpu.memory_space<hbm>>
        %dma_start3A_74 = tpu.memref_slice %dma_start3A_73[%multiple_of3A_40] : memref<320000xi32, #tpu.memory_space<hbm>> -> memref<128xi32, #tpu.memory_space<hbm>>
        tpu.enqueue_dma source(%dma_start3A_74 : memref<128xi32, #tpu.memory_space<hbm>>) target(%arg17 : memref<128xi32, #tpu.memory_space<vmem>>) target_semaphore(%run_scoped3A : memref<!tpu.dma_semaphore, #tpu.memory_space<semaphore_mem>>)
        %dma_wait3A_75 = arith.constant 0 : i32
        %dma_wait3A_76 = tpu.memref_slice %arg2[%cond3A_16, %dma_wait3A_75] : memref<2x320000xi32, #tpu.memory_space<hbm>> -> memref<1x320000xi32, #tpu.memory_space<hbm>>
        %dma_wait3A_77 = tpu.memref_squeeze %dma_wait3A_76 : memref<1x320000xi32, #tpu.memory_space<hbm>> -> memref<320000xi32, #tpu.memory_space<hbm>>
        %dma_wait3A_78 = tpu.memref_slice %dma_wait3A_77[%multiple_of3A_40] : memref<320000xi32, #tpu.memory_space<hbm>> -> memref<128xi32, #tpu.memory_space<hbm>>
        %dma_wait3A_79 = arith.constant 0 : i32
        %dma_wait3A_80 = tpu.memref_slice %arg2[%cond3A_16, %dma_wait3A_79] : memref<2x320000xi32, #tpu.memory_space<hbm>> -> memref<1x320000xi32, #tpu.memory_space<hbm>>
        %dma_wait3A_81 = tpu.memref_squeeze %dma_wait3A_80 : memref<1x320000xi32, #tpu.memory_space<hbm>> -> memref<320000xi32, #tpu.memory_space<hbm>>
        %dma_wait3A_82 = tpu.memref_slice %dma_wait3A_81[%multiple_of3A_40] : memref<320000xi32, #tpu.memory_space<hbm>> -> memref<128xi32, #tpu.memory_space<hbm>>
        tpu.wait_dma2 semaphore(%run_scoped3A : memref<!tpu.dma_semaphore, #tpu.memory_space<semaphore_mem>>) src(%dma_wait3A_82 : memref<128xi32, #tpu.memory_space<hbm>>) dst(%arg17 : memref<128xi32, #tpu.memory_space<vmem>>)
        tpu.yield
      }) : () -> ()
      "tpu.region"() ({
        %run_scoped3A = tpu.sem_alloc : memref<!tpu.dma_semaphore, #tpu.memory_space<semaphore_mem>>
        %dma_start3A_67 = arith.constant 0 : i32
        %dma_start3A_68 = tpu.memref_slice %arg3[%multiple_of3A_40, %dma_start3A_67] : memref<320000x16xf32, #tpu.memory_space<hbm>> -> memref<128x16xf32, #tpu.memory_space<hbm>>
        %dma_start3A_69 = arith.constant 0 : i32
        %dma_start3A_70 = tpu.memref_slice %arg3[%multiple_of3A_40, %dma_start3A_69] : memref<320000x16xf32, #tpu.memory_space<hbm>> -> memref<128x16xf32, #tpu.memory_space<hbm>>
        tpu.enqueue_dma source(%dma_start3A_70 : memref<128x16xf32, #tpu.memory_space<hbm>>) target(%arg25 : memref<128x16xf32, #tpu.memory_space<vmem>>) target_semaphore(%run_scoped3A : memref<!tpu.dma_semaphore, #tpu.memory_space<semaphore_mem>>)
        %dma_wait3A_71 = arith.constant 0 : i32
        %dma_wait3A_72 = tpu.memref_slice %arg3[%multiple_of3A_40, %dma_wait3A_71] : memref<320000x16xf32, #tpu.memory_space<hbm>> -> memref<128x16xf32, #tpu.memory_space<hbm>>
        %dma_wait3A_73 = arith.constant 0 : i32
        %dma_wait3A_74 = tpu.memref_slice %arg3[%multiple_of3A_40, %dma_wait3A_73] : memref<320000x16xf32, #tpu.memory_space<hbm>> -> memref<128x16xf32, #tpu.memory_space<hbm>>
        tpu.wait_dma2 semaphore(%run_scoped3A : memref<!tpu.dma_semaphore, #tpu.memory_space<semaphore_mem>>) src(%dma_wait3A_74 : memref<128x16xf32, #tpu.memory_space<hbm>>) dst(%arg25 : memref<128x16xf32, #tpu.memory_space<vmem>>)
        tpu.yield
      }) : () -> ()
      %add3A_41 = arith.constant 1 : i32
      %add3A_42 = arith.addi %mul3A_8, %add3A_41 : i32
      %mul3A_43 = arith.constant 128 : i32
      %mul3A_44 = arith.muli %add3A_42, %mul3A_43 : i32
      %multiple_of3A_45 = tpu.assume_multiple %mul3A_44, 128 : i32
      "tpu.region"() ({
        %run_scoped3A = tpu.sem_alloc : memref<!tpu.dma_semaphore, #tpu.memory_space<semaphore_mem>>
        %dma_start3A_67 = arith.constant 0 : i32
        %dma_start3A_68 = tpu.memref_slice %arg2[%cond3A_15, %dma_start3A_67] : memref<2x320000xi32, #tpu.memory_space<hbm>> -> memref<1x320000xi32, #tpu.memory_space<hbm>>
        %dma_start3A_69 = tpu.memref_squeeze %dma_start3A_68 : memref<1x320000xi32, #tpu.memory_space<hbm>> -> memref<320000xi32, #tpu.memory_space<hbm>>
        %dma_start3A_70 = tpu.memref_slice %dma_start3A_69[%multiple_of3A_45] : memref<320000xi32, #tpu.memory_space<hbm>> -> memref<128xi32, #tpu.memory_space<hbm>>
        %dma_start3A_71 = arith.constant 0 : i32
        %dma_start3A_72 = tpu.memref_slice %arg2[%cond3A_15, %dma_start3A_71] : memref<2x320000xi32, #tpu.memory_space<hbm>> -> memref<1x320000xi32, #tpu.memory_space<hbm>>
        %dma_start3A_73 = tpu.memref_squeeze %dma_start3A_72 : memref<1x320000xi32, #tpu.memory_space<hbm>> -> memref<320000xi32, #tpu.memory_space<hbm>>
        %dma_start3A_74 = tpu.memref_slice %dma_start3A_73[%multiple_of3A_45] : memref<320000xi32, #tpu.memory_space<hbm>> -> memref<128xi32, #tpu.memory_space<hbm>>
        tpu.enqueue_dma source(%dma_start3A_74 : memref<128xi32, #tpu.memory_space<hbm>>) target(%arg14 : memref<128xi32, #tpu.memory_space<vmem>>) target_semaphore(%run_scoped3A : memref<!tpu.dma_semaphore, #tpu.memory_space<semaphore_mem>>)
        %dma_wait3A_75 = arith.constant 0 : i32
        %dma_wait3A_76 = tpu.memref_slice %arg2[%cond3A_15, %dma_wait3A_75] : memref<2x320000xi32, #tpu.memory_space<hbm>> -> memref<1x320000xi32, #tpu.memory_space<hbm>>
        %dma_wait3A_77 = tpu.memref_squeeze %dma_wait3A_76 : memref<1x320000xi32, #tpu.memory_space<hbm>> -> memref<320000xi32, #tpu.memory_space<hbm>>
        %dma_wait3A_78 = tpu.memref_slice %dma_wait3A_77[%multiple_of3A_45] : memref<320000xi32, #tpu.memory_space<hbm>> -> memref<128xi32, #tpu.memory_space<hbm>>
        %dma_wait3A_79 = arith.constant 0 : i32
        %dma_wait3A_80 = tpu.memref_slice %arg2[%cond3A_15, %dma_wait3A_79] : memref<2x320000xi32, #tpu.memory_space<hbm>> -> memref<1x320000xi32, #tpu.memory_space<hbm>>
        %dma_wait3A_81 = tpu.memref_squeeze %dma_wait3A_80 : memref<1x320000xi32, #tpu.memory_space<hbm>> -> memref<320000xi32, #tpu.memory_space<hbm>>
        %dma_wait3A_82 = tpu.memref_slice %dma_wait3A_81[%multiple_of3A_45] : memref<320000xi32, #tpu.memory_space<hbm>> -> memref<128xi32, #tpu.memory_space<hbm>>
        tpu.wait_dma2 semaphore(%run_scoped3A : memref<!tpu.dma_semaphore, #tpu.memory_space<semaphore_mem>>) src(%dma_wait3A_82 : memref<128xi32, #tpu.memory_space<hbm>>) dst(%arg14 : memref<128xi32, #tpu.memory_space<vmem>>)
        tpu.yield
      }) : () -> ()
      "tpu.region"() ({
        %run_scoped3A = tpu.sem_alloc : memref<!tpu.dma_semaphore, #tpu.memory_space<semaphore_mem>>
        %dma_start3A_67 = arith.constant 0 : i32
        %dma_start3A_68 = tpu.memref_slice %arg2[%cond3A_16, %dma_start3A_67] : memref<2x320000xi32, #tpu.memory_space<hbm>> -> memref<1x320000xi32, #tpu.memory_space<hbm>>
        %dma_start3A_69 = tpu.memref_squeeze %dma_start3A_68 : memref<1x320000xi32, #tpu.memory_space<hbm>> -> memref<320000xi32, #tpu.memory_space<hbm>>
        %dma_start3A_70 = tpu.memref_slice %dma_start3A_69[%multiple_of3A_45] : memref<320000xi32, #tpu.memory_space<hbm>> -> memref<128xi32, #tpu.memory_space<hbm>>
        %dma_start3A_71 = arith.constant 0 : i32
        %dma_start3A_72 = tpu.memref_slice %arg2[%cond3A_16, %dma_start3A_71] : memref<2x320000xi32, #tpu.memory_space<hbm>> -> memref<1x320000xi32, #tpu.memory_space<hbm>>
        %dma_start3A_73 = tpu.memref_squeeze %dma_start3A_72 : memref<1x320000xi32, #tpu.memory_space<hbm>> -> memref<320000xi32, #tpu.memory_space<hbm>>
        %dma_start3A_74 = tpu.memref_slice %dma_start3A_73[%multiple_of3A_45] : memref<320000xi32, #tpu.memory_space<hbm>> -> memref<128xi32, #tpu.memory_space<hbm>>
        tpu.enqueue_dma source(%dma_start3A_74 : memref<128xi32, #tpu.memory_space<hbm>>) target(%arg18 : memref<128xi32, #tpu.memory_space<vmem>>) target_semaphore(%run_scoped3A : memref<!tpu.dma_semaphore, #tpu.memory_space<semaphore_mem>>)
        %dma_wait3A_75 = arith.constant 0 : i32
        %dma_wait3A_76 = tpu.memref_slice %arg2[%cond3A_16, %dma_wait3A_75] : memref<2x320000xi32, #tpu.memory_space<hbm>> -> memref<1x320000xi32, #tpu.memory_space<hbm>>
        %dma_wait3A_77 = tpu.memref_squeeze %dma_wait3A_76 : memref<1x320000xi32, #tpu.memory_space<hbm>> -> memref<320000xi32, #tpu.memory_space<hbm>>
        %dma_wait3A_78 = tpu.memref_slice %dma_wait3A_77[%multiple_of3A_45] : memref<320000xi32, #tpu.memory_space<hbm>> -> memref<128xi32, #tpu.memory_space<hbm>>
        %dma_wait3A_79 = arith.constant 0 : i32
        %dma_wait3A_80 = tpu.memref_slice %arg2[%cond3A_16, %dma_wait3A_79] : memref<2x320000xi32, #tpu.memory_space<hbm>> -> memref<1x320000xi32, #tpu.memory_space<hbm>>
        %dma_wait3A_81 = tpu.memref_squeeze %dma_wait3A_80 : memref<1x320000xi32, #tpu.memory_space<hbm>> -> memref<320000xi32, #tpu.memory_space<hbm>>
        %dma_wait3A_82 = tpu.memref_slice %dma_wait3A_81[%multiple_of3A_45] : memref<320000xi32, #tpu.memory_space<hbm>> -> memref<128xi32, #tpu.memory_space<hbm>>
        tpu.wait_dma2 semaphore(%run_scoped3A : memref<!tpu.dma_semaphore, #tpu.memory_space<semaphore_mem>>) src(%dma_wait3A_82 : memref<128xi32, #tpu.memory_space<hbm>>) dst(%arg18 : memref<128xi32, #tpu.memory_space<vmem>>)
        tpu.yield
      }) : () -> ()
      "tpu.region"() ({
        %run_scoped3A = tpu.sem_alloc : memref<!tpu.dma_semaphore, #tpu.memory_space<semaphore_mem>>
        %dma_start3A_67 = arith.constant 0 : i32
        %dma_start3A_68 = tpu.memref_slice %arg3[%multiple_of3A_45, %dma_start3A_67] : memref<320000x16xf32, #tpu.memory_space<hbm>> -> memref<128x16xf32, #tpu.memory_space<hbm>>
        %dma_start3A_69 = arith.constant 0 : i32
        %dma_start3A_70 = tpu.memref_slice %arg3[%multiple_of3A_45, %dma_start3A_69] : memref<320000x16xf32, #tpu.memory_space<hbm>> -> memref<128x16xf32, #tpu.memory_space<hbm>>
        tpu.enqueue_dma source(%dma_start3A_70 : memref<128x16xf32, #tpu.memory_space<hbm>>) target(%arg26 : memref<128x16xf32, #tpu.memory_space<vmem>>) target_semaphore(%run_scoped3A : memref<!tpu.dma_semaphore, #tpu.memory_space<semaphore_mem>>)
        %dma_wait3A_71 = arith.constant 0 : i32
        %dma_wait3A_72 = tpu.memref_slice %arg3[%multiple_of3A_45, %dma_wait3A_71] : memref<320000x16xf32, #tpu.memory_space<hbm>> -> memref<128x16xf32, #tpu.memory_space<hbm>>
        %dma_wait3A_73 = arith.constant 0 : i32
        %dma_wait3A_74 = tpu.memref_slice %arg3[%multiple_of3A_45, %dma_wait3A_73] : memref<320000x16xf32, #tpu.memory_space<hbm>> -> memref<128x16xf32, #tpu.memory_space<hbm>>
        tpu.wait_dma2 semaphore(%run_scoped3A : memref<!tpu.dma_semaphore, #tpu.memory_space<semaphore_mem>>) src(%dma_wait3A_74 : memref<128x16xf32, #tpu.memory_space<hbm>>) dst(%arg26 : memref<128x16xf32, #tpu.memory_space<vmem>>)
        tpu.yield
      }) : () -> ()
      %dma_start3A = arith.constant 0 : i32
      %dma_start3A_46 = arith.constant 0 : i32
      %dma_start3A_47 = tpu.memref_slice %arg5[%dma_start3A, %dma_start3A_46] : memref<10000x64xf32, #tpu.memory_space<hbm>> -> memref<10000x64xf32, #tpu.memory_space<hbm>>
      tpu.enqueue_indirect_dma source(%dma_start3A_47 : memref<10000x64xf32, #tpu.memory_space<hbm>>) target(%arg21 : memref<128x64xf32, #tpu.memory_space<vmem>>) offsets(%arg17 : memref<128xi32, #tpu.memory_space<vmem>>) semaphore(%arg31 : memref<!tpu.dma_semaphore, #tpu.memory_space<semaphore_mem>>)
      %dma_start3A_48 = arith.constant 0 : i32
      %dma_start3A_49 = arith.constant 0 : i32
      %dma_start3A_50 = tpu.memref_slice %arg5[%dma_start3A_48, %dma_start3A_49] : memref<10000x64xf32, #tpu.memory_space<hbm>> -> memref<10000x64xf32, #tpu.memory_space<hbm>>
      tpu.enqueue_indirect_dma source(%dma_start3A_50 : memref<10000x64xf32, #tpu.memory_space<hbm>>) target(%arg22 : memref<128x64xf32, #tpu.memory_space<vmem>>) offsets(%arg18 : memref<128xi32, #tpu.memory_space<vmem>>) semaphore(%arg31 : memref<!tpu.dma_semaphore, #tpu.memory_space<semaphore_mem>>)
      %while3A = arith.constant 0 : i32
      %while3A_51 = arith.constant 0 : i32
      %while3A_52 = arith.subi %select_n3A, %while3A : i32
      %while3A_53 = arith.addi %while3A, %while3A_52 : i32
      %while3A_54 = arith.constant 1 : i32
      %while3A_55 = arith.divsi %while3A_52, %while3A_54 : i32
      %while3A_56 = arith.muli %while3A_55, %while3A_54 : i32
      %while3A_57 = arith.addi %while3A, %while3A_56 : i32
      %while3A_58 = arith.constant 1 : i32
      %while3A_59 = scf.for %while3A_67 = %while3A to %while3A_57 step %while3A_58 iter_args(%while3A_68 = %while3A_51) -> (i32)  : i32 {
        %mul3A_69 = arith.constant 4 : i32
        %mul3A_70 = arith.muli %while3A_67, %mul3A_69 : i32
        %add3A_71 = arith.addi %mul3A_8, %mul3A_70 : i32
        %add3A_72 = arith.constant 2 : i32
        %add3A_73 = arith.addi %add3A_71, %add3A_72 : i32
        %add3A_74 = arith.constant 0 : i32
        %add3A_75 = arith.addi %add3A_73, %add3A_74 : i32
        %mul3A_76 = arith.constant 128 : i32
        %mul3A_77 = arith.muli %add3A_75, %mul3A_76 : i32
        %multiple_of3A_78 = tpu.assume_multiple %mul3A_77, 128 : i32
        "tpu.region"() ({
          %run_scoped3A = tpu.sem_alloc : memref<!tpu.dma_semaphore, #tpu.memory_space<semaphore_mem>>
          %dma_start3A_125 = arith.constant 0 : i32
          %dma_start3A_126 = tpu.memref_slice %arg2[%cond3A_15, %dma_start3A_125] : memref<2x320000xi32, #tpu.memory_space<hbm>> -> memref<1x320000xi32, #tpu.memory_space<hbm>>
          %dma_start3A_127 = tpu.memref_squeeze %dma_start3A_126 : memref<1x320000xi32, #tpu.memory_space<hbm>> -> memref<320000xi32, #tpu.memory_space<hbm>>
          %dma_start3A_128 = tpu.memref_slice %dma_start3A_127[%multiple_of3A_78] : memref<320000xi32, #tpu.memory_space<hbm>> -> memref<128xi32, #tpu.memory_space<hbm>>
          %dma_start3A_129 = arith.constant 0 : i32
          %dma_start3A_130 = tpu.memref_slice %arg2[%cond3A_15, %dma_start3A_129] : memref<2x320000xi32, #tpu.memory_space<hbm>> -> memref<1x320000xi32, #tpu.memory_space<hbm>>
          %dma_start3A_131 = tpu.memref_squeeze %dma_start3A_130 : memref<1x320000xi32, #tpu.memory_space<hbm>> -> memref<320000xi32, #tpu.memory_space<hbm>>
          %dma_start3A_132 = tpu.memref_slice %dma_start3A_131[%multiple_of3A_78] : memref<320000xi32, #tpu.memory_space<hbm>> -> memref<128xi32, #tpu.memory_space<hbm>>
          tpu.enqueue_dma source(%dma_start3A_132 : memref<128xi32, #tpu.memory_space<hbm>>) target(%arg15 : memref<128xi32, #tpu.memory_space<vmem>>) target_semaphore(%run_scoped3A : memref<!tpu.dma_semaphore, #tpu.memory_space<semaphore_mem>>)
          %dma_wait3A_133 = arith.constant 0 : i32
          %dma_wait3A_134 = tpu.memref_slice %arg2[%cond3A_15, %dma_wait3A_133] : memref<2x320000xi32, #tpu.memory_space<hbm>> -> memref<1x320000xi32, #tpu.memory_space<hbm>>
          %dma_wait3A_135 = tpu.memref_squeeze %dma_wait3A_134 : memref<1x320000xi32, #tpu.memory_space<hbm>> -> memref<320000xi32, #tpu.memory_space<hbm>>
          %dma_wait3A_136 = tpu.memref_slice %dma_wait3A_135[%multiple_of3A_78] : memref<320000xi32, #tpu.memory_space<hbm>> -> memref<128xi32, #tpu.memory_space<hbm>>
          %dma_wait3A_137 = arith.constant 0 : i32
          %dma_wait3A_138 = tpu.memref_slice %arg2[%cond3A_15, %dma_wait3A_137] : memref<2x320000xi32, #tpu.memory_space<hbm>> -> memref<1x320000xi32, #tpu.memory_space<hbm>>
          %dma_wait3A_139 = tpu.memref_squeeze %dma_wait3A_138 : memref<1x320000xi32, #tpu.memory_space<hbm>> -> memref<320000xi32, #tpu.memory_space<hbm>>
          %dma_wait3A_140 = tpu.memref_slice %dma_wait3A_139[%multiple_of3A_78] : memref<320000xi32, #tpu.memory_space<hbm>> -> memref<128xi32, #tpu.memory_space<hbm>>
          tpu.wait_dma2 semaphore(%run_scoped3A : memref<!tpu.dma_semaphore, #tpu.memory_space<semaphore_mem>>) src(%dma_wait3A_140 : memref<128xi32, #tpu.memory_space<hbm>>) dst(%arg15 : memref<128xi32, #tpu.memory_space<vmem>>)
          tpu.yield
        }) : () -> ()
        "tpu.region"() ({
          %run_scoped3A = tpu.sem_alloc : memref<!tpu.dma_semaphore, #tpu.memory_space<semaphore_mem>>
          %dma_start3A_125 = arith.constant 0 : i32
          %dma_start3A_126 = tpu.memref_slice %arg2[%cond3A_16, %dma_start3A_125] : memref<2x320000xi32, #tpu.memory_space<hbm>> -> memref<1x320000xi32, #tpu.memory_space<hbm>>
          %dma_start3A_127 = tpu.memref_squeeze %dma_start3A_126 : memref<1x320000xi32, #tpu.memory_space<hbm>> -> memref<320000xi32, #tpu.memory_space<hbm>>
          %dma_start3A_128 = tpu.memref_slice %dma_start3A_127[%multiple_of3A_78] : memref<320000xi32, #tpu.memory_space<hbm>> -> memref<128xi32, #tpu.memory_space<hbm>>
          %dma_start3A_129 = arith.constant 0 : i32
          %dma_start3A_130 = tpu.memref_slice %arg2[%cond3A_16, %dma_start3A_129] : memref<2x320000xi32, #tpu.memory_space<hbm>> -> memref<1x320000xi32, #tpu.memory_space<hbm>>
          %dma_start3A_131 = tpu.memref_squeeze %dma_start3A_130 : memref<1x320000xi32, #tpu.memory_space<hbm>> -> memref<320000xi32, #tpu.memory_space<hbm>>
          %dma_start3A_132 = tpu.memref_slice %dma_start3A_131[%multiple_of3A_78] : memref<320000xi32, #tpu.memory_space<hbm>> -> memref<128xi32, #tpu.memory_space<hbm>>
          tpu.enqueue_dma source(%dma_start3A_132 : memref<128xi32, #tpu.memory_space<hbm>>) target(%arg19 : memref<128xi32, #tpu.memory_space<vmem>>) target_semaphore(%run_scoped3A : memref<!tpu.dma_semaphore, #tpu.memory_space<semaphore_mem>>)
          %dma_wait3A_133 = arith.constant 0 : i32
          %dma_wait3A_134 = tpu.memref_slice %arg2[%cond3A_16, %dma_wait3A_133] : memref<2x320000xi32, #tpu.memory_space<hbm>> -> memref<1x320000xi32, #tpu.memory_space<hbm>>
          %dma_wait3A_135 = tpu.memref_squeeze %dma_wait3A_134 : memref<1x320000xi32, #tpu.memory_space<hbm>> -> memref<320000xi32, #tpu.memory_space<hbm>>
          %dma_wait3A_136 = tpu.memref_slice %dma_wait3A_135[%multiple_of3A_78] : memref<320000xi32, #tpu.memory_space<hbm>> -> memref<128xi32, #tpu.memory_space<hbm>>
          %dma_wait3A_137 = arith.constant 0 : i32
          %dma_wait3A_138 = tpu.memref_slice %arg2[%cond3A_16, %dma_wait3A_137] : memref<2x320000xi32, #tpu.memory_space<hbm>> -> memref<1x320000xi32, #tpu.memory_space<hbm>>
          %dma_wait3A_139 = tpu.memref_squeeze %dma_wait3A_138 : memref<1x320000xi32, #tpu.memory_space<hbm>> -> memref<320000xi32, #tpu.memory_space<hbm>>
          %dma_wait3A_140 = tpu.memref_slice %dma_wait3A_139[%multiple_of3A_78] : memref<320000xi32, #tpu.memory_space<hbm>> -> memref<128xi32, #tpu.memory_space<hbm>>
          tpu.wait_dma2 semaphore(%run_scoped3A : memref<!tpu.dma_semaphore, #tpu.memory_space<semaphore_mem>>) src(%dma_wait3A_140 : memref<128xi32, #tpu.memory_space<hbm>>) dst(%arg19 : memref<128xi32, #tpu.memory_space<vmem>>)
          tpu.yield
        }) : () -> ()
        "tpu.region"() ({
          %run_scoped3A = tpu.sem_alloc : memref<!tpu.dma_semaphore, #tpu.memory_space<semaphore_mem>>
          %dma_start3A_125 = arith.constant 0 : i32
          %dma_start3A_126 = tpu.memref_slice %arg3[%multiple_of3A_78, %dma_start3A_125] : memref<320000x16xf32, #tpu.memory_space<hbm>> -> memref<128x16xf32, #tpu.memory_space<hbm>>
          %dma_start3A_127 = arith.constant 0 : i32
          %dma_start3A_128 = tpu.memref_slice %arg3[%multiple_of3A_78, %dma_start3A_127] : memref<320000x16xf32, #tpu.memory_space<hbm>> -> memref<128x16xf32, #tpu.memory_space<hbm>>
          tpu.enqueue_dma source(%dma_start3A_128 : memref<128x16xf32, #tpu.memory_space<hbm>>) target(%arg27 : memref<128x16xf32, #tpu.memory_space<vmem>>) target_semaphore(%run_scoped3A : memref<!tpu.dma_semaphore, #tpu.memory_space<semaphore_mem>>)
          %dma_wait3A_129 = arith.constant 0 : i32
          %dma_wait3A_130 = tpu.memref_slice %arg3[%multiple_of3A_78, %dma_wait3A_129] : memref<320000x16xf32, #tpu.memory_space<hbm>> -> memref<128x16xf32, #tpu.memory_space<hbm>>
          %dma_wait3A_131 = arith.constant 0 : i32
          %dma_wait3A_132 = tpu.memref_slice %arg3[%multiple_of3A_78, %dma_wait3A_131] : memref<320000x16xf32, #tpu.memory_space<hbm>> -> memref<128x16xf32, #tpu.memory_space<hbm>>
          tpu.wait_dma2 semaphore(%run_scoped3A : memref<!tpu.dma_semaphore, #tpu.memory_space<semaphore_mem>>) src(%dma_wait3A_132 : memref<128x16xf32, #tpu.memory_space<hbm>>) dst(%arg27 : memref<128x16xf32, #tpu.memory_space<vmem>>)
          tpu.yield
        }) : () -> ()
        %add3A_79 = arith.constant 1 : i32
        %add3A_80 = arith.addi %add3A_73, %add3A_79 : i32
        %mul3A_81 = arith.constant 128 : i32
        %mul3A_82 = arith.muli %add3A_80, %mul3A_81 : i32
        %multiple_of3A_83 = tpu.assume_multiple %mul3A_82, 128 : i32
        "tpu.region"() ({
          %run_scoped3A = tpu.sem_alloc : memref<!tpu.dma_semaphore, #tpu.memory_space<semaphore_mem>>
          %dma_start3A_125 = arith.constant 0 : i32
          %dma_start3A_126 = tpu.memref_slice %arg2[%cond3A_15, %dma_start3A_125] : memref<2x320000xi32, #tpu.memory_space<hbm>> -> memref<1x320000xi32, #tpu.memory_space<hbm>>
          %dma_start3A_127 = tpu.memref_squeeze %dma_start3A_126 : memref<1x320000xi32, #tpu.memory_space<hbm>> -> memref<320000xi32, #tpu.memory_space<hbm>>
          %dma_start3A_128 = tpu.memref_slice %dma_start3A_127[%multiple_of3A_83] : memref<320000xi32, #tpu.memory_space<hbm>> -> memref<128xi32, #tpu.memory_space<hbm>>
          %dma_start3A_129 = arith.constant 0 : i32
          %dma_start3A_130 = tpu.memref_slice %arg2[%cond3A_15, %dma_start3A_129] : memref<2x320000xi32, #tpu.memory_space<hbm>> -> memref<1x320000xi32, #tpu.memory_space<hbm>>
          %dma_start3A_131 = tpu.memref_squeeze %dma_start3A_130 : memref<1x320000xi32, #tpu.memory_space<hbm>> -> memref<320000xi32, #tpu.memory_space<hbm>>
          %dma_start3A_132 = tpu.memref_slice %dma_start3A_131[%multiple_of3A_83] : memref<320000xi32, #tpu.memory_space<hbm>> -> memref<128xi32, #tpu.memory_space<hbm>>
          tpu.enqueue_dma source(%dma_start3A_132 : memref<128xi32, #tpu.memory_space<hbm>>) target(%arg16 : memref<128xi32, #tpu.memory_space<vmem>>) target_semaphore(%run_scoped3A : memref<!tpu.dma_semaphore, #tpu.memory_space<semaphore_mem>>)
          %dma_wait3A_133 = arith.constant 0 : i32
          %dma_wait3A_134 = tpu.memref_slice %arg2[%cond3A_15, %dma_wait3A_133] : memref<2x320000xi32, #tpu.memory_space<hbm>> -> memref<1x320000xi32, #tpu.memory_space<hbm>>
          %dma_wait3A_135 = tpu.memref_squeeze %dma_wait3A_134 : memref<1x320000xi32, #tpu.memory_space<hbm>> -> memref<320000xi32, #tpu.memory_space<hbm>>
          %dma_wait3A_136 = tpu.memref_slice %dma_wait3A_135[%multiple_of3A_83] : memref<320000xi32, #tpu.memory_space<hbm>> -> memref<128xi32, #tpu.memory_space<hbm>>
          %dma_wait3A_137 = arith.constant 0 : i32
          %dma_wait3A_138 = tpu.memref_slice %arg2[%cond3A_15, %dma_wait3A_137] : memref<2x320000xi32, #tpu.memory_space<hbm>> -> memref<1x320000xi32, #tpu.memory_space<hbm>>
          %dma_wait3A_139 = tpu.memref_squeeze %dma_wait3A_138 : memref<1x320000xi32, #tpu.memory_space<hbm>> -> memref<320000xi32, #tpu.memory_space<hbm>>
          %dma_wait3A_140 = tpu.memref_slice %dma_wait3A_139[%multiple_of3A_83] : memref<320000xi32, #tpu.memory_space<hbm>> -> memref<128xi32, #tpu.memory_space<hbm>>
          tpu.wait_dma2 semaphore(%run_scoped3A : memref<!tpu.dma_semaphore, #tpu.memory_space<semaphore_mem>>) src(%dma_wait3A_140 : memref<128xi32, #tpu.memory_space<hbm>>) dst(%arg16 : memref<128xi32, #tpu.memory_space<vmem>>)
          tpu.yield
        }) : () -> ()
        "tpu.region"() ({
          %run_scoped3A = tpu.sem_alloc : memref<!tpu.dma_semaphore, #tpu.memory_space<semaphore_mem>>
          %dma_start3A_125 = arith.constant 0 : i32
          %dma_start3A_126 = tpu.memref_slice %arg2[%cond3A_16, %dma_start3A_125] : memref<2x320000xi32, #tpu.memory_space<hbm>> -> memref<1x320000xi32, #tpu.memory_space<hbm>>
          %dma_start3A_127 = tpu.memref_squeeze %dma_start3A_126 : memref<1x320000xi32, #tpu.memory_space<hbm>> -> memref<320000xi32, #tpu.memory_space<hbm>>
          %dma_start3A_128 = tpu.memref_slice %dma_start3A_127[%multiple_of3A_83] : memref<320000xi32, #tpu.memory_space<hbm>> -> memref<128xi32, #tpu.memory_space<hbm>>
          %dma_start3A_129 = arith.constant 0 : i32
          %dma_start3A_130 = tpu.memref_slice %arg2[%cond3A_16, %dma_start3A_129] : memref<2x320000xi32, #tpu.memory_space<hbm>> -> memref<1x320000xi32, #tpu.memory_space<hbm>>
          %dma_start3A_131 = tpu.memref_squeeze %dma_start3A_130 : memref<1x320000xi32, #tpu.memory_space<hbm>> -> memref<320000xi32, #tpu.memory_space<hbm>>
          %dma_start3A_132 = tpu.memref_slice %dma_start3A_131[%multiple_of3A_83] : memref<320000xi32, #tpu.memory_space<hbm>> -> memref<128xi32, #tpu.memory_space<hbm>>
          tpu.enqueue_dma source(%dma_start3A_132 : memref<128xi32, #tpu.memory_space<hbm>>) target(%arg20 : memref<128xi32, #tpu.memory_space<vmem>>) target_semaphore(%run_scoped3A : memref<!tpu.dma_semaphore, #tpu.memory_space<semaphore_mem>>)
          %dma_wait3A_133 = arith.constant 0 : i32
          %dma_wait3A_134 = tpu.memref_slice %arg2[%cond3A_16, %dma_wait3A_133] : memref<2x320000xi32, #tpu.memory_space<hbm>> -> memref<1x320000xi32, #tpu.memory_space<hbm>>
          %dma_wait3A_135 = tpu.memref_squeeze %dma_wait3A_134 : memref<1x320000xi32, #tpu.memory_space<hbm>> -> memref<320000xi32, #tpu.memory_space<hbm>>
          %dma_wait3A_136 = tpu.memref_slice %dma_wait3A_135[%multiple_of3A_83] : memref<320000xi32, #tpu.memory_space<hbm>> -> memref<128xi32, #tpu.memory_space<hbm>>
          %dma_wait3A_137 = arith.constant 0 : i32
          %dma_wait3A_138 = tpu.memref_slice %arg2[%cond3A_16, %dma_wait3A_137] : memref<2x320000xi32, #tpu.memory_space<hbm>> -> memref<1x320000xi32, #tpu.memory_space<hbm>>
          %dma_wait3A_139 = tpu.memref_squeeze %dma_wait3A_138 : memref<1x320000xi32, #tpu.memory_space<hbm>> -> memref<320000xi32, #tpu.memory_space<hbm>>
          %dma_wait3A_140 = tpu.memref_slice %dma_wait3A_139[%multiple_of3A_83] : memref<320000xi32, #tpu.memory_space<hbm>> -> memref<128xi32, #tpu.memory_space<hbm>>
          tpu.wait_dma2 semaphore(%run_scoped3A : memref<!tpu.dma_semaphore, #tpu.memory_space<semaphore_mem>>) src(%dma_wait3A_140 : memref<128xi32, #tpu.memory_space<hbm>>) dst(%arg20 : memref<128xi32, #tpu.memory_space<vmem>>)
          tpu.yield
        }) : () -> ()
        "tpu.region"() ({
          %run_scoped3A = tpu.sem_alloc : memref<!tpu.dma_semaphore, #tpu.memory_space<semaphore_mem>>
          %dma_start3A_125 = arith.constant 0 : i32
          %dma_start3A_126 = tpu.memref_slice %arg3[%multiple_of3A_83, %dma_start3A_125] : memref<320000x16xf32, #tpu.memory_space<hbm>> -> memref<128x16xf32, #tpu.memory_space<hbm>>
          %dma_start3A_127 = arith.constant 0 : i32
          %dma_start3A_128 = tpu.memref_slice %arg3[%multiple_of3A_83, %dma_start3A_127] : memref<320000x16xf32, #tpu.memory_space<hbm>> -> memref<128x16xf32, #tpu.memory_space<hbm>>
          tpu.enqueue_dma source(%dma_start3A_128 : memref<128x16xf32, #tpu.memory_space<hbm>>) target(%arg28 : memref<128x16xf32, #tpu.memory_space<vmem>>) target_semaphore(%run_scoped3A : memref<!tpu.dma_semaphore, #tpu.memory_space<semaphore_mem>>)
          %dma_wait3A_129 = arith.constant 0 : i32
          %dma_wait3A_130 = tpu.memref_slice %arg3[%multiple_of3A_83, %dma_wait3A_129] : memref<320000x16xf32, #tpu.memory_space<hbm>> -> memref<128x16xf32, #tpu.memory_space<hbm>>
          %dma_wait3A_131 = arith.constant 0 : i32
          %dma_wait3A_132 = tpu.memref_slice %arg3[%multiple_of3A_83, %dma_wait3A_131] : memref<320000x16xf32, #tpu.memory_space<hbm>> -> memref<128x16xf32, #tpu.memory_space<hbm>>
          tpu.wait_dma2 semaphore(%run_scoped3A : memref<!tpu.dma_semaphore, #tpu.memory_space<semaphore_mem>>) src(%dma_wait3A_132 : memref<128x16xf32, #tpu.memory_space<hbm>>) dst(%arg28 : memref<128x16xf32, #tpu.memory_space<vmem>>)
          tpu.yield
        }) : () -> ()
        %dma_start3A_84 = arith.constant 0 : i32
        %dma_start3A_85 = arith.constant 0 : i32
        %dma_start3A_86 = tpu.memref_slice %arg5[%dma_start3A_84, %dma_start3A_85] : memref<10000x64xf32, #tpu.memory_space<hbm>> -> memref<10000x64xf32, #tpu.memory_space<hbm>>
        tpu.enqueue_indirect_dma source(%dma_start3A_86 : memref<10000x64xf32, #tpu.memory_space<hbm>>) target(%arg23 : memref<128x64xf32, #tpu.memory_space<vmem>>) offsets(%arg19 : memref<128xi32, #tpu.memory_space<vmem>>) semaphore(%arg32 : memref<!tpu.dma_semaphore, #tpu.memory_space<semaphore_mem>>)
        %dma_start3A_87 = arith.constant 0 : i32
        %dma_start3A_88 = arith.constant 0 : i32
        %dma_start3A_89 = tpu.memref_slice %arg5[%dma_start3A_87, %dma_start3A_88] : memref<10000x64xf32, #tpu.memory_space<hbm>> -> memref<10000x64xf32, #tpu.memory_space<hbm>>
        tpu.enqueue_indirect_dma source(%dma_start3A_89 : memref<10000x64xf32, #tpu.memory_space<hbm>>) target(%arg24 : memref<128x64xf32, #tpu.memory_space<vmem>>) offsets(%arg20 : memref<128xi32, #tpu.memory_space<vmem>>) semaphore(%arg32 : memref<!tpu.dma_semaphore, #tpu.memory_space<semaphore_mem>>)
        %dma_wait3A_90 = arith.constant 0 : i32
        %dma_wait3A_91 = arith.constant 0 : i32
        %dma_wait3A_92 = tpu.memref_slice %arg5[%dma_wait3A_90, %dma_wait3A_91] : memref<10000x64xf32, #tpu.memory_space<hbm>> -> memref<10000x64xf32, #tpu.memory_space<hbm>>
        tpu.wait_indirect_dma semaphore(%arg31 : memref<!tpu.dma_semaphore, #tpu.memory_space<semaphore_mem>>) src(%dma_wait3A_92 : memref<10000x64xf32, #tpu.memory_space<hbm>>) dst(%arg21 : memref<128x64xf32, #tpu.memory_space<vmem>>)
        %dma_wait3A_93 = arith.constant 0 : i32
        %dma_wait3A_94 = arith.constant 0 : i32
        %dma_wait3A_95 = tpu.memref_slice %arg5[%dma_wait3A_93, %dma_wait3A_94] : memref<10000x64xf32, #tpu.memory_space<hbm>> -> memref<10000x64xf32, #tpu.memory_space<hbm>>
        tpu.wait_indirect_dma semaphore(%arg31 : memref<!tpu.dma_semaphore, #tpu.memory_space<semaphore_mem>>) src(%dma_wait3A_95 : memref<10000x64xf32, #tpu.memory_space<hbm>>) dst(%arg22 : memref<128x64xf32, #tpu.memory_space<vmem>>)
        "tpu.region"() ({
          %run_scoped3A = tpu.sem_alloc : memref<!tpu.dma_semaphore, #tpu.memory_space<semaphore_mem>>
          %dma_start3A_125 = arith.constant 0 : i32
          %dma_start3A_126 = arith.constant 0 : i32
          %dma_start3A_127 = tpu.memref_slice %arg29[%dma_start3A_125, %dma_start3A_126] : memref<10000x64xf32, #tpu.memory_space<vmem_shared>> -> memref<10000x64xf32, #tpu.memory_space<vmem_shared>>
          tpu.enqueue_indirect_dma source(%arg21 : memref<128x64xf32, #tpu.memory_space<vmem>>) target(%dma_start3A_127 : memref<10000x64xf32, #tpu.memory_space<vmem_shared>>) offsets(%arg13 : memref<128xi32, #tpu.memory_space<vmem>>) semaphore(%run_scoped3A : memref<!tpu.dma_semaphore, #tpu.memory_space<semaphore_mem>>) {add = true}
          %dma_wait3A_128 = arith.constant 0 : i32
          %dma_wait3A_129 = arith.constant 0 : i32
          %dma_wait3A_130 = tpu.memref_slice %arg29[%dma_wait3A_128, %dma_wait3A_129] : memref<10000x64xf32, #tpu.memory_space<vmem_shared>> -> memref<10000x64xf32, #tpu.memory_space<vmem_shared>>
          tpu.wait_indirect_dma semaphore(%run_scoped3A : memref<!tpu.dma_semaphore, #tpu.memory_space<semaphore_mem>>) src(%arg21 : memref<128x64xf32, #tpu.memory_space<vmem>>) dst(%dma_wait3A_130 : memref<10000x64xf32, #tpu.memory_space<vmem_shared>>)
          tpu.yield
        }) : () -> ()
        "tpu.region"() ({
          %run_scoped3A = tpu.sem_alloc : memref<!tpu.dma_semaphore, #tpu.memory_space<semaphore_mem>>
          %dma_start3A_125 = arith.constant 0 : i32
          %dma_start3A_126 = arith.constant 0 : i32
          %dma_start3A_127 = tpu.memref_slice %arg30[%dma_start3A_125, %dma_start3A_126] : memref<10000x16xf32, #tpu.memory_space<vmem_shared>> -> memref<10000x16xf32, #tpu.memory_space<vmem_shared>>
          tpu.enqueue_indirect_dma source(%arg25 : memref<128x16xf32, #tpu.memory_space<vmem>>) target(%dma_start3A_127 : memref<10000x16xf32, #tpu.memory_space<vmem_shared>>) offsets(%arg13 : memref<128xi32, #tpu.memory_space<vmem>>) semaphore(%run_scoped3A : memref<!tpu.dma_semaphore, #tpu.memory_space<semaphore_mem>>) {add = true}
          %dma_wait3A_128 = arith.constant 0 : i32
          %dma_wait3A_129 = arith.constant 0 : i32
          %dma_wait3A_130 = tpu.memref_slice %arg30[%dma_wait3A_128, %dma_wait3A_129] : memref<10000x16xf32, #tpu.memory_space<vmem_shared>> -> memref<10000x16xf32, #tpu.memory_space<vmem_shared>>
          tpu.wait_indirect_dma semaphore(%run_scoped3A : memref<!tpu.dma_semaphore, #tpu.memory_space<semaphore_mem>>) src(%arg25 : memref<128x16xf32, #tpu.memory_space<vmem>>) dst(%dma_wait3A_130 : memref<10000x16xf32, #tpu.memory_space<vmem_shared>>)
          tpu.yield
        }) : () -> ()
        "tpu.region"() ({
          %run_scoped3A = tpu.sem_alloc : memref<!tpu.dma_semaphore, #tpu.memory_space<semaphore_mem>>
          %dma_start3A_125 = arith.constant 0 : i32
          %dma_start3A_126 = arith.constant 0 : i32
          %dma_start3A_127 = tpu.memref_slice %arg29[%dma_start3A_125, %dma_start3A_126] : memref<10000x64xf32, #tpu.memory_space<vmem_shared>> -> memref<10000x64xf32, #tpu.memory_space<vmem_shared>>
          tpu.enqueue_indirect_dma source(%arg22 : memref<128x64xf32, #tpu.memory_space<vmem>>) target(%dma_start3A_127 : memref<10000x64xf32, #tpu.memory_space<vmem_shared>>) offsets(%arg14 : memref<128xi32, #tpu.memory_space<vmem>>) semaphore(%run_scoped3A : memref<!tpu.dma_semaphore, #tpu.memory_space<semaphore_mem>>) {add = true}
          %dma_wait3A_128 = arith.constant 0 : i32
          %dma_wait3A_129 = arith.constant 0 : i32
          %dma_wait3A_130 = tpu.memref_slice %arg29[%dma_wait3A_128, %dma_wait3A_129] : memref<10000x64xf32, #tpu.memory_space<vmem_shared>> -> memref<10000x64xf32, #tpu.memory_space<vmem_shared>>
          tpu.wait_indirect_dma semaphore(%run_scoped3A : memref<!tpu.dma_semaphore, #tpu.memory_space<semaphore_mem>>) src(%arg22 : memref<128x64xf32, #tpu.memory_space<vmem>>) dst(%dma_wait3A_130 : memref<10000x64xf32, #tpu.memory_space<vmem_shared>>)
          tpu.yield
        }) : () -> ()
        "tpu.region"() ({
          %run_scoped3A = tpu.sem_alloc : memref<!tpu.dma_semaphore, #tpu.memory_space<semaphore_mem>>
          %dma_start3A_125 = arith.constant 0 : i32
          %dma_start3A_126 = arith.constant 0 : i32
          %dma_start3A_127 = tpu.memref_slice %arg30[%dma_start3A_125, %dma_start3A_126] : memref<10000x16xf32, #tpu.memory_space<vmem_shared>> -> memref<10000x16xf32, #tpu.memory_space<vmem_shared>>
          tpu.enqueue_indirect_dma source(%arg26 : memref<128x16xf32, #tpu.memory_space<vmem>>) target(%dma_start3A_127 : memref<10000x16xf32, #tpu.memory_space<vmem_shared>>) offsets(%arg14 : memref<128xi32, #tpu.memory_space<vmem>>) semaphore(%run_scoped3A : memref<!tpu.dma_semaphore, #tpu.memory_space<semaphore_mem>>) {add = true}
          %dma_wait3A_128 = arith.constant 0 : i32
          %dma_wait3A_129 = arith.constant 0 : i32
          %dma_wait3A_130 = tpu.memref_slice %arg30[%dma_wait3A_128, %dma_wait3A_129] : memref<10000x16xf32, #tpu.memory_space<vmem_shared>> -> memref<10000x16xf32, #tpu.memory_space<vmem_shared>>
          tpu.wait_indirect_dma semaphore(%run_scoped3A : memref<!tpu.dma_semaphore, #tpu.memory_space<semaphore_mem>>) src(%arg26 : memref<128x16xf32, #tpu.memory_space<vmem>>) dst(%dma_wait3A_130 : memref<10000x16xf32, #tpu.memory_space<vmem_shared>>)
          tpu.yield
        }) : () -> ()
        %add3A_96 = arith.constant 1 : i32
        %add3A_97 = arith.addi %while3A_67, %add3A_96 : i32
        %lt3A_98 = arith.cmpi slt, %add3A_97, %select_n3A : i32
        %add3A_99 = arith.constant 4 : i32
        %add3A_100 = arith.addi %add3A_71, %add3A_99 : i32
        %select_n3A_101 = arith.select %lt3A_98, %add3A_100, %mul3A_8 : i32
        %add3A_102 = arith.constant 0 : i32
        %add3A_103 = arith.addi %select_n3A_101, %add3A_102 : i32
        %mul3A_104 = arith.constant 128 : i32
        %mul3A_105 = arith.muli %add3A_103, %mul3A_104 : i32
        %multiple_of3A_106 = tpu.assume_multiple %mul3A_105, 128 : i32
        "tpu.region"() ({
          %run_scoped3A = tpu.sem_alloc : memref<!tpu.dma_semaphore, #tpu.memory_space<semaphore_mem>>
          %dma_start3A_125 = arith.constant 0 : i32
          %dma_start3A_126 = tpu.memref_slice %arg2[%cond3A_15, %dma_start3A_125] : memref<2x320000xi32, #tpu.memory_space<hbm>> -> memref<1x320000xi32, #tpu.memory_space<hbm>>
          %dma_start3A_127 = tpu.memref_squeeze %dma_start3A_126 : memref<1x320000xi32, #tpu.memory_space<hbm>> -> memref<320000xi32, #tpu.memory_space<hbm>>
          %dma_start3A_128 = tpu.memref_slice %dma_start3A_127[%multiple_of3A_106] : memref<320000xi32, #tpu.memory_space<hbm>> -> memref<128xi32, #tpu.memory_space<hbm>>
          %dma_start3A_129 = arith.constant 0 : i32
          %dma_start3A_130 = tpu.memref_slice %arg2[%cond3A_15, %dma_start3A_129] : memref<2x320000xi32, #tpu.memory_space<hbm>> -> memref<1x320000xi32, #tpu.memory_space<hbm>>
          %dma_start3A_131 = tpu.memref_squeeze %dma_start3A_130 : memref<1x320000xi32, #tpu.memory_space<hbm>> -> memref<320000xi32, #tpu.memory_space<hbm>>
          %dma_start3A_132 = tpu.memref_slice %dma_start3A_131[%multiple_of3A_106] : memref<320000xi32, #tpu.memory_space<hbm>> -> memref<128xi32, #tpu.memory_space<hbm>>
          tpu.enqueue_dma source(%dma_start3A_132 : memref<128xi32, #tpu.memory_space<hbm>>) target(%arg13 : memref<128xi32, #tpu.memory_space<vmem>>) target_semaphore(%run_scoped3A : memref<!tpu.dma_semaphore, #tpu.memory_space<semaphore_mem>>)
          %dma_wait3A_133 = arith.constant 0 : i32
          %dma_wait3A_134 = tpu.memref_slice %arg2[%cond3A_15, %dma_wait3A_133] : memref<2x320000xi32, #tpu.memory_space<hbm>> -> memref<1x320000xi32, #tpu.memory_space<hbm>>
          %dma_wait3A_135 = tpu.memref_squeeze %dma_wait3A_134 : memref<1x320000xi32, #tpu.memory_space<hbm>> -> memref<320000xi32, #tpu.memory_space<hbm>>
          %dma_wait3A_136 = tpu.memref_slice %dma_wait3A_135[%multiple_of3A_106] : memref<320000xi32, #tpu.memory_space<hbm>> -> memref<128xi32, #tpu.memory_space<hbm>>
          %dma_wait3A_137 = arith.constant 0 : i32
          %dma_wait3A_138 = tpu.memref_slice %arg2[%cond3A_15, %dma_wait3A_137] : memref<2x320000xi32, #tpu.memory_space<hbm>> -> memref<1x320000xi32, #tpu.memory_space<hbm>>
          %dma_wait3A_139 = tpu.memref_squeeze %dma_wait3A_138 : memref<1x320000xi32, #tpu.memory_space<hbm>> -> memref<320000xi32, #tpu.memory_space<hbm>>
          %dma_wait3A_140 = tpu.memref_slice %dma_wait3A_139[%multiple_of3A_106] : memref<320000xi32, #tpu.memory_space<hbm>> -> memref<128xi32, #tpu.memory_space<hbm>>
          tpu.wait_dma2 semaphore(%run_scoped3A : memref<!tpu.dma_semaphore, #tpu.memory_space<semaphore_mem>>) src(%dma_wait3A_140 : memref<128xi32, #tpu.memory_space<hbm>>) dst(%arg13 : memref<128xi32, #tpu.memory_space<vmem>>)
          tpu.yield
        }) : () -> ()
        "tpu.region"() ({
          %run_scoped3A = tpu.sem_alloc : memref<!tpu.dma_semaphore, #tpu.memory_space<semaphore_mem>>
          %dma_start3A_125 = arith.constant 0 : i32
          %dma_start3A_126 = tpu.memref_slice %arg2[%cond3A_16, %dma_start3A_125] : memref<2x320000xi32, #tpu.memory_space<hbm>> -> memref<1x320000xi32, #tpu.memory_space<hbm>>
          %dma_start3A_127 = tpu.memref_squeeze %dma_start3A_126 : memref<1x320000xi32, #tpu.memory_space<hbm>> -> memref<320000xi32, #tpu.memory_space<hbm>>
          %dma_start3A_128 = tpu.memref_slice %dma_start3A_127[%multiple_of3A_106] : memref<320000xi32, #tpu.memory_space<hbm>> -> memref<128xi32, #tpu.memory_space<hbm>>
          %dma_start3A_129 = arith.constant 0 : i32
          %dma_start3A_130 = tpu.memref_slice %arg2[%cond3A_16, %dma_start3A_129] : memref<2x320000xi32, #tpu.memory_space<hbm>> -> memref<1x320000xi32, #tpu.memory_space<hbm>>
          %dma_start3A_131 = tpu.memref_squeeze %dma_start3A_130 : memref<1x320000xi32, #tpu.memory_space<hbm>> -> memref<320000xi32, #tpu.memory_space<hbm>>
          %dma_start3A_132 = tpu.memref_slice %dma_start3A_131[%multiple_of3A_106] : memref<320000xi32, #tpu.memory_space<hbm>> -> memref<128xi32, #tpu.memory_space<hbm>>
          tpu.enqueue_dma source(%dma_start3A_132 : memref<128xi32, #tpu.memory_space<hbm>>) target(%arg17 : memref<128xi32, #tpu.memory_space<vmem>>) target_semaphore(%run_scoped3A : memref<!tpu.dma_semaphore, #tpu.memory_space<semaphore_mem>>)
          %dma_wait3A_133 = arith.constant 0 : i32
          %dma_wait3A_134 = tpu.memref_slice %arg2[%cond3A_16, %dma_wait3A_133] : memref<2x320000xi32, #tpu.memory_space<hbm>> -> memref<1x320000xi32, #tpu.memory_space<hbm>>
          %dma_wait3A_135 = tpu.memref_squeeze %dma_wait3A_134 : memref<1x320000xi32, #tpu.memory_space<hbm>> -> memref<320000xi32, #tpu.memory_space<hbm>>
          %dma_wait3A_136 = tpu.memref_slice %dma_wait3A_135[%multiple_of3A_106] : memref<320000xi32, #tpu.memory_space<hbm>> -> memref<128xi32, #tpu.memory_space<hbm>>
          %dma_wait3A_137 = arith.constant 0 : i32
          %dma_wait3A_138 = tpu.memref_slice %arg2[%cond3A_16, %dma_wait3A_137] : memref<2x320000xi32, #tpu.memory_space<hbm>> -> memref<1x320000xi32, #tpu.memory_space<hbm>>
          %dma_wait3A_139 = tpu.memref_squeeze %dma_wait3A_138 : memref<1x320000xi32, #tpu.memory_space<hbm>> -> memref<320000xi32, #tpu.memory_space<hbm>>
          %dma_wait3A_140 = tpu.memref_slice %dma_wait3A_139[%multiple_of3A_106] : memref<320000xi32, #tpu.memory_space<hbm>> -> memref<128xi32, #tpu.memory_space<hbm>>
          tpu.wait_dma2 semaphore(%run_scoped3A : memref<!tpu.dma_semaphore, #tpu.memory_space<semaphore_mem>>) src(%dma_wait3A_140 : memref<128xi32, #tpu.memory_space<hbm>>) dst(%arg17 : memref<128xi32, #tpu.memory_space<vmem>>)
          tpu.yield
        }) : () -> ()
        "tpu.region"() ({
          %run_scoped3A = tpu.sem_alloc : memref<!tpu.dma_semaphore, #tpu.memory_space<semaphore_mem>>
          %dma_start3A_125 = arith.constant 0 : i32
          %dma_start3A_126 = tpu.memref_slice %arg3[%multiple_of3A_106, %dma_start3A_125] : memref<320000x16xf32, #tpu.memory_space<hbm>> -> memref<128x16xf32, #tpu.memory_space<hbm>>
          %dma_start3A_127 = arith.constant 0 : i32
          %dma_start3A_128 = tpu.memref_slice %arg3[%multiple_of3A_106, %dma_start3A_127] : memref<320000x16xf32, #tpu.memory_space<hbm>> -> memref<128x16xf32, #tpu.memory_space<hbm>>
          tpu.enqueue_dma source(%dma_start3A_128 : memref<128x16xf32, #tpu.memory_space<hbm>>) target(%arg25 : memref<128x16xf32, #tpu.memory_space<vmem>>) target_semaphore(%run_scoped3A : memref<!tpu.dma_semaphore, #tpu.memory_space<semaphore_mem>>)
          %dma_wait3A_129 = arith.constant 0 : i32
          %dma_wait3A_130 = tpu.memref_slice %arg3[%multiple_of3A_106, %dma_wait3A_129] : memref<320000x16xf32, #tpu.memory_space<hbm>> -> memref<128x16xf32, #tpu.memory_space<hbm>>
          %dma_wait3A_131 = arith.constant 0 : i32
          %dma_wait3A_132 = tpu.memref_slice %arg3[%multiple_of3A_106, %dma_wait3A_131] : memref<320000x16xf32, #tpu.memory_space<hbm>> -> memref<128x16xf32, #tpu.memory_space<hbm>>
          tpu.wait_dma2 semaphore(%run_scoped3A : memref<!tpu.dma_semaphore, #tpu.memory_space<semaphore_mem>>) src(%dma_wait3A_132 : memref<128x16xf32, #tpu.memory_space<hbm>>) dst(%arg25 : memref<128x16xf32, #tpu.memory_space<vmem>>)
          tpu.yield
        }) : () -> ()
        %add3A_107 = arith.constant 1 : i32
        %add3A_108 = arith.addi %select_n3A_101, %add3A_107 : i32
        %mul3A_109 = arith.constant 128 : i32
        %mul3A_110 = arith.muli %add3A_108, %mul3A_109 : i32
        %multiple_of3A_111 = tpu.assume_multiple %mul3A_110, 128 : i32
        "tpu.region"() ({
          %run_scoped3A = tpu.sem_alloc : memref<!tpu.dma_semaphore, #tpu.memory_space<semaphore_mem>>
          %dma_start3A_125 = arith.constant 0 : i32
          %dma_start3A_126 = tpu.memref_slice %arg2[%cond3A_15, %dma_start3A_125] : memref<2x320000xi32, #tpu.memory_space<hbm>> -> memref<1x320000xi32, #tpu.memory_space<hbm>>
          %dma_start3A_127 = tpu.memref_squeeze %dma_start3A_126 : memref<1x320000xi32, #tpu.memory_space<hbm>> -> memref<320000xi32, #tpu.memory_space<hbm>>
          %dma_start3A_128 = tpu.memref_slice %dma_start3A_127[%multiple_of3A_111] : memref<320000xi32, #tpu.memory_space<hbm>> -> memref<128xi32, #tpu.memory_space<hbm>>
          %dma_start3A_129 = arith.constant 0 : i32
          %dma_start3A_130 = tpu.memref_slice %arg2[%cond3A_15, %dma_start3A_129] : memref<2x320000xi32, #tpu.memory_space<hbm>> -> memref<1x320000xi32, #tpu.memory_space<hbm>>
          %dma_start3A_131 = tpu.memref_squeeze %dma_start3A_130 : memref<1x320000xi32, #tpu.memory_space<hbm>> -> memref<320000xi32, #tpu.memory_space<hbm>>
          %dma_start3A_132 = tpu.memref_slice %dma_start3A_131[%multiple_of3A_111] : memref<320000xi32, #tpu.memory_space<hbm>> -> memref<128xi32, #tpu.memory_space<hbm>>
          tpu.enqueue_dma source(%dma_start3A_132 : memref<128xi32, #tpu.memory_space<hbm>>) target(%arg14 : memref<128xi32, #tpu.memory_space<vmem>>) target_semaphore(%run_scoped3A : memref<!tpu.dma_semaphore, #tpu.memory_space<semaphore_mem>>)
          %dma_wait3A_133 = arith.constant 0 : i32
          %dma_wait3A_134 = tpu.memref_slice %arg2[%cond3A_15, %dma_wait3A_133] : memref<2x320000xi32, #tpu.memory_space<hbm>> -> memref<1x320000xi32, #tpu.memory_space<hbm>>
          %dma_wait3A_135 = tpu.memref_squeeze %dma_wait3A_134 : memref<1x320000xi32, #tpu.memory_space<hbm>> -> memref<320000xi32, #tpu.memory_space<hbm>>
          %dma_wait3A_136 = tpu.memref_slice %dma_wait3A_135[%multiple_of3A_111] : memref<320000xi32, #tpu.memory_space<hbm>> -> memref<128xi32, #tpu.memory_space<hbm>>
          %dma_wait3A_137 = arith.constant 0 : i32
          %dma_wait3A_138 = tpu.memref_slice %arg2[%cond3A_15, %dma_wait3A_137] : memref<2x320000xi32, #tpu.memory_space<hbm>> -> memref<1x320000xi32, #tpu.memory_space<hbm>>
          %dma_wait3A_139 = tpu.memref_squeeze %dma_wait3A_138 : memref<1x320000xi32, #tpu.memory_space<hbm>> -> memref<320000xi32, #tpu.memory_space<hbm>>
          %dma_wait3A_140 = tpu.memref_slice %dma_wait3A_139[%multiple_of3A_111] : memref<320000xi32, #tpu.memory_space<hbm>> -> memref<128xi32, #tpu.memory_space<hbm>>
          tpu.wait_dma2 semaphore(%run_scoped3A : memref<!tpu.dma_semaphore, #tpu.memory_space<semaphore_mem>>) src(%dma_wait3A_140 : memref<128xi32, #tpu.memory_space<hbm>>) dst(%arg14 : memref<128xi32, #tpu.memory_space<vmem>>)
          tpu.yield
        }) : () -> ()
        "tpu.region"() ({
          %run_scoped3A = tpu.sem_alloc : memref<!tpu.dma_semaphore, #tpu.memory_space<semaphore_mem>>
          %dma_start3A_125 = arith.constant 0 : i32
          %dma_start3A_126 = tpu.memref_slice %arg2[%cond3A_16, %dma_start3A_125] : memref<2x320000xi32, #tpu.memory_space<hbm>> -> memref<1x320000xi32, #tpu.memory_space<hbm>>
          %dma_start3A_127 = tpu.memref_squeeze %dma_start3A_126 : memref<1x320000xi32, #tpu.memory_space<hbm>> -> memref<320000xi32, #tpu.memory_space<hbm>>
          %dma_start3A_128 = tpu.memref_slice %dma_start3A_127[%multiple_of3A_111] : memref<320000xi32, #tpu.memory_space<hbm>> -> memref<128xi32, #tpu.memory_space<hbm>>
          %dma_start3A_129 = arith.constant 0 : i32
          %dma_start3A_130 = tpu.memref_slice %arg2[%cond3A_16, %dma_start3A_129] : memref<2x320000xi32, #tpu.memory_space<hbm>> -> memref<1x320000xi32, #tpu.memory_space<hbm>>
          %dma_start3A_131 = tpu.memref_squeeze %dma_start3A_130 : memref<1x320000xi32, #tpu.memory_space<hbm>> -> memref<320000xi32, #tpu.memory_space<hbm>>
          %dma_start3A_132 = tpu.memref_slice %dma_start3A_131[%multiple_of3A_111] : memref<320000xi32, #tpu.memory_space<hbm>> -> memref<128xi32, #tpu.memory_space<hbm>>
          tpu.enqueue_dma source(%dma_start3A_132 : memref<128xi32, #tpu.memory_space<hbm>>) target(%arg18 : memref<128xi32, #tpu.memory_space<vmem>>) target_semaphore(%run_scoped3A : memref<!tpu.dma_semaphore, #tpu.memory_space<semaphore_mem>>)
          %dma_wait3A_133 = arith.constant 0 : i32
          %dma_wait3A_134 = tpu.memref_slice %arg2[%cond3A_16, %dma_wait3A_133] : memref<2x320000xi32, #tpu.memory_space<hbm>> -> memref<1x320000xi32, #tpu.memory_space<hbm>>
          %dma_wait3A_135 = tpu.memref_squeeze %dma_wait3A_134 : memref<1x320000xi32, #tpu.memory_space<hbm>> -> memref<320000xi32, #tpu.memory_space<hbm>>
          %dma_wait3A_136 = tpu.memref_slice %dma_wait3A_135[%multiple_of3A_111] : memref<320000xi32, #tpu.memory_space<hbm>> -> memref<128xi32, #tpu.memory_space<hbm>>
          %dma_wait3A_137 = arith.constant 0 : i32
          %dma_wait3A_138 = tpu.memref_slice %arg2[%cond3A_16, %dma_wait3A_137] : memref<2x320000xi32, #tpu.memory_space<hbm>> -> memref<1x320000xi32, #tpu.memory_space<hbm>>
          %dma_wait3A_139 = tpu.memref_squeeze %dma_wait3A_138 : memref<1x320000xi32, #tpu.memory_space<hbm>> -> memref<320000xi32, #tpu.memory_space<hbm>>
          %dma_wait3A_140 = tpu.memref_slice %dma_wait3A_139[%multiple_of3A_111] : memref<320000xi32, #tpu.memory_space<hbm>> -> memref<128xi32, #tpu.memory_space<hbm>>
          tpu.wait_dma2 semaphore(%run_scoped3A : memref<!tpu.dma_semaphore, #tpu.memory_space<semaphore_mem>>) src(%dma_wait3A_140 : memref<128xi32, #tpu.memory_space<hbm>>) dst(%arg18 : memref<128xi32, #tpu.memory_space<vmem>>)
          tpu.yield
        }) : () -> ()
        "tpu.region"() ({
          %run_scoped3A = tpu.sem_alloc : memref<!tpu.dma_semaphore, #tpu.memory_space<semaphore_mem>>
          %dma_start3A_125 = arith.constant 0 : i32
          %dma_start3A_126 = tpu.memref_slice %arg3[%multiple_of3A_111, %dma_start3A_125] : memref<320000x16xf32, #tpu.memory_space<hbm>> -> memref<128x16xf32, #tpu.memory_space<hbm>>
          %dma_start3A_127 = arith.constant 0 : i32
          %dma_start3A_128 = tpu.memref_slice %arg3[%multiple_of3A_111, %dma_start3A_127] : memref<320000x16xf32, #tpu.memory_space<hbm>> -> memref<128x16xf32, #tpu.memory_space<hbm>>
          tpu.enqueue_dma source(%dma_start3A_128 : memref<128x16xf32, #tpu.memory_space<hbm>>) target(%arg26 : memref<128x16xf32, #tpu.memory_space<vmem>>) target_semaphore(%run_scoped3A : memref<!tpu.dma_semaphore, #tpu.memory_space<semaphore_mem>>)
          %dma_wait3A_129 = arith.constant 0 : i32
          %dma_wait3A_130 = tpu.memref_slice %arg3[%multiple_of3A_111, %dma_wait3A_129] : memref<320000x16xf32, #tpu.memory_space<hbm>> -> memref<128x16xf32, #tpu.memory_space<hbm>>
          %dma_wait3A_131 = arith.constant 0 : i32
          %dma_wait3A_132 = tpu.memref_slice %arg3[%multiple_of3A_111, %dma_wait3A_131] : memref<320000x16xf32, #tpu.memory_space<hbm>> -> memref<128x16xf32, #tpu.memory_space<hbm>>
          tpu.wait_dma2 semaphore(%run_scoped3A : memref<!tpu.dma_semaphore, #tpu.memory_space<semaphore_mem>>) src(%dma_wait3A_132 : memref<128x16xf32, #tpu.memory_space<hbm>>) dst(%arg26 : memref<128x16xf32, #tpu.memory_space<vmem>>)
          tpu.yield
        }) : () -> ()
        %dma_start3A_112 = arith.constant 0 : i32
        %dma_start3A_113 = arith.constant 0 : i32
        %dma_start3A_114 = tpu.memref_slice %arg5[%dma_start3A_112, %dma_start3A_113] : memref<10000x64xf32, #tpu.memory_space<hbm>> -> memref<10000x64xf32, #tpu.memory_space<hbm>>
        tpu.enqueue_indirect_dma source(%dma_start3A_114 : memref<10000x64xf32, #tpu.memory_space<hbm>>) target(%arg21 : memref<128x64xf32, #tpu.memory_space<vmem>>) offsets(%arg17 : memref<128xi32, #tpu.memory_space<vmem>>) semaphore(%arg31 : memref<!tpu.dma_semaphore, #tpu.memory_space<semaphore_mem>>)
        %dma_start3A_115 = arith.constant 0 : i32
        %dma_start3A_116 = arith.constant 0 : i32
        %dma_start3A_117 = tpu.memref_slice %arg5[%dma_start3A_115, %dma_start3A_116] : memref<10000x64xf32, #tpu.memory_space<hbm>> -> memref<10000x64xf32, #tpu.memory_space<hbm>>
        tpu.enqueue_indirect_dma source(%dma_start3A_117 : memref<10000x64xf32, #tpu.memory_space<hbm>>) target(%arg22 : memref<128x64xf32, #tpu.memory_space<vmem>>) offsets(%arg18 : memref<128xi32, #tpu.memory_space<vmem>>) semaphore(%arg31 : memref<!tpu.dma_semaphore, #tpu.memory_space<semaphore_mem>>)
        %dma_wait3A_118 = arith.constant 0 : i32
        %dma_wait3A_119 = arith.constant 0 : i32
        %dma_wait3A_120 = tpu.memref_slice %arg5[%dma_wait3A_118, %dma_wait3A_119] : memref<10000x64xf32, #tpu.memory_space<hbm>> -> memref<10000x64xf32, #tpu.memory_space<hbm>>
        tpu.wait_indirect_dma semaphore(%arg32 : memref<!tpu.dma_semaphore, #tpu.memory_space<semaphore_mem>>) src(%dma_wait3A_120 : memref<10000x64xf32, #tpu.memory_space<hbm>>) dst(%arg23 : memref<128x64xf32, #tpu.memory_space<vmem>>)
        %dma_wait3A_121 = arith.constant 0 : i32
        %dma_wait3A_122 = arith.constant 0 : i32
        %dma_wait3A_123 = tpu.memref_slice %arg5[%dma_wait3A_121, %dma_wait3A_122] : memref<10000x64xf32, #tpu.memory_space<hbm>> -> memref<10000x64xf32, #tpu.memory_space<hbm>>
        tpu.wait_indirect_dma semaphore(%arg32 : memref<!tpu.dma_semaphore, #tpu.memory_space<semaphore_mem>>) src(%dma_wait3A_123 : memref<10000x64xf32, #tpu.memory_space<hbm>>) dst(%arg24 : memref<128x64xf32, #tpu.memory_space<vmem>>)
        "tpu.region"() ({
          %run_scoped3A = tpu.sem_alloc : memref<!tpu.dma_semaphore, #tpu.memory_space<semaphore_mem>>
          %dma_start3A_125 = arith.constant 0 : i32
          %dma_start3A_126 = arith.constant 0 : i32
          %dma_start3A_127 = tpu.memref_slice %arg29[%dma_start3A_125, %dma_start3A_126] : memref<10000x64xf32, #tpu.memory_space<vmem_shared>> -> memref<10000x64xf32, #tpu.memory_space<vmem_shared>>
          tpu.enqueue_indirect_dma source(%arg23 : memref<128x64xf32, #tpu.memory_space<vmem>>) target(%dma_start3A_127 : memref<10000x64xf32, #tpu.memory_space<vmem_shared>>) offsets(%arg15 : memref<128xi32, #tpu.memory_space<vmem>>) semaphore(%run_scoped3A : memref<!tpu.dma_semaphore, #tpu.memory_space<semaphore_mem>>) {add = true}
          %dma_wait3A_128 = arith.constant 0 : i32
          %dma_wait3A_129 = arith.constant 0 : i32
          %dma_wait3A_130 = tpu.memref_slice %arg29[%dma_wait3A_128, %dma_wait3A_129] : memref<10000x64xf32, #tpu.memory_space<vmem_shared>> -> memref<10000x64xf32, #tpu.memory_space<vmem_shared>>
          tpu.wait_indirect_dma semaphore(%run_scoped3A : memref<!tpu.dma_semaphore, #tpu.memory_space<semaphore_mem>>) src(%arg23 : memref<128x64xf32, #tpu.memory_space<vmem>>) dst(%dma_wait3A_130 : memref<10000x64xf32, #tpu.memory_space<vmem_shared>>)
          tpu.yield
        }) : () -> ()
        "tpu.region"() ({
          %run_scoped3A = tpu.sem_alloc : memref<!tpu.dma_semaphore, #tpu.memory_space<semaphore_mem>>
          %dma_start3A_125 = arith.constant 0 : i32
          %dma_start3A_126 = arith.constant 0 : i32
          %dma_start3A_127 = tpu.memref_slice %arg30[%dma_start3A_125, %dma_start3A_126] : memref<10000x16xf32, #tpu.memory_space<vmem_shared>> -> memref<10000x16xf32, #tpu.memory_space<vmem_shared>>
          tpu.enqueue_indirect_dma source(%arg27 : memref<128x16xf32, #tpu.memory_space<vmem>>) target(%dma_start3A_127 : memref<10000x16xf32, #tpu.memory_space<vmem_shared>>) offsets(%arg15 : memref<128xi32, #tpu.memory_space<vmem>>) semaphore(%run_scoped3A : memref<!tpu.dma_semaphore, #tpu.memory_space<semaphore_mem>>) {add = true}
          %dma_wait3A_128 = arith.constant 0 : i32
          %dma_wait3A_129 = arith.constant 0 : i32
          %dma_wait3A_130 = tpu.memref_slice %arg30[%dma_wait3A_128, %dma_wait3A_129] : memref<10000x16xf32, #tpu.memory_space<vmem_shared>> -> memref<10000x16xf32, #tpu.memory_space<vmem_shared>>
          tpu.wait_indirect_dma semaphore(%run_scoped3A : memref<!tpu.dma_semaphore, #tpu.memory_space<semaphore_mem>>) src(%arg27 : memref<128x16xf32, #tpu.memory_space<vmem>>) dst(%dma_wait3A_130 : memref<10000x16xf32, #tpu.memory_space<vmem_shared>>)
          tpu.yield
        }) : () -> ()
        "tpu.region"() ({
          %run_scoped3A = tpu.sem_alloc : memref<!tpu.dma_semaphore, #tpu.memory_space<semaphore_mem>>
          %dma_start3A_125 = arith.constant 0 : i32
          %dma_start3A_126 = arith.constant 0 : i32
          %dma_start3A_127 = tpu.memref_slice %arg29[%dma_start3A_125, %dma_start3A_126] : memref<10000x64xf32, #tpu.memory_space<vmem_shared>> -> memref<10000x64xf32, #tpu.memory_space<vmem_shared>>
          tpu.enqueue_indirect_dma source(%arg24 : memref<128x64xf32, #tpu.memory_space<vmem>>) target(%dma_start3A_127 : memref<10000x64xf32, #tpu.memory_space<vmem_shared>>) offsets(%arg16 : memref<128xi32, #tpu.memory_space<vmem>>) semaphore(%run_scoped3A : memref<!tpu.dma_semaphore, #tpu.memory_space<semaphore_mem>>) {add = true}
          %dma_wait3A_128 = arith.constant 0 : i32
          %dma_wait3A_129 = arith.constant 0 : i32
          %dma_wait3A_130 = tpu.memref_slice %arg29[%dma_wait3A_128, %dma_wait3A_129] : memref<10000x64xf32, #tpu.memory_space<vmem_shared>> -> memref<10000x64xf32, #tpu.memory_space<vmem_shared>>
          tpu.wait_indirect_dma semaphore(%run_scoped3A : memref<!tpu.dma_semaphore, #tpu.memory_space<semaphore_mem>>) src(%arg24 : memref<128x64xf32, #tpu.memory_space<vmem>>) dst(%dma_wait3A_130 : memref<10000x64xf32, #tpu.memory_space<vmem_shared>>)
          tpu.yield
        }) : () -> ()
        "tpu.region"() ({
          %run_scoped3A = tpu.sem_alloc : memref<!tpu.dma_semaphore, #tpu.memory_space<semaphore_mem>>
          %dma_start3A_125 = arith.constant 0 : i32
          %dma_start3A_126 = arith.constant 0 : i32
          %dma_start3A_127 = tpu.memref_slice %arg30[%dma_start3A_125, %dma_start3A_126] : memref<10000x16xf32, #tpu.memory_space<vmem_shared>> -> memref<10000x16xf32, #tpu.memory_space<vmem_shared>>
          tpu.enqueue_indirect_dma source(%arg28 : memref<128x16xf32, #tpu.memory_space<vmem>>) target(%dma_start3A_127 : memref<10000x16xf32, #tpu.memory_space<vmem_shared>>) offsets(%arg16 : memref<128xi32, #tpu.memory_space<vmem>>) semaphore(%run_scoped3A : memref<!tpu.dma_semaphore, #tpu.memory_space<semaphore_mem>>) {add = true}
          %dma_wait3A_128 = arith.constant 0 : i32
          %dma_wait3A_129 = arith.constant 0 : i32
          %dma_wait3A_130 = tpu.memref_slice %arg30[%dma_wait3A_128, %dma_wait3A_129] : memref<10000x16xf32, #tpu.memory_space<vmem_shared>> -> memref<10000x16xf32, #tpu.memory_space<vmem_shared>>
          tpu.wait_indirect_dma semaphore(%run_scoped3A : memref<!tpu.dma_semaphore, #tpu.memory_space<semaphore_mem>>) src(%arg28 : memref<128x16xf32, #tpu.memory_space<vmem>>) dst(%dma_wait3A_130 : memref<10000x16xf32, #tpu.memory_space<vmem_shared>>)
          tpu.yield
        }) : () -> ()
        %while3A_124 = arith.constant 0 : i32
        scf.yield %while3A_124 : i32
      }
      %while3A_60 = arith.constant 1 : i32
      %while3A_61 = scf.for %while3A_67 = %while3A_57 to %while3A_53 step %while3A_60 iter_args(%while3A_68 = %while3A_59) -> (i32)  : i32 {
        %mul3A_69 = arith.constant 4 : i32
        %mul3A_70 = arith.muli %while3A_67, %mul3A_69 : i32
        %add3A_71 = arith.addi %mul3A_8, %mul3A_70 : i32
        %add3A_72 = arith.constant 2 : i32
        %add3A_73 = arith.addi %add3A_71, %add3A_72 : i32
        %add3A_74 = arith.constant 0 : i32
        %add3A_75 = arith.addi %add3A_73, %add3A_74 : i32
        %mul3A_76 = arith.constant 128 : i32
        %mul3A_77 = arith.muli %add3A_75, %mul3A_76 : i32
        %multiple_of3A_78 = tpu.assume_multiple %mul3A_77, 128 : i32
        "tpu.region"() ({
          %run_scoped3A = tpu.sem_alloc : memref<!tpu.dma_semaphore, #tpu.memory_space<semaphore_mem>>
          %dma_start3A_125 = arith.constant 0 : i32
          %dma_start3A_126 = tpu.memref_slice %arg2[%cond3A_15, %dma_start3A_125] : memref<2x320000xi32, #tpu.memory_space<hbm>> -> memref<1x320000xi32, #tpu.memory_space<hbm>>
          %dma_start3A_127 = tpu.memref_squeeze %dma_start3A_126 : memref<1x320000xi32, #tpu.memory_space<hbm>> -> memref<320000xi32, #tpu.memory_space<hbm>>
          %dma_start3A_128 = tpu.memref_slice %dma_start3A_127[%multiple_of3A_78] : memref<320000xi32, #tpu.memory_space<hbm>> -> memref<128xi32, #tpu.memory_space<hbm>>
          %dma_start3A_129 = arith.constant 0 : i32
          %dma_start3A_130 = tpu.memref_slice %arg2[%cond3A_15, %dma_start3A_129] : memref<2x320000xi32, #tpu.memory_space<hbm>> -> memref<1x320000xi32, #tpu.memory_space<hbm>>
          %dma_start3A_131 = tpu.memref_squeeze %dma_start3A_130 : memref<1x320000xi32, #tpu.memory_space<hbm>> -> memref<320000xi32, #tpu.memory_space<hbm>>
          %dma_start3A_132 = tpu.memref_slice %dma_start3A_131[%multiple_of3A_78] : memref<320000xi32, #tpu.memory_space<hbm>> -> memref<128xi32, #tpu.memory_space<hbm>>
          tpu.enqueue_dma source(%dma_start3A_132 : memref<128xi32, #tpu.memory_space<hbm>>) target(%arg15 : memref<128xi32, #tpu.memory_space<vmem>>) target_semaphore(%run_scoped3A : memref<!tpu.dma_semaphore, #tpu.memory_space<semaphore_mem>>)
          %dma_wait3A_133 = arith.constant 0 : i32
          %dma_wait3A_134 = tpu.memref_slice %arg2[%cond3A_15, %dma_wait3A_133] : memref<2x320000xi32, #tpu.memory_space<hbm>> -> memref<1x320000xi32, #tpu.memory_space<hbm>>
          %dma_wait3A_135 = tpu.memref_squeeze %dma_wait3A_134 : memref<1x320000xi32, #tpu.memory_space<hbm>> -> memref<320000xi32, #tpu.memory_space<hbm>>
          %dma_wait3A_136 = tpu.memref_slice %dma_wait3A_135[%multiple_of3A_78] : memref<320000xi32, #tpu.memory_space<hbm>> -> memref<128xi32, #tpu.memory_space<hbm>>
          %dma_wait3A_137 = arith.constant 0 : i32
          %dma_wait3A_138 = tpu.memref_slice %arg2[%cond3A_15, %dma_wait3A_137] : memref<2x320000xi32, #tpu.memory_space<hbm>> -> memref<1x320000xi32, #tpu.memory_space<hbm>>
          %dma_wait3A_139 = tpu.memref_squeeze %dma_wait3A_138 : memref<1x320000xi32, #tpu.memory_space<hbm>> -> memref<320000xi32, #tpu.memory_space<hbm>>
          %dma_wait3A_140 = tpu.memref_slice %dma_wait3A_139[%multiple_of3A_78] : memref<320000xi32, #tpu.memory_space<hbm>> -> memref<128xi32, #tpu.memory_space<hbm>>
          tpu.wait_dma2 semaphore(%run_scoped3A : memref<!tpu.dma_semaphore, #tpu.memory_space<semaphore_mem>>) src(%dma_wait3A_140 : memref<128xi32, #tpu.memory_space<hbm>>) dst(%arg15 : memref<128xi32, #tpu.memory_space<vmem>>)
          tpu.yield
        }) : () -> ()
        "tpu.region"() ({
          %run_scoped3A = tpu.sem_alloc : memref<!tpu.dma_semaphore, #tpu.memory_space<semaphore_mem>>
          %dma_start3A_125 = arith.constant 0 : i32
          %dma_start3A_126 = tpu.memref_slice %arg2[%cond3A_16, %dma_start3A_125] : memref<2x320000xi32, #tpu.memory_space<hbm>> -> memref<1x320000xi32, #tpu.memory_space<hbm>>
          %dma_start3A_127 = tpu.memref_squeeze %dma_start3A_126 : memref<1x320000xi32, #tpu.memory_space<hbm>> -> memref<320000xi32, #tpu.memory_space<hbm>>
          %dma_start3A_128 = tpu.memref_slice %dma_start3A_127[%multiple_of3A_78] : memref<320000xi32, #tpu.memory_space<hbm>> -> memref<128xi32, #tpu.memory_space<hbm>>
          %dma_start3A_129 = arith.constant 0 : i32
          %dma_start3A_130 = tpu.memref_slice %arg2[%cond3A_16, %dma_start3A_129] : memref<2x320000xi32, #tpu.memory_space<hbm>> -> memref<1x320000xi32, #tpu.memory_space<hbm>>
          %dma_start3A_131 = tpu.memref_squeeze %dma_start3A_130 : memref<1x320000xi32, #tpu.memory_space<hbm>> -> memref<320000xi32, #tpu.memory_space<hbm>>
          %dma_start3A_132 = tpu.memref_slice %dma_start3A_131[%multiple_of3A_78] : memref<320000xi32, #tpu.memory_space<hbm>> -> memref<128xi32, #tpu.memory_space<hbm>>
          tpu.enqueue_dma source(%dma_start3A_132 : memref<128xi32, #tpu.memory_space<hbm>>) target(%arg19 : memref<128xi32, #tpu.memory_space<vmem>>) target_semaphore(%run_scoped3A : memref<!tpu.dma_semaphore, #tpu.memory_space<semaphore_mem>>)
          %dma_wait3A_133 = arith.constant 0 : i32
          %dma_wait3A_134 = tpu.memref_slice %arg2[%cond3A_16, %dma_wait3A_133] : memref<2x320000xi32, #tpu.memory_space<hbm>> -> memref<1x320000xi32, #tpu.memory_space<hbm>>
          %dma_wait3A_135 = tpu.memref_squeeze %dma_wait3A_134 : memref<1x320000xi32, #tpu.memory_space<hbm>> -> memref<320000xi32, #tpu.memory_space<hbm>>
          %dma_wait3A_136 = tpu.memref_slice %dma_wait3A_135[%multiple_of3A_78] : memref<320000xi32, #tpu.memory_space<hbm>> -> memref<128xi32, #tpu.memory_space<hbm>>
          %dma_wait3A_137 = arith.constant 0 : i32
          %dma_wait3A_138 = tpu.memref_slice %arg2[%cond3A_16, %dma_wait3A_137] : memref<2x320000xi32, #tpu.memory_space<hbm>> -> memref<1x320000xi32, #tpu.memory_space<hbm>>
          %dma_wait3A_139 = tpu.memref_squeeze %dma_wait3A_138 : memref<1x320000xi32, #tpu.memory_space<hbm>> -> memref<320000xi32, #tpu.memory_space<hbm>>
          %dma_wait3A_140 = tpu.memref_slice %dma_wait3A_139[%multiple_of3A_78] : memref<320000xi32, #tpu.memory_space<hbm>> -> memref<128xi32, #tpu.memory_space<hbm>>
          tpu.wait_dma2 semaphore(%run_scoped3A : memref<!tpu.dma_semaphore, #tpu.memory_space<semaphore_mem>>) src(%dma_wait3A_140 : memref<128xi32, #tpu.memory_space<hbm>>) dst(%arg19 : memref<128xi32, #tpu.memory_space<vmem>>)
          tpu.yield
        }) : () -> ()
        "tpu.region"() ({
          %run_scoped3A = tpu.sem_alloc : memref<!tpu.dma_semaphore, #tpu.memory_space<semaphore_mem>>
          %dma_start3A_125 = arith.constant 0 : i32
          %dma_start3A_126 = tpu.memref_slice %arg3[%multiple_of3A_78, %dma_start3A_125] : memref<320000x16xf32, #tpu.memory_space<hbm>> -> memref<128x16xf32, #tpu.memory_space<hbm>>
          %dma_start3A_127 = arith.constant 0 : i32
          %dma_start3A_128 = tpu.memref_slice %arg3[%multiple_of3A_78, %dma_start3A_127] : memref<320000x16xf32, #tpu.memory_space<hbm>> -> memref<128x16xf32, #tpu.memory_space<hbm>>
          tpu.enqueue_dma source(%dma_start3A_128 : memref<128x16xf32, #tpu.memory_space<hbm>>) target(%arg27 : memref<128x16xf32, #tpu.memory_space<vmem>>) target_semaphore(%run_scoped3A : memref<!tpu.dma_semaphore, #tpu.memory_space<semaphore_mem>>)
          %dma_wait3A_129 = arith.constant 0 : i32
          %dma_wait3A_130 = tpu.memref_slice %arg3[%multiple_of3A_78, %dma_wait3A_129] : memref<320000x16xf32, #tpu.memory_space<hbm>> -> memref<128x16xf32, #tpu.memory_space<hbm>>
          %dma_wait3A_131 = arith.constant 0 : i32
          %dma_wait3A_132 = tpu.memref_slice %arg3[%multiple_of3A_78, %dma_wait3A_131] : memref<320000x16xf32, #tpu.memory_space<hbm>> -> memref<128x16xf32, #tpu.memory_space<hbm>>
          tpu.wait_dma2 semaphore(%run_scoped3A : memref<!tpu.dma_semaphore, #tpu.memory_space<semaphore_mem>>) src(%dma_wait3A_132 : memref<128x16xf32, #tpu.memory_space<hbm>>) dst(%arg27 : memref<128x16xf32, #tpu.memory_space<vmem>>)
          tpu.yield
        }) : () -> ()
        %add3A_79 = arith.constant 1 : i32
        %add3A_80 = arith.addi %add3A_73, %add3A_79 : i32
        %mul3A_81 = arith.constant 128 : i32
        %mul3A_82 = arith.muli %add3A_80, %mul3A_81 : i32
        %multiple_of3A_83 = tpu.assume_multiple %mul3A_82, 128 : i32
        "tpu.region"() ({
          %run_scoped3A = tpu.sem_alloc : memref<!tpu.dma_semaphore, #tpu.memory_space<semaphore_mem>>
          %dma_start3A_125 = arith.constant 0 : i32
          %dma_start3A_126 = tpu.memref_slice %arg2[%cond3A_15, %dma_start3A_125] : memref<2x320000xi32, #tpu.memory_space<hbm>> -> memref<1x320000xi32, #tpu.memory_space<hbm>>
          %dma_start3A_127 = tpu.memref_squeeze %dma_start3A_126 : memref<1x320000xi32, #tpu.memory_space<hbm>> -> memref<320000xi32, #tpu.memory_space<hbm>>
          %dma_start3A_128 = tpu.memref_slice %dma_start3A_127[%multiple_of3A_83] : memref<320000xi32, #tpu.memory_space<hbm>> -> memref<128xi32, #tpu.memory_space<hbm>>
          %dma_start3A_129 = arith.constant 0 : i32
          %dma_start3A_130 = tpu.memref_slice %arg2[%cond3A_15, %dma_start3A_129] : memref<2x320000xi32, #tpu.memory_space<hbm>> -> memref<1x320000xi32, #tpu.memory_space<hbm>>
          %dma_start3A_131 = tpu.memref_squeeze %dma_start3A_130 : memref<1x320000xi32, #tpu.memory_space<hbm>> -> memref<320000xi32, #tpu.memory_space<hbm>>
          %dma_start3A_132 = tpu.memref_slice %dma_start3A_131[%multiple_of3A_83] : memref<320000xi32, #tpu.memory_space<hbm>> -> memref<128xi32, #tpu.memory_space<hbm>>
          tpu.enqueue_dma source(%dma_start3A_132 : memref<128xi32, #tpu.memory_space<hbm>>) target(%arg16 : memref<128xi32, #tpu.memory_space<vmem>>) target_semaphore(%run_scoped3A : memref<!tpu.dma_semaphore, #tpu.memory_space<semaphore_mem>>)
          %dma_wait3A_133 = arith.constant 0 : i32
          %dma_wait3A_134 = tpu.memref_slice %arg2[%cond3A_15, %dma_wait3A_133] : memref<2x320000xi32, #tpu.memory_space<hbm>> -> memref<1x320000xi32, #tpu.memory_space<hbm>>
          %dma_wait3A_135 = tpu.memref_squeeze %dma_wait3A_134 : memref<1x320000xi32, #tpu.memory_space<hbm>> -> memref<320000xi32, #tpu.memory_space<hbm>>
          %dma_wait3A_136 = tpu.memref_slice %dma_wait3A_135[%multiple_of3A_83] : memref<320000xi32, #tpu.memory_space<hbm>> -> memref<128xi32, #tpu.memory_space<hbm>>
          %dma_wait3A_137 = arith.constant 0 : i32
          %dma_wait3A_138 = tpu.memref_slice %arg2[%cond3A_15, %dma_wait3A_137] : memref<2x320000xi32, #tpu.memory_space<hbm>> -> memref<1x320000xi32, #tpu.memory_space<hbm>>
          %dma_wait3A_139 = tpu.memref_squeeze %dma_wait3A_138 : memref<1x320000xi32, #tpu.memory_space<hbm>> -> memref<320000xi32, #tpu.memory_space<hbm>>
          %dma_wait3A_140 = tpu.memref_slice %dma_wait3A_139[%multiple_of3A_83] : memref<320000xi32, #tpu.memory_space<hbm>> -> memref<128xi32, #tpu.memory_space<hbm>>
          tpu.wait_dma2 semaphore(%run_scoped3A : memref<!tpu.dma_semaphore, #tpu.memory_space<semaphore_mem>>) src(%dma_wait3A_140 : memref<128xi32, #tpu.memory_space<hbm>>) dst(%arg16 : memref<128xi32, #tpu.memory_space<vmem>>)
          tpu.yield
        }) : () -> ()
        "tpu.region"() ({
          %run_scoped3A = tpu.sem_alloc : memref<!tpu.dma_semaphore, #tpu.memory_space<semaphore_mem>>
          %dma_start3A_125 = arith.constant 0 : i32
          %dma_start3A_126 = tpu.memref_slice %arg2[%cond3A_16, %dma_start3A_125] : memref<2x320000xi32, #tpu.memory_space<hbm>> -> memref<1x320000xi32, #tpu.memory_space<hbm>>
          %dma_start3A_127 = tpu.memref_squeeze %dma_start3A_126 : memref<1x320000xi32, #tpu.memory_space<hbm>> -> memref<320000xi32, #tpu.memory_space<hbm>>
          %dma_start3A_128 = tpu.memref_slice %dma_start3A_127[%multiple_of3A_83] : memref<320000xi32, #tpu.memory_space<hbm>> -> memref<128xi32, #tpu.memory_space<hbm>>
          %dma_start3A_129 = arith.constant 0 : i32
          %dma_start3A_130 = tpu.memref_slice %arg2[%cond3A_16, %dma_start3A_129] : memref<2x320000xi32, #tpu.memory_space<hbm>> -> memref<1x320000xi32, #tpu.memory_space<hbm>>
          %dma_start3A_131 = tpu.memref_squeeze %dma_start3A_130 : memref<1x320000xi32, #tpu.memory_space<hbm>> -> memref<320000xi32, #tpu.memory_space<hbm>>
          %dma_start3A_132 = tpu.memref_slice %dma_start3A_131[%multiple_of3A_83] : memref<320000xi32, #tpu.memory_space<hbm>> -> memref<128xi32, #tpu.memory_space<hbm>>
          tpu.enqueue_dma source(%dma_start3A_132 : memref<128xi32, #tpu.memory_space<hbm>>) target(%arg20 : memref<128xi32, #tpu.memory_space<vmem>>) target_semaphore(%run_scoped3A : memref<!tpu.dma_semaphore, #tpu.memory_space<semaphore_mem>>)
          %dma_wait3A_133 = arith.constant 0 : i32
          %dma_wait3A_134 = tpu.memref_slice %arg2[%cond3A_16, %dma_wait3A_133] : memref<2x320000xi32, #tpu.memory_space<hbm>> -> memref<1x320000xi32, #tpu.memory_space<hbm>>
          %dma_wait3A_135 = tpu.memref_squeeze %dma_wait3A_134 : memref<1x320000xi32, #tpu.memory_space<hbm>> -> memref<320000xi32, #tpu.memory_space<hbm>>
          %dma_wait3A_136 = tpu.memref_slice %dma_wait3A_135[%multiple_of3A_83] : memref<320000xi32, #tpu.memory_space<hbm>> -> memref<128xi32, #tpu.memory_space<hbm>>
          %dma_wait3A_137 = arith.constant 0 : i32
          %dma_wait3A_138 = tpu.memref_slice %arg2[%cond3A_16, %dma_wait3A_137] : memref<2x320000xi32, #tpu.memory_space<hbm>> -> memref<1x320000xi32, #tpu.memory_space<hbm>>
          %dma_wait3A_139 = tpu.memref_squeeze %dma_wait3A_138 : memref<1x320000xi32, #tpu.memory_space<hbm>> -> memref<320000xi32, #tpu.memory_space<hbm>>
          %dma_wait3A_140 = tpu.memref_slice %dma_wait3A_139[%multiple_of3A_83] : memref<320000xi32, #tpu.memory_space<hbm>> -> memref<128xi32, #tpu.memory_space<hbm>>
          tpu.wait_dma2 semaphore(%run_scoped3A : memref<!tpu.dma_semaphore, #tpu.memory_space<semaphore_mem>>) src(%dma_wait3A_140 : memref<128xi32, #tpu.memory_space<hbm>>) dst(%arg20 : memref<128xi32, #tpu.memory_space<vmem>>)
          tpu.yield
        }) : () -> ()
        "tpu.region"() ({
          %run_scoped3A = tpu.sem_alloc : memref<!tpu.dma_semaphore, #tpu.memory_space<semaphore_mem>>
          %dma_start3A_125 = arith.constant 0 : i32
          %dma_start3A_126 = tpu.memref_slice %arg3[%multiple_of3A_83, %dma_start3A_125] : memref<320000x16xf32, #tpu.memory_space<hbm>> -> memref<128x16xf32, #tpu.memory_space<hbm>>
          %dma_start3A_127 = arith.constant 0 : i32
          %dma_start3A_128 = tpu.memref_slice %arg3[%multiple_of3A_83, %dma_start3A_127] : memref<320000x16xf32, #tpu.memory_space<hbm>> -> memref<128x16xf32, #tpu.memory_space<hbm>>
          tpu.enqueue_dma source(%dma_start3A_128 : memref<128x16xf32, #tpu.memory_space<hbm>>) target(%arg28 : memref<128x16xf32, #tpu.memory_space<vmem>>) target_semaphore(%run_scoped3A : memref<!tpu.dma_semaphore, #tpu.memory_space<semaphore_mem>>)
          %dma_wait3A_129 = arith.constant 0 : i32
          %dma_wait3A_130 = tpu.memref_slice %arg3[%multiple_of3A_83, %dma_wait3A_129] : memref<320000x16xf32, #tpu.memory_space<hbm>> -> memref<128x16xf32, #tpu.memory_space<hbm>>
          %dma_wait3A_131 = arith.constant 0 : i32
          %dma_wait3A_132 = tpu.memref_slice %arg3[%multiple_of3A_83, %dma_wait3A_131] : memref<320000x16xf32, #tpu.memory_space<hbm>> -> memref<128x16xf32, #tpu.memory_space<hbm>>
          tpu.wait_dma2 semaphore(%run_scoped3A : memref<!tpu.dma_semaphore, #tpu.memory_space<semaphore_mem>>) src(%dma_wait3A_132 : memref<128x16xf32, #tpu.memory_space<hbm>>) dst(%arg28 : memref<128x16xf32, #tpu.memory_space<vmem>>)
          tpu.yield
        }) : () -> ()
        %dma_start3A_84 = arith.constant 0 : i32
        %dma_start3A_85 = arith.constant 0 : i32
        %dma_start3A_86 = tpu.memref_slice %arg5[%dma_start3A_84, %dma_start3A_85] : memref<10000x64xf32, #tpu.memory_space<hbm>> -> memref<10000x64xf32, #tpu.memory_space<hbm>>
        tpu.enqueue_indirect_dma source(%dma_start3A_86 : memref<10000x64xf32, #tpu.memory_space<hbm>>) target(%arg23 : memref<128x64xf32, #tpu.memory_space<vmem>>) offsets(%arg19 : memref<128xi32, #tpu.memory_space<vmem>>) semaphore(%arg32 : memref<!tpu.dma_semaphore, #tpu.memory_space<semaphore_mem>>)
        %dma_start3A_87 = arith.constant 0 : i32
        %dma_start3A_88 = arith.constant 0 : i32
        %dma_start3A_89 = tpu.memref_slice %arg5[%dma_start3A_87, %dma_start3A_88] : memref<10000x64xf32, #tpu.memory_space<hbm>> -> memref<10000x64xf32, #tpu.memory_space<hbm>>
        tpu.enqueue_indirect_dma source(%dma_start3A_89 : memref<10000x64xf32, #tpu.memory_space<hbm>>) target(%arg24 : memref<128x64xf32, #tpu.memory_space<vmem>>) offsets(%arg20 : memref<128xi32, #tpu.memory_space<vmem>>) semaphore(%arg32 : memref<!tpu.dma_semaphore, #tpu.memory_space<semaphore_mem>>)
        %dma_wait3A_90 = arith.constant 0 : i32
        %dma_wait3A_91 = arith.constant 0 : i32
        %dma_wait3A_92 = tpu.memref_slice %arg5[%dma_wait3A_90, %dma_wait3A_91] : memref<10000x64xf32, #tpu.memory_space<hbm>> -> memref<10000x64xf32, #tpu.memory_space<hbm>>
        tpu.wait_indirect_dma semaphore(%arg31 : memref<!tpu.dma_semaphore, #tpu.memory_space<semaphore_mem>>) src(%dma_wait3A_92 : memref<10000x64xf32, #tpu.memory_space<hbm>>) dst(%arg21 : memref<128x64xf32, #tpu.memory_space<vmem>>)
        %dma_wait3A_93 = arith.constant 0 : i32
        %dma_wait3A_94 = arith.constant 0 : i32
        %dma_wait3A_95 = tpu.memref_slice %arg5[%dma_wait3A_93, %dma_wait3A_94] : memref<10000x64xf32, #tpu.memory_space<hbm>> -> memref<10000x64xf32, #tpu.memory_space<hbm>>
        tpu.wait_indirect_dma semaphore(%arg31 : memref<!tpu.dma_semaphore, #tpu.memory_space<semaphore_mem>>) src(%dma_wait3A_95 : memref<10000x64xf32, #tpu.memory_space<hbm>>) dst(%arg22 : memref<128x64xf32, #tpu.memory_space<vmem>>)
        "tpu.region"() ({
          %run_scoped3A = tpu.sem_alloc : memref<!tpu.dma_semaphore, #tpu.memory_space<semaphore_mem>>
          %dma_start3A_125 = arith.constant 0 : i32
          %dma_start3A_126 = arith.constant 0 : i32
          %dma_start3A_127 = tpu.memref_slice %arg29[%dma_start3A_125, %dma_start3A_126] : memref<10000x64xf32, #tpu.memory_space<vmem_shared>> -> memref<10000x64xf32, #tpu.memory_space<vmem_shared>>
          tpu.enqueue_indirect_dma source(%arg21 : memref<128x64xf32, #tpu.memory_space<vmem>>) target(%dma_start3A_127 : memref<10000x64xf32, #tpu.memory_space<vmem_shared>>) offsets(%arg13 : memref<128xi32, #tpu.memory_space<vmem>>) semaphore(%run_scoped3A : memref<!tpu.dma_semaphore, #tpu.memory_space<semaphore_mem>>) {add = true}
          %dma_wait3A_128 = arith.constant 0 : i32
          %dma_wait3A_129 = arith.constant 0 : i32
          %dma_wait3A_130 = tpu.memref_slice %arg29[%dma_wait3A_128, %dma_wait3A_129] : memref<10000x64xf32, #tpu.memory_space<vmem_shared>> -> memref<10000x64xf32, #tpu.memory_space<vmem_shared>>
          tpu.wait_indirect_dma semaphore(%run_scoped3A : memref<!tpu.dma_semaphore, #tpu.memory_space<semaphore_mem>>) src(%arg21 : memref<128x64xf32, #tpu.memory_space<vmem>>) dst(%dma_wait3A_130 : memref<10000x64xf32, #tpu.memory_space<vmem_shared>>)
          tpu.yield
        }) : () -> ()
        "tpu.region"() ({
          %run_scoped3A = tpu.sem_alloc : memref<!tpu.dma_semaphore, #tpu.memory_space<semaphore_mem>>
          %dma_start3A_125 = arith.constant 0 : i32
          %dma_start3A_126 = arith.constant 0 : i32
          %dma_start3A_127 = tpu.memref_slice %arg30[%dma_start3A_125, %dma_start3A_126] : memref<10000x16xf32, #tpu.memory_space<vmem_shared>> -> memref<10000x16xf32, #tpu.memory_space<vmem_shared>>
          tpu.enqueue_indirect_dma source(%arg25 : memref<128x16xf32, #tpu.memory_space<vmem>>) target(%dma_start3A_127 : memref<10000x16xf32, #tpu.memory_space<vmem_shared>>) offsets(%arg13 : memref<128xi32, #tpu.memory_space<vmem>>) semaphore(%run_scoped3A : memref<!tpu.dma_semaphore, #tpu.memory_space<semaphore_mem>>) {add = true}
          %dma_wait3A_128 = arith.constant 0 : i32
          %dma_wait3A_129 = arith.constant 0 : i32
          %dma_wait3A_130 = tpu.memref_slice %arg30[%dma_wait3A_128, %dma_wait3A_129] : memref<10000x16xf32, #tpu.memory_space<vmem_shared>> -> memref<10000x16xf32, #tpu.memory_space<vmem_shared>>
          tpu.wait_indirect_dma semaphore(%run_scoped3A : memref<!tpu.dma_semaphore, #tpu.memory_space<semaphore_mem>>) src(%arg25 : memref<128x16xf32, #tpu.memory_space<vmem>>) dst(%dma_wait3A_130 : memref<10000x16xf32, #tpu.memory_space<vmem_shared>>)
          tpu.yield
        }) : () -> ()
        "tpu.region"() ({
          %run_scoped3A = tpu.sem_alloc : memref<!tpu.dma_semaphore, #tpu.memory_space<semaphore_mem>>
          %dma_start3A_125 = arith.constant 0 : i32
          %dma_start3A_126 = arith.constant 0 : i32
          %dma_start3A_127 = tpu.memref_slice %arg29[%dma_start3A_125, %dma_start3A_126] : memref<10000x64xf32, #tpu.memory_space<vmem_shared>> -> memref<10000x64xf32, #tpu.memory_space<vmem_shared>>
          tpu.enqueue_indirect_dma source(%arg22 : memref<128x64xf32, #tpu.memory_space<vmem>>) target(%dma_start3A_127 : memref<10000x64xf32, #tpu.memory_space<vmem_shared>>) offsets(%arg14 : memref<128xi32, #tpu.memory_space<vmem>>) semaphore(%run_scoped3A : memref<!tpu.dma_semaphore, #tpu.memory_space<semaphore_mem>>) {add = true}
          %dma_wait3A_128 = arith.constant 0 : i32
          %dma_wait3A_129 = arith.constant 0 : i32
          %dma_wait3A_130 = tpu.memref_slice %arg29[%dma_wait3A_128, %dma_wait3A_129] : memref<10000x64xf32, #tpu.memory_space<vmem_shared>> -> memref<10000x64xf32, #tpu.memory_space<vmem_shared>>
          tpu.wait_indirect_dma semaphore(%run_scoped3A : memref<!tpu.dma_semaphore, #tpu.memory_space<semaphore_mem>>) src(%arg22 : memref<128x64xf32, #tpu.memory_space<vmem>>) dst(%dma_wait3A_130 : memref<10000x64xf32, #tpu.memory_space<vmem_shared>>)
          tpu.yield
        }) : () -> ()
        "tpu.region"() ({
          %run_scoped3A = tpu.sem_alloc : memref<!tpu.dma_semaphore, #tpu.memory_space<semaphore_mem>>
          %dma_start3A_125 = arith.constant 0 : i32
          %dma_start3A_126 = arith.constant 0 : i32
          %dma_start3A_127 = tpu.memref_slice %arg30[%dma_start3A_125, %dma_start3A_126] : memref<10000x16xf32, #tpu.memory_space<vmem_shared>> -> memref<10000x16xf32, #tpu.memory_space<vmem_shared>>
          tpu.enqueue_indirect_dma source(%arg26 : memref<128x16xf32, #tpu.memory_space<vmem>>) target(%dma_start3A_127 : memref<10000x16xf32, #tpu.memory_space<vmem_shared>>) offsets(%arg14 : memref<128xi32, #tpu.memory_space<vmem>>) semaphore(%run_scoped3A : memref<!tpu.dma_semaphore, #tpu.memory_space<semaphore_mem>>) {add = true}
          %dma_wait3A_128 = arith.constant 0 : i32
          %dma_wait3A_129 = arith.constant 0 : i32
          %dma_wait3A_130 = tpu.memref_slice %arg30[%dma_wait3A_128, %dma_wait3A_129] : memref<10000x16xf32, #tpu.memory_space<vmem_shared>> -> memref<10000x16xf32, #tpu.memory_space<vmem_shared>>
          tpu.wait_indirect_dma semaphore(%run_scoped3A : memref<!tpu.dma_semaphore, #tpu.memory_space<semaphore_mem>>) src(%arg26 : memref<128x16xf32, #tpu.memory_space<vmem>>) dst(%dma_wait3A_130 : memref<10000x16xf32, #tpu.memory_space<vmem_shared>>)
          tpu.yield
        }) : () -> ()
        %add3A_96 = arith.constant 1 : i32
        %add3A_97 = arith.addi %while3A_67, %add3A_96 : i32
        %lt3A_98 = arith.cmpi slt, %add3A_97, %select_n3A : i32
        %add3A_99 = arith.constant 4 : i32
        %add3A_100 = arith.addi %add3A_71, %add3A_99 : i32
        %select_n3A_101 = arith.select %lt3A_98, %add3A_100, %mul3A_8 : i32
        %add3A_102 = arith.constant 0 : i32
        %add3A_103 = arith.addi %select_n3A_101, %add3A_102 : i32
        %mul3A_104 = arith.constant 128 : i32
        %mul3A_105 = arith.muli %add3A_103, %mul3A_104 : i32
        %multiple_of3A_106 = tpu.assume_multiple %mul3A_105, 128 : i32
        "tpu.region"() ({
          %run_scoped3A = tpu.sem_alloc : memref<!tpu.dma_semaphore, #tpu.memory_space<semaphore_mem>>
          %dma_start3A_125 = arith.constant 0 : i32
          %dma_start3A_126 = tpu.memref_slice %arg2[%cond3A_15, %dma_start3A_125] : memref<2x320000xi32, #tpu.memory_space<hbm>> -> memref<1x320000xi32, #tpu.memory_space<hbm>>
          %dma_start3A_127 = tpu.memref_squeeze %dma_start3A_126 : memref<1x320000xi32, #tpu.memory_space<hbm>> -> memref<320000xi32, #tpu.memory_space<hbm>>
          %dma_start3A_128 = tpu.memref_slice %dma_start3A_127[%multiple_of3A_106] : memref<320000xi32, #tpu.memory_space<hbm>> -> memref<128xi32, #tpu.memory_space<hbm>>
          %dma_start3A_129 = arith.constant 0 : i32
          %dma_start3A_130 = tpu.memref_slice %arg2[%cond3A_15, %dma_start3A_129] : memref<2x320000xi32, #tpu.memory_space<hbm>> -> memref<1x320000xi32, #tpu.memory_space<hbm>>
          %dma_start3A_131 = tpu.memref_squeeze %dma_start3A_130 : memref<1x320000xi32, #tpu.memory_space<hbm>> -> memref<320000xi32, #tpu.memory_space<hbm>>
          %dma_start3A_132 = tpu.memref_slice %dma_start3A_131[%multiple_of3A_106] : memref<320000xi32, #tpu.memory_space<hbm>> -> memref<128xi32, #tpu.memory_space<hbm>>
          tpu.enqueue_dma source(%dma_start3A_132 : memref<128xi32, #tpu.memory_space<hbm>>) target(%arg13 : memref<128xi32, #tpu.memory_space<vmem>>) target_semaphore(%run_scoped3A : memref<!tpu.dma_semaphore, #tpu.memory_space<semaphore_mem>>)
          %dma_wait3A_133 = arith.constant 0 : i32
          %dma_wait3A_134 = tpu.memref_slice %arg2[%cond3A_15, %dma_wait3A_133] : memref<2x320000xi32, #tpu.memory_space<hbm>> -> memref<1x320000xi32, #tpu.memory_space<hbm>>
          %dma_wait3A_135 = tpu.memref_squeeze %dma_wait3A_134 : memref<1x320000xi32, #tpu.memory_space<hbm>> -> memref<320000xi32, #tpu.memory_space<hbm>>
          %dma_wait3A_136 = tpu.memref_slice %dma_wait3A_135[%multiple_of3A_106] : memref<320000xi32, #tpu.memory_space<hbm>> -> memref<128xi32, #tpu.memory_space<hbm>>
          %dma_wait3A_137 = arith.constant 0 : i32
          %dma_wait3A_138 = tpu.memref_slice %arg2[%cond3A_15, %dma_wait3A_137] : memref<2x320000xi32, #tpu.memory_space<hbm>> -> memref<1x320000xi32, #tpu.memory_space<hbm>>
          %dma_wait3A_139 = tpu.memref_squeeze %dma_wait3A_138 : memref<1x320000xi32, #tpu.memory_space<hbm>> -> memref<320000xi32, #tpu.memory_space<hbm>>
          %dma_wait3A_140 = tpu.memref_slice %dma_wait3A_139[%multiple_of3A_106] : memref<320000xi32, #tpu.memory_space<hbm>> -> memref<128xi32, #tpu.memory_space<hbm>>
          tpu.wait_dma2 semaphore(%run_scoped3A : memref<!tpu.dma_semaphore, #tpu.memory_space<semaphore_mem>>) src(%dma_wait3A_140 : memref<128xi32, #tpu.memory_space<hbm>>) dst(%arg13 : memref<128xi32, #tpu.memory_space<vmem>>)
          tpu.yield
        }) : () -> ()
        "tpu.region"() ({
          %run_scoped3A = tpu.sem_alloc : memref<!tpu.dma_semaphore, #tpu.memory_space<semaphore_mem>>
          %dma_start3A_125 = arith.constant 0 : i32
          %dma_start3A_126 = tpu.memref_slice %arg2[%cond3A_16, %dma_start3A_125] : memref<2x320000xi32, #tpu.memory_space<hbm>> -> memref<1x320000xi32, #tpu.memory_space<hbm>>
          %dma_start3A_127 = tpu.memref_squeeze %dma_start3A_126 : memref<1x320000xi32, #tpu.memory_space<hbm>> -> memref<320000xi32, #tpu.memory_space<hbm>>
          %dma_start3A_128 = tpu.memref_slice %dma_start3A_127[%multiple_of3A_106] : memref<320000xi32, #tpu.memory_space<hbm>> -> memref<128xi32, #tpu.memory_space<hbm>>
          %dma_start3A_129 = arith.constant 0 : i32
          %dma_start3A_130 = tpu.memref_slice %arg2[%cond3A_16, %dma_start3A_129] : memref<2x320000xi32, #tpu.memory_space<hbm>> -> memref<1x320000xi32, #tpu.memory_space<hbm>>
          %dma_start3A_131 = tpu.memref_squeeze %dma_start3A_130 : memref<1x320000xi32, #tpu.memory_space<hbm>> -> memref<320000xi32, #tpu.memory_space<hbm>>
          %dma_start3A_132 = tpu.memref_slice %dma_start3A_131[%multiple_of3A_106] : memref<320000xi32, #tpu.memory_space<hbm>> -> memref<128xi32, #tpu.memory_space<hbm>>
          tpu.enqueue_dma source(%dma_start3A_132 : memref<128xi32, #tpu.memory_space<hbm>>) target(%arg17 : memref<128xi32, #tpu.memory_space<vmem>>) target_semaphore(%run_scoped3A : memref<!tpu.dma_semaphore, #tpu.memory_space<semaphore_mem>>)
          %dma_wait3A_133 = arith.constant 0 : i32
          %dma_wait3A_134 = tpu.memref_slice %arg2[%cond3A_16, %dma_wait3A_133] : memref<2x320000xi32, #tpu.memory_space<hbm>> -> memref<1x320000xi32, #tpu.memory_space<hbm>>
          %dma_wait3A_135 = tpu.memref_squeeze %dma_wait3A_134 : memref<1x320000xi32, #tpu.memory_space<hbm>> -> memref<320000xi32, #tpu.memory_space<hbm>>
          %dma_wait3A_136 = tpu.memref_slice %dma_wait3A_135[%multiple_of3A_106] : memref<320000xi32, #tpu.memory_space<hbm>> -> memref<128xi32, #tpu.memory_space<hbm>>
          %dma_wait3A_137 = arith.constant 0 : i32
          %dma_wait3A_138 = tpu.memref_slice %arg2[%cond3A_16, %dma_wait3A_137] : memref<2x320000xi32, #tpu.memory_space<hbm>> -> memref<1x320000xi32, #tpu.memory_space<hbm>>
          %dma_wait3A_139 = tpu.memref_squeeze %dma_wait3A_138 : memref<1x320000xi32, #tpu.memory_space<hbm>> -> memref<320000xi32, #tpu.memory_space<hbm>>
          %dma_wait3A_140 = tpu.memref_slice %dma_wait3A_139[%multiple_of3A_106] : memref<320000xi32, #tpu.memory_space<hbm>> -> memref<128xi32, #tpu.memory_space<hbm>>
          tpu.wait_dma2 semaphore(%run_scoped3A : memref<!tpu.dma_semaphore, #tpu.memory_space<semaphore_mem>>) src(%dma_wait3A_140 : memref<128xi32, #tpu.memory_space<hbm>>) dst(%arg17 : memref<128xi32, #tpu.memory_space<vmem>>)
          tpu.yield
        }) : () -> ()
        "tpu.region"() ({
          %run_scoped3A = tpu.sem_alloc : memref<!tpu.dma_semaphore, #tpu.memory_space<semaphore_mem>>
          %dma_start3A_125 = arith.constant 0 : i32
          %dma_start3A_126 = tpu.memref_slice %arg3[%multiple_of3A_106, %dma_start3A_125] : memref<320000x16xf32, #tpu.memory_space<hbm>> -> memref<128x16xf32, #tpu.memory_space<hbm>>
          %dma_start3A_127 = arith.constant 0 : i32
          %dma_start3A_128 = tpu.memref_slice %arg3[%multiple_of3A_106, %dma_start3A_127] : memref<320000x16xf32, #tpu.memory_space<hbm>> -> memref<128x16xf32, #tpu.memory_space<hbm>>
          tpu.enqueue_dma source(%dma_start3A_128 : memref<128x16xf32, #tpu.memory_space<hbm>>) target(%arg25 : memref<128x16xf32, #tpu.memory_space<vmem>>) target_semaphore(%run_scoped3A : memref<!tpu.dma_semaphore, #tpu.memory_space<semaphore_mem>>)
          %dma_wait3A_129 = arith.constant 0 : i32
          %dma_wait3A_130 = tpu.memref_slice %arg3[%multiple_of3A_106, %dma_wait3A_129] : memref<320000x16xf32, #tpu.memory_space<hbm>> -> memref<128x16xf32, #tpu.memory_space<hbm>>
          %dma_wait3A_131 = arith.constant 0 : i32
          %dma_wait3A_132 = tpu.memref_slice %arg3[%multiple_of3A_106, %dma_wait3A_131] : memref<320000x16xf32, #tpu.memory_space<hbm>> -> memref<128x16xf32, #tpu.memory_space<hbm>>
          tpu.wait_dma2 semaphore(%run_scoped3A : memref<!tpu.dma_semaphore, #tpu.memory_space<semaphore_mem>>) src(%dma_wait3A_132 : memref<128x16xf32, #tpu.memory_space<hbm>>) dst(%arg25 : memref<128x16xf32, #tpu.memory_space<vmem>>)
          tpu.yield
        }) : () -> ()
        %add3A_107 = arith.constant 1 : i32
        %add3A_108 = arith.addi %select_n3A_101, %add3A_107 : i32
        %mul3A_109 = arith.constant 128 : i32
        %mul3A_110 = arith.muli %add3A_108, %mul3A_109 : i32
        %multiple_of3A_111 = tpu.assume_multiple %mul3A_110, 128 : i32
        "tpu.region"() ({
          %run_scoped3A = tpu.sem_alloc : memref<!tpu.dma_semaphore, #tpu.memory_space<semaphore_mem>>
          %dma_start3A_125 = arith.constant 0 : i32
          %dma_start3A_126 = tpu.memref_slice %arg2[%cond3A_15, %dma_start3A_125] : memref<2x320000xi32, #tpu.memory_space<hbm>> -> memref<1x320000xi32, #tpu.memory_space<hbm>>
          %dma_start3A_127 = tpu.memref_squeeze %dma_start3A_126 : memref<1x320000xi32, #tpu.memory_space<hbm>> -> memref<320000xi32, #tpu.memory_space<hbm>>
          %dma_start3A_128 = tpu.memref_slice %dma_start3A_127[%multiple_of3A_111] : memref<320000xi32, #tpu.memory_space<hbm>> -> memref<128xi32, #tpu.memory_space<hbm>>
          %dma_start3A_129 = arith.constant 0 : i32
          %dma_start3A_130 = tpu.memref_slice %arg2[%cond3A_15, %dma_start3A_129] : memref<2x320000xi32, #tpu.memory_space<hbm>> -> memref<1x320000xi32, #tpu.memory_space<hbm>>
          %dma_start3A_131 = tpu.memref_squeeze %dma_start3A_130 : memref<1x320000xi32, #tpu.memory_space<hbm>> -> memref<320000xi32, #tpu.memory_space<hbm>>
          %dma_start3A_132 = tpu.memref_slice %dma_start3A_131[%multiple_of3A_111] : memref<320000xi32, #tpu.memory_space<hbm>> -> memref<128xi32, #tpu.memory_space<hbm>>
          tpu.enqueue_dma source(%dma_start3A_132 : memref<128xi32, #tpu.memory_space<hbm>>) target(%arg14 : memref<128xi32, #tpu.memory_space<vmem>>) target_semaphore(%run_scoped3A : memref<!tpu.dma_semaphore, #tpu.memory_space<semaphore_mem>>)
          %dma_wait3A_133 = arith.constant 0 : i32
          %dma_wait3A_134 = tpu.memref_slice %arg2[%cond3A_15, %dma_wait3A_133] : memref<2x320000xi32, #tpu.memory_space<hbm>> -> memref<1x320000xi32, #tpu.memory_space<hbm>>
          %dma_wait3A_135 = tpu.memref_squeeze %dma_wait3A_134 : memref<1x320000xi32, #tpu.memory_space<hbm>> -> memref<320000xi32, #tpu.memory_space<hbm>>
          %dma_wait3A_136 = tpu.memref_slice %dma_wait3A_135[%multiple_of3A_111] : memref<320000xi32, #tpu.memory_space<hbm>> -> memref<128xi32, #tpu.memory_space<hbm>>
          %dma_wait3A_137 = arith.constant 0 : i32
          %dma_wait3A_138 = tpu.memref_slice %arg2[%cond3A_15, %dma_wait3A_137] : memref<2x320000xi32, #tpu.memory_space<hbm>> -> memref<1x320000xi32, #tpu.memory_space<hbm>>
          %dma_wait3A_139 = tpu.memref_squeeze %dma_wait3A_138 : memref<1x320000xi32, #tpu.memory_space<hbm>> -> memref<320000xi32, #tpu.memory_space<hbm>>
          %dma_wait3A_140 = tpu.memref_slice %dma_wait3A_139[%multiple_of3A_111] : memref<320000xi32, #tpu.memory_space<hbm>> -> memref<128xi32, #tpu.memory_space<hbm>>
          tpu.wait_dma2 semaphore(%run_scoped3A : memref<!tpu.dma_semaphore, #tpu.memory_space<semaphore_mem>>) src(%dma_wait3A_140 : memref<128xi32, #tpu.memory_space<hbm>>) dst(%arg14 : memref<128xi32, #tpu.memory_space<vmem>>)
          tpu.yield
        }) : () -> ()
        "tpu.region"() ({
          %run_scoped3A = tpu.sem_alloc : memref<!tpu.dma_semaphore, #tpu.memory_space<semaphore_mem>>
          %dma_start3A_125 = arith.constant 0 : i32
          %dma_start3A_126 = tpu.memref_slice %arg2[%cond3A_16, %dma_start3A_125] : memref<2x320000xi32, #tpu.memory_space<hbm>> -> memref<1x320000xi32, #tpu.memory_space<hbm>>
          %dma_start3A_127 = tpu.memref_squeeze %dma_start3A_126 : memref<1x320000xi32, #tpu.memory_space<hbm>> -> memref<320000xi32, #tpu.memory_space<hbm>>
          %dma_start3A_128 = tpu.memref_slice %dma_start3A_127[%multiple_of3A_111] : memref<320000xi32, #tpu.memory_space<hbm>> -> memref<128xi32, #tpu.memory_space<hbm>>
          %dma_start3A_129 = arith.constant 0 : i32
          %dma_start3A_130 = tpu.memref_slice %arg2[%cond3A_16, %dma_start3A_129] : memref<2x320000xi32, #tpu.memory_space<hbm>> -> memref<1x320000xi32, #tpu.memory_space<hbm>>
          %dma_start3A_131 = tpu.memref_squeeze %dma_start3A_130 : memref<1x320000xi32, #tpu.memory_space<hbm>> -> memref<320000xi32, #tpu.memory_space<hbm>>
          %dma_start3A_132 = tpu.memref_slice %dma_start3A_131[%multiple_of3A_111] : memref<320000xi32, #tpu.memory_space<hbm>> -> memref<128xi32, #tpu.memory_space<hbm>>
          tpu.enqueue_dma source(%dma_start3A_132 : memref<128xi32, #tpu.memory_space<hbm>>) target(%arg18 : memref<128xi32, #tpu.memory_space<vmem>>) target_semaphore(%run_scoped3A : memref<!tpu.dma_semaphore, #tpu.memory_space<semaphore_mem>>)
          %dma_wait3A_133 = arith.constant 0 : i32
          %dma_wait3A_134 = tpu.memref_slice %arg2[%cond3A_16, %dma_wait3A_133] : memref<2x320000xi32, #tpu.memory_space<hbm>> -> memref<1x320000xi32, #tpu.memory_space<hbm>>
          %dma_wait3A_135 = tpu.memref_squeeze %dma_wait3A_134 : memref<1x320000xi32, #tpu.memory_space<hbm>> -> memref<320000xi32, #tpu.memory_space<hbm>>
          %dma_wait3A_136 = tpu.memref_slice %dma_wait3A_135[%multiple_of3A_111] : memref<320000xi32, #tpu.memory_space<hbm>> -> memref<128xi32, #tpu.memory_space<hbm>>
          %dma_wait3A_137 = arith.constant 0 : i32
          %dma_wait3A_138 = tpu.memref_slice %arg2[%cond3A_16, %dma_wait3A_137] : memref<2x320000xi32, #tpu.memory_space<hbm>> -> memref<1x320000xi32, #tpu.memory_space<hbm>>
          %dma_wait3A_139 = tpu.memref_squeeze %dma_wait3A_138 : memref<1x320000xi32, #tpu.memory_space<hbm>> -> memref<320000xi32, #tpu.memory_space<hbm>>
          %dma_wait3A_140 = tpu.memref_slice %dma_wait3A_139[%multiple_of3A_111] : memref<320000xi32, #tpu.memory_space<hbm>> -> memref<128xi32, #tpu.memory_space<hbm>>
          tpu.wait_dma2 semaphore(%run_scoped3A : memref<!tpu.dma_semaphore, #tpu.memory_space<semaphore_mem>>) src(%dma_wait3A_140 : memref<128xi32, #tpu.memory_space<hbm>>) dst(%arg18 : memref<128xi32, #tpu.memory_space<vmem>>)
          tpu.yield
        }) : () -> ()
        "tpu.region"() ({
          %run_scoped3A = tpu.sem_alloc : memref<!tpu.dma_semaphore, #tpu.memory_space<semaphore_mem>>
          %dma_start3A_125 = arith.constant 0 : i32
          %dma_start3A_126 = tpu.memref_slice %arg3[%multiple_of3A_111, %dma_start3A_125] : memref<320000x16xf32, #tpu.memory_space<hbm>> -> memref<128x16xf32, #tpu.memory_space<hbm>>
          %dma_start3A_127 = arith.constant 0 : i32
          %dma_start3A_128 = tpu.memref_slice %arg3[%multiple_of3A_111, %dma_start3A_127] : memref<320000x16xf32, #tpu.memory_space<hbm>> -> memref<128x16xf32, #tpu.memory_space<hbm>>
          tpu.enqueue_dma source(%dma_start3A_128 : memref<128x16xf32, #tpu.memory_space<hbm>>) target(%arg26 : memref<128x16xf32, #tpu.memory_space<vmem>>) target_semaphore(%run_scoped3A : memref<!tpu.dma_semaphore, #tpu.memory_space<semaphore_mem>>)
          %dma_wait3A_129 = arith.constant 0 : i32
          %dma_wait3A_130 = tpu.memref_slice %arg3[%multiple_of3A_111, %dma_wait3A_129] : memref<320000x16xf32, #tpu.memory_space<hbm>> -> memref<128x16xf32, #tpu.memory_space<hbm>>
          %dma_wait3A_131 = arith.constant 0 : i32
          %dma_wait3A_132 = tpu.memref_slice %arg3[%multiple_of3A_111, %dma_wait3A_131] : memref<320000x16xf32, #tpu.memory_space<hbm>> -> memref<128x16xf32, #tpu.memory_space<hbm>>
          tpu.wait_dma2 semaphore(%run_scoped3A : memref<!tpu.dma_semaphore, #tpu.memory_space<semaphore_mem>>) src(%dma_wait3A_132 : memref<128x16xf32, #tpu.memory_space<hbm>>) dst(%arg26 : memref<128x16xf32, #tpu.memory_space<vmem>>)
          tpu.yield
        }) : () -> ()
        %dma_start3A_112 = arith.constant 0 : i32
        %dma_start3A_113 = arith.constant 0 : i32
        %dma_start3A_114 = tpu.memref_slice %arg5[%dma_start3A_112, %dma_start3A_113] : memref<10000x64xf32, #tpu.memory_space<hbm>> -> memref<10000x64xf32, #tpu.memory_space<hbm>>
        tpu.enqueue_indirect_dma source(%dma_start3A_114 : memref<10000x64xf32, #tpu.memory_space<hbm>>) target(%arg21 : memref<128x64xf32, #tpu.memory_space<vmem>>) offsets(%arg17 : memref<128xi32, #tpu.memory_space<vmem>>) semaphore(%arg31 : memref<!tpu.dma_semaphore, #tpu.memory_space<semaphore_mem>>)
        %dma_start3A_115 = arith.constant 0 : i32
        %dma_start3A_116 = arith.constant 0 : i32
        %dma_start3A_117 = tpu.memref_slice %arg5[%dma_start3A_115, %dma_start3A_116] : memref<10000x64xf32, #tpu.memory_space<hbm>> -> memref<10000x64xf32, #tpu.memory_space<hbm>>
        tpu.enqueue_indirect_dma source(%dma_start3A_117 : memref<10000x64xf32, #tpu.memory_space<hbm>>) target(%arg22 : memref<128x64xf32, #tpu.memory_space<vmem>>) offsets(%arg18 : memref<128xi32, #tpu.memory_space<vmem>>) semaphore(%arg31 : memref<!tpu.dma_semaphore, #tpu.memory_space<semaphore_mem>>)
        %dma_wait3A_118 = arith.constant 0 : i32
        %dma_wait3A_119 = arith.constant 0 : i32
        %dma_wait3A_120 = tpu.memref_slice %arg5[%dma_wait3A_118, %dma_wait3A_119] : memref<10000x64xf32, #tpu.memory_space<hbm>> -> memref<10000x64xf32, #tpu.memory_space<hbm>>
        tpu.wait_indirect_dma semaphore(%arg32 : memref<!tpu.dma_semaphore, #tpu.memory_space<semaphore_mem>>) src(%dma_wait3A_120 : memref<10000x64xf32, #tpu.memory_space<hbm>>) dst(%arg23 : memref<128x64xf32, #tpu.memory_space<vmem>>)
        %dma_wait3A_121 = arith.constant 0 : i32
        %dma_wait3A_122 = arith.constant 0 : i32
        %dma_wait3A_123 = tpu.memref_slice %arg5[%dma_wait3A_121, %dma_wait3A_122] : memref<10000x64xf32, #tpu.memory_space<hbm>> -> memref<10000x64xf32, #tpu.memory_space<hbm>>
        tpu.wait_indirect_dma semaphore(%arg32 : memref<!tpu.dma_semaphore, #tpu.memory_space<semaphore_mem>>) src(%dma_wait3A_123 : memref<10000x64xf32, #tpu.memory_space<hbm>>) dst(%arg24 : memref<128x64xf32, #tpu.memory_space<vmem>>)
        "tpu.region"() ({
          %run_scoped3A = tpu.sem_alloc : memref<!tpu.dma_semaphore, #tpu.memory_space<semaphore_mem>>
          %dma_start3A_125 = arith.constant 0 : i32
          %dma_start3A_126 = arith.constant 0 : i32
          %dma_start3A_127 = tpu.memref_slice %arg29[%dma_start3A_125, %dma_start3A_126] : memref<10000x64xf32, #tpu.memory_space<vmem_shared>> -> memref<10000x64xf32, #tpu.memory_space<vmem_shared>>
          tpu.enqueue_indirect_dma source(%arg23 : memref<128x64xf32, #tpu.memory_space<vmem>>) target(%dma_start3A_127 : memref<10000x64xf32, #tpu.memory_space<vmem_shared>>) offsets(%arg15 : memref<128xi32, #tpu.memory_space<vmem>>) semaphore(%run_scoped3A : memref<!tpu.dma_semaphore, #tpu.memory_space<semaphore_mem>>) {add = true}
          %dma_wait3A_128 = arith.constant 0 : i32
          %dma_wait3A_129 = arith.constant 0 : i32
          %dma_wait3A_130 = tpu.memref_slice %arg29[%dma_wait3A_128, %dma_wait3A_129] : memref<10000x64xf32, #tpu.memory_space<vmem_shared>> -> memref<10000x64xf32, #tpu.memory_space<vmem_shared>>
          tpu.wait_indirect_dma semaphore(%run_scoped3A : memref<!tpu.dma_semaphore, #tpu.memory_space<semaphore_mem>>) src(%arg23 : memref<128x64xf32, #tpu.memory_space<vmem>>) dst(%dma_wait3A_130 : memref<10000x64xf32, #tpu.memory_space<vmem_shared>>)
          tpu.yield
        }) : () -> ()
        "tpu.region"() ({
          %run_scoped3A = tpu.sem_alloc : memref<!tpu.dma_semaphore, #tpu.memory_space<semaphore_mem>>
          %dma_start3A_125 = arith.constant 0 : i32
          %dma_start3A_126 = arith.constant 0 : i32
          %dma_start3A_127 = tpu.memref_slice %arg30[%dma_start3A_125, %dma_start3A_126] : memref<10000x16xf32, #tpu.memory_space<vmem_shared>> -> memref<10000x16xf32, #tpu.memory_space<vmem_shared>>
          tpu.enqueue_indirect_dma source(%arg27 : memref<128x16xf32, #tpu.memory_space<vmem>>) target(%dma_start3A_127 : memref<10000x16xf32, #tpu.memory_space<vmem_shared>>) offsets(%arg15 : memref<128xi32, #tpu.memory_space<vmem>>) semaphore(%run_scoped3A : memref<!tpu.dma_semaphore, #tpu.memory_space<semaphore_mem>>) {add = true}
          %dma_wait3A_128 = arith.constant 0 : i32
          %dma_wait3A_129 = arith.constant 0 : i32
          %dma_wait3A_130 = tpu.memref_slice %arg30[%dma_wait3A_128, %dma_wait3A_129] : memref<10000x16xf32, #tpu.memory_space<vmem_shared>> -> memref<10000x16xf32, #tpu.memory_space<vmem_shared>>
          tpu.wait_indirect_dma semaphore(%run_scoped3A : memref<!tpu.dma_semaphore, #tpu.memory_space<semaphore_mem>>) src(%arg27 : memref<128x16xf32, #tpu.memory_space<vmem>>) dst(%dma_wait3A_130 : memref<10000x16xf32, #tpu.memory_space<vmem_shared>>)
          tpu.yield
        }) : () -> ()
        "tpu.region"() ({
          %run_scoped3A = tpu.sem_alloc : memref<!tpu.dma_semaphore, #tpu.memory_space<semaphore_mem>>
          %dma_start3A_125 = arith.constant 0 : i32
          %dma_start3A_126 = arith.constant 0 : i32
          %dma_start3A_127 = tpu.memref_slice %arg29[%dma_start3A_125, %dma_start3A_126] : memref<10000x64xf32, #tpu.memory_space<vmem_shared>> -> memref<10000x64xf32, #tpu.memory_space<vmem_shared>>
          tpu.enqueue_indirect_dma source(%arg24 : memref<128x64xf32, #tpu.memory_space<vmem>>) target(%dma_start3A_127 : memref<10000x64xf32, #tpu.memory_space<vmem_shared>>) offsets(%arg16 : memref<128xi32, #tpu.memory_space<vmem>>) semaphore(%run_scoped3A : memref<!tpu.dma_semaphore, #tpu.memory_space<semaphore_mem>>) {add = true}
          %dma_wait3A_128 = arith.constant 0 : i32
          %dma_wait3A_129 = arith.constant 0 : i32
          %dma_wait3A_130 = tpu.memref_slice %arg29[%dma_wait3A_128, %dma_wait3A_129] : memref<10000x64xf32, #tpu.memory_space<vmem_shared>> -> memref<10000x64xf32, #tpu.memory_space<vmem_shared>>
          tpu.wait_indirect_dma semaphore(%run_scoped3A : memref<!tpu.dma_semaphore, #tpu.memory_space<semaphore_mem>>) src(%arg24 : memref<128x64xf32, #tpu.memory_space<vmem>>) dst(%dma_wait3A_130 : memref<10000x64xf32, #tpu.memory_space<vmem_shared>>)
          tpu.yield
        }) : () -> ()
        "tpu.region"() ({
          %run_scoped3A = tpu.sem_alloc : memref<!tpu.dma_semaphore, #tpu.memory_space<semaphore_mem>>
          %dma_start3A_125 = arith.constant 0 : i32
          %dma_start3A_126 = arith.constant 0 : i32
          %dma_start3A_127 = tpu.memref_slice %arg30[%dma_start3A_125, %dma_start3A_126] : memref<10000x16xf32, #tpu.memory_space<vmem_shared>> -> memref<10000x16xf32, #tpu.memory_space<vmem_shared>>
          tpu.enqueue_indirect_dma source(%arg28 : memref<128x16xf32, #tpu.memory_space<vmem>>) target(%dma_start3A_127 : memref<10000x16xf32, #tpu.memory_space<vmem_shared>>) offsets(%arg16 : memref<128xi32, #tpu.memory_space<vmem>>) semaphore(%run_scoped3A : memref<!tpu.dma_semaphore, #tpu.memory_space<semaphore_mem>>) {add = true}
          %dma_wait3A_128 = arith.constant 0 : i32
          %dma_wait3A_129 = arith.constant 0 : i32
          %dma_wait3A_130 = tpu.memref_slice %arg30[%dma_wait3A_128, %dma_wait3A_129] : memref<10000x16xf32, #tpu.memory_space<vmem_shared>> -> memref<10000x16xf32, #tpu.memory_space<vmem_shared>>
          tpu.wait_indirect_dma semaphore(%run_scoped3A : memref<!tpu.dma_semaphore, #tpu.memory_space<semaphore_mem>>) src(%arg28 : memref<128x16xf32, #tpu.memory_space<vmem>>) dst(%dma_wait3A_130 : memref<10000x16xf32, #tpu.memory_space<vmem_shared>>)
          tpu.yield
        }) : () -> ()
        %while3A_124 = arith.constant 0 : i32
        scf.yield %while3A_124 : i32
      }
      %dma_wait3A = arith.constant 0 : i32
      %dma_wait3A_62 = arith.constant 0 : i32
      %dma_wait3A_63 = tpu.memref_slice %arg5[%dma_wait3A, %dma_wait3A_62] : memref<10000x64xf32, #tpu.memory_space<hbm>> -> memref<10000x64xf32, #tpu.memory_space<hbm>>
      tpu.wait_indirect_dma semaphore(%arg31 : memref<!tpu.dma_semaphore, #tpu.memory_space<semaphore_mem>>) src(%dma_wait3A_63 : memref<10000x64xf32, #tpu.memory_space<hbm>>) dst(%arg21 : memref<128x64xf32, #tpu.memory_space<vmem>>)
      %dma_wait3A_64 = arith.constant 0 : i32
      %dma_wait3A_65 = arith.constant 0 : i32
      %dma_wait3A_66 = tpu.memref_slice %arg5[%dma_wait3A_64, %dma_wait3A_65] : memref<10000x64xf32, #tpu.memory_space<hbm>> -> memref<10000x64xf32, #tpu.memory_space<hbm>>
      tpu.wait_indirect_dma semaphore(%arg31 : memref<!tpu.dma_semaphore, #tpu.memory_space<semaphore_mem>>) src(%dma_wait3A_66 : memref<10000x64xf32, #tpu.memory_space<hbm>>) dst(%arg22 : memref<128x64xf32, #tpu.memory_space<vmem>>)
    } else {
    }
    %eq3A_19 = arith.constant 1 : i32
    %eq3A_20 = arith.cmpi eq, %arg0, %eq3A_19 : i32
    %convert_element_type3A_21 = arith.extui %eq3A_20 : i1 to i32
    %cond3A_22 = arith.constant 0 : i32
    %cond3A_23 = arith.constant 1 : i32
    %cond3A_24 = arith.constant 0 : i32
    %cond3A_25 = arith.cmpi ne, %convert_element_type3A_21, %cond3A_24 : i32
    scf.if %cond3A_25 {
      %add3A = arith.constant 0 : i32
      %add3A_37 = arith.addi %mul3A_8, %add3A : i32
      %mul3A_38 = arith.constant 128 : i32
      %mul3A_39 = arith.muli %add3A_37, %mul3A_38 : i32
      %multiple_of3A_40 = tpu.assume_multiple %mul3A_39, 128 : i32
      "tpu.region"() ({
        %run_scoped3A = tpu.sem_alloc : memref<!tpu.dma_semaphore, #tpu.memory_space<semaphore_mem>>
        %dma_start3A_67 = arith.constant 0 : i32
        %dma_start3A_68 = tpu.memref_slice %arg2[%cond3A_22, %dma_start3A_67] : memref<2x320000xi32, #tpu.memory_space<hbm>> -> memref<1x320000xi32, #tpu.memory_space<hbm>>
        %dma_start3A_69 = tpu.memref_squeeze %dma_start3A_68 : memref<1x320000xi32, #tpu.memory_space<hbm>> -> memref<320000xi32, #tpu.memory_space<hbm>>
        %dma_start3A_70 = tpu.memref_slice %dma_start3A_69[%multiple_of3A_40] : memref<320000xi32, #tpu.memory_space<hbm>> -> memref<128xi32, #tpu.memory_space<hbm>>
        %dma_start3A_71 = arith.constant 0 : i32
        %dma_start3A_72 = tpu.memref_slice %arg2[%cond3A_22, %dma_start3A_71] : memref<2x320000xi32, #tpu.memory_space<hbm>> -> memref<1x320000xi32, #tpu.memory_space<hbm>>
        %dma_start3A_73 = tpu.memref_squeeze %dma_start3A_72 : memref<1x320000xi32, #tpu.memory_space<hbm>> -> memref<320000xi32, #tpu.memory_space<hbm>>
        %dma_start3A_74 = tpu.memref_slice %dma_start3A_73[%multiple_of3A_40] : memref<320000xi32, #tpu.memory_space<hbm>> -> memref<128xi32, #tpu.memory_space<hbm>>
        tpu.enqueue_dma source(%dma_start3A_74 : memref<128xi32, #tpu.memory_space<hbm>>) target(%arg13 : memref<128xi32, #tpu.memory_space<vmem>>) target_semaphore(%run_scoped3A : memref<!tpu.dma_semaphore, #tpu.memory_space<semaphore_mem>>)
        %dma_wait3A_75 = arith.constant 0 : i32
        %dma_wait3A_76 = tpu.memref_slice %arg2[%cond3A_22, %dma_wait3A_75] : memref<2x320000xi32, #tpu.memory_space<hbm>> -> memref<1x320000xi32, #tpu.memory_space<hbm>>
        %dma_wait3A_77 = tpu.memref_squeeze %dma_wait3A_76 : memref<1x320000xi32, #tpu.memory_space<hbm>> -> memref<320000xi32, #tpu.memory_space<hbm>>
        %dma_wait3A_78 = tpu.memref_slice %dma_wait3A_77[%multiple_of3A_40] : memref<320000xi32, #tpu.memory_space<hbm>> -> memref<128xi32, #tpu.memory_space<hbm>>
        %dma_wait3A_79 = arith.constant 0 : i32
        %dma_wait3A_80 = tpu.memref_slice %arg2[%cond3A_22, %dma_wait3A_79] : memref<2x320000xi32, #tpu.memory_space<hbm>> -> memref<1x320000xi32, #tpu.memory_space<hbm>>
        %dma_wait3A_81 = tpu.memref_squeeze %dma_wait3A_80 : memref<1x320000xi32, #tpu.memory_space<hbm>> -> memref<320000xi32, #tpu.memory_space<hbm>>
        %dma_wait3A_82 = tpu.memref_slice %dma_wait3A_81[%multiple_of3A_40] : memref<320000xi32, #tpu.memory_space<hbm>> -> memref<128xi32, #tpu.memory_space<hbm>>
        tpu.wait_dma2 semaphore(%run_scoped3A : memref<!tpu.dma_semaphore, #tpu.memory_space<semaphore_mem>>) src(%dma_wait3A_82 : memref<128xi32, #tpu.memory_space<hbm>>) dst(%arg13 : memref<128xi32, #tpu.memory_space<vmem>>)
        tpu.yield
      }) : () -> ()
      "tpu.region"() ({
        %run_scoped3A = tpu.sem_alloc : memref<!tpu.dma_semaphore, #tpu.memory_space<semaphore_mem>>
        %dma_start3A_67 = arith.constant 0 : i32
        %dma_start3A_68 = tpu.memref_slice %arg2[%cond3A_23, %dma_start3A_67] : memref<2x320000xi32, #tpu.memory_space<hbm>> -> memref<1x320000xi32, #tpu.memory_space<hbm>>
        %dma_start3A_69 = tpu.memref_squeeze %dma_start3A_68 : memref<1x320000xi32, #tpu.memory_space<hbm>> -> memref<320000xi32, #tpu.memory_space<hbm>>
        %dma_start3A_70 = tpu.memref_slice %dma_start3A_69[%multiple_of3A_40] : memref<320000xi32, #tpu.memory_space<hbm>> -> memref<128xi32, #tpu.memory_space<hbm>>
        %dma_start3A_71 = arith.constant 0 : i32
        %dma_start3A_72 = tpu.memref_slice %arg2[%cond3A_23, %dma_start3A_71] : memref<2x320000xi32, #tpu.memory_space<hbm>> -> memref<1x320000xi32, #tpu.memory_space<hbm>>
        %dma_start3A_73 = tpu.memref_squeeze %dma_start3A_72 : memref<1x320000xi32, #tpu.memory_space<hbm>> -> memref<320000xi32, #tpu.memory_space<hbm>>
        %dma_start3A_74 = tpu.memref_slice %dma_start3A_73[%multiple_of3A_40] : memref<320000xi32, #tpu.memory_space<hbm>> -> memref<128xi32, #tpu.memory_space<hbm>>
        tpu.enqueue_dma source(%dma_start3A_74 : memref<128xi32, #tpu.memory_space<hbm>>) target(%arg17 : memref<128xi32, #tpu.memory_space<vmem>>) target_semaphore(%run_scoped3A : memref<!tpu.dma_semaphore, #tpu.memory_space<semaphore_mem>>)
        %dma_wait3A_75 = arith.constant 0 : i32
        %dma_wait3A_76 = tpu.memref_slice %arg2[%cond3A_23, %dma_wait3A_75] : memref<2x320000xi32, #tpu.memory_space<hbm>> -> memref<1x320000xi32, #tpu.memory_space<hbm>>
        %dma_wait3A_77 = tpu.memref_squeeze %dma_wait3A_76 : memref<1x320000xi32, #tpu.memory_space<hbm>> -> memref<320000xi32, #tpu.memory_space<hbm>>
        %dma_wait3A_78 = tpu.memref_slice %dma_wait3A_77[%multiple_of3A_40] : memref<320000xi32, #tpu.memory_space<hbm>> -> memref<128xi32, #tpu.memory_space<hbm>>
        %dma_wait3A_79 = arith.constant 0 : i32
        %dma_wait3A_80 = tpu.memref_slice %arg2[%cond3A_23, %dma_wait3A_79] : memref<2x320000xi32, #tpu.memory_space<hbm>> -> memref<1x320000xi32, #tpu.memory_space<hbm>>
        %dma_wait3A_81 = tpu.memref_squeeze %dma_wait3A_80 : memref<1x320000xi32, #tpu.memory_space<hbm>> -> memref<320000xi32, #tpu.memory_space<hbm>>
        %dma_wait3A_82 = tpu.memref_slice %dma_wait3A_81[%multiple_of3A_40] : memref<320000xi32, #tpu.memory_space<hbm>> -> memref<128xi32, #tpu.memory_space<hbm>>
        tpu.wait_dma2 semaphore(%run_scoped3A : memref<!tpu.dma_semaphore, #tpu.memory_space<semaphore_mem>>) src(%dma_wait3A_82 : memref<128xi32, #tpu.memory_space<hbm>>) dst(%arg17 : memref<128xi32, #tpu.memory_space<vmem>>)
        tpu.yield
      }) : () -> ()
      "tpu.region"() ({
        %run_scoped3A = tpu.sem_alloc : memref<!tpu.dma_semaphore, #tpu.memory_space<semaphore_mem>>
        %dma_start3A_67 = arith.constant 0 : i32
        %dma_start3A_68 = tpu.memref_slice %arg4[%multiple_of3A_40, %dma_start3A_67] : memref<320000x16xf32, #tpu.memory_space<hbm>> -> memref<128x16xf32, #tpu.memory_space<hbm>>
        %dma_start3A_69 = arith.constant 0 : i32
        %dma_start3A_70 = tpu.memref_slice %arg4[%multiple_of3A_40, %dma_start3A_69] : memref<320000x16xf32, #tpu.memory_space<hbm>> -> memref<128x16xf32, #tpu.memory_space<hbm>>
        tpu.enqueue_dma source(%dma_start3A_70 : memref<128x16xf32, #tpu.memory_space<hbm>>) target(%arg25 : memref<128x16xf32, #tpu.memory_space<vmem>>) target_semaphore(%run_scoped3A : memref<!tpu.dma_semaphore, #tpu.memory_space<semaphore_mem>>)
        %dma_wait3A_71 = arith.constant 0 : i32
        %dma_wait3A_72 = tpu.memref_slice %arg4[%multiple_of3A_40, %dma_wait3A_71] : memref<320000x16xf32, #tpu.memory_space<hbm>> -> memref<128x16xf32, #tpu.memory_space<hbm>>
        %dma_wait3A_73 = arith.constant 0 : i32
        %dma_wait3A_74 = tpu.memref_slice %arg4[%multiple_of3A_40, %dma_wait3A_73] : memref<320000x16xf32, #tpu.memory_space<hbm>> -> memref<128x16xf32, #tpu.memory_space<hbm>>
        tpu.wait_dma2 semaphore(%run_scoped3A : memref<!tpu.dma_semaphore, #tpu.memory_space<semaphore_mem>>) src(%dma_wait3A_74 : memref<128x16xf32, #tpu.memory_space<hbm>>) dst(%arg25 : memref<128x16xf32, #tpu.memory_space<vmem>>)
        tpu.yield
      }) : () -> ()
      %add3A_41 = arith.constant 1 : i32
      %add3A_42 = arith.addi %mul3A_8, %add3A_41 : i32
      %mul3A_43 = arith.constant 128 : i32
      %mul3A_44 = arith.muli %add3A_42, %mul3A_43 : i32
      %multiple_of3A_45 = tpu.assume_multiple %mul3A_44, 128 : i32
      "tpu.region"() ({
        %run_scoped3A = tpu.sem_alloc : memref<!tpu.dma_semaphore, #tpu.memory_space<semaphore_mem>>
        %dma_start3A_67 = arith.constant 0 : i32
        %dma_start3A_68 = tpu.memref_slice %arg2[%cond3A_22, %dma_start3A_67] : memref<2x320000xi32, #tpu.memory_space<hbm>> -> memref<1x320000xi32, #tpu.memory_space<hbm>>
        %dma_start3A_69 = tpu.memref_squeeze %dma_start3A_68 : memref<1x320000xi32, #tpu.memory_space<hbm>> -> memref<320000xi32, #tpu.memory_space<hbm>>
        %dma_start3A_70 = tpu.memref_slice %dma_start3A_69[%multiple_of3A_45] : memref<320000xi32, #tpu.memory_space<hbm>> -> memref<128xi32, #tpu.memory_space<hbm>>
        %dma_start3A_71 = arith.constant 0 : i32
        %dma_start3A_72 = tpu.memref_slice %arg2[%cond3A_22, %dma_start3A_71] : memref<2x320000xi32, #tpu.memory_space<hbm>> -> memref<1x320000xi32, #tpu.memory_space<hbm>>
        %dma_start3A_73 = tpu.memref_squeeze %dma_start3A_72 : memref<1x320000xi32, #tpu.memory_space<hbm>> -> memref<320000xi32, #tpu.memory_space<hbm>>
        %dma_start3A_74 = tpu.memref_slice %dma_start3A_73[%multiple_of3A_45] : memref<320000xi32, #tpu.memory_space<hbm>> -> memref<128xi32, #tpu.memory_space<hbm>>
        tpu.enqueue_dma source(%dma_start3A_74 : memref<128xi32, #tpu.memory_space<hbm>>) target(%arg14 : memref<128xi32, #tpu.memory_space<vmem>>) target_semaphore(%run_scoped3A : memref<!tpu.dma_semaphore, #tpu.memory_space<semaphore_mem>>)
        %dma_wait3A_75 = arith.constant 0 : i32
        %dma_wait3A_76 = tpu.memref_slice %arg2[%cond3A_22, %dma_wait3A_75] : memref<2x320000xi32, #tpu.memory_space<hbm>> -> memref<1x320000xi32, #tpu.memory_space<hbm>>
        %dma_wait3A_77 = tpu.memref_squeeze %dma_wait3A_76 : memref<1x320000xi32, #tpu.memory_space<hbm>> -> memref<320000xi32, #tpu.memory_space<hbm>>
        %dma_wait3A_78 = tpu.memref_slice %dma_wait3A_77[%multiple_of3A_45] : memref<320000xi32, #tpu.memory_space<hbm>> -> memref<128xi32, #tpu.memory_space<hbm>>
        %dma_wait3A_79 = arith.constant 0 : i32
        %dma_wait3A_80 = tpu.memref_slice %arg2[%cond3A_22, %dma_wait3A_79] : memref<2x320000xi32, #tpu.memory_space<hbm>> -> memref<1x320000xi32, #tpu.memory_space<hbm>>
        %dma_wait3A_81 = tpu.memref_squeeze %dma_wait3A_80 : memref<1x320000xi32, #tpu.memory_space<hbm>> -> memref<320000xi32, #tpu.memory_space<hbm>>
        %dma_wait3A_82 = tpu.memref_slice %dma_wait3A_81[%multiple_of3A_45] : memref<320000xi32, #tpu.memory_space<hbm>> -> memref<128xi32, #tpu.memory_space<hbm>>
        tpu.wait_dma2 semaphore(%run_scoped3A : memref<!tpu.dma_semaphore, #tpu.memory_space<semaphore_mem>>) src(%dma_wait3A_82 : memref<128xi32, #tpu.memory_space<hbm>>) dst(%arg14 : memref<128xi32, #tpu.memory_space<vmem>>)
        tpu.yield
      }) : () -> ()
      "tpu.region"() ({
        %run_scoped3A = tpu.sem_alloc : memref<!tpu.dma_semaphore, #tpu.memory_space<semaphore_mem>>
        %dma_start3A_67 = arith.constant 0 : i32
        %dma_start3A_68 = tpu.memref_slice %arg2[%cond3A_23, %dma_start3A_67] : memref<2x320000xi32, #tpu.memory_space<hbm>> -> memref<1x320000xi32, #tpu.memory_space<hbm>>
        %dma_start3A_69 = tpu.memref_squeeze %dma_start3A_68 : memref<1x320000xi32, #tpu.memory_space<hbm>> -> memref<320000xi32, #tpu.memory_space<hbm>>
        %dma_start3A_70 = tpu.memref_slice %dma_start3A_69[%multiple_of3A_45] : memref<320000xi32, #tpu.memory_space<hbm>> -> memref<128xi32, #tpu.memory_space<hbm>>
        %dma_start3A_71 = arith.constant 0 : i32
        %dma_start3A_72 = tpu.memref_slice %arg2[%cond3A_23, %dma_start3A_71] : memref<2x320000xi32, #tpu.memory_space<hbm>> -> memref<1x320000xi32, #tpu.memory_space<hbm>>
        %dma_start3A_73 = tpu.memref_squeeze %dma_start3A_72 : memref<1x320000xi32, #tpu.memory_space<hbm>> -> memref<320000xi32, #tpu.memory_space<hbm>>
        %dma_start3A_74 = tpu.memref_slice %dma_start3A_73[%multiple_of3A_45] : memref<320000xi32, #tpu.memory_space<hbm>> -> memref<128xi32, #tpu.memory_space<hbm>>
        tpu.enqueue_dma source(%dma_start3A_74 : memref<128xi32, #tpu.memory_space<hbm>>) target(%arg18 : memref<128xi32, #tpu.memory_space<vmem>>) target_semaphore(%run_scoped3A : memref<!tpu.dma_semaphore, #tpu.memory_space<semaphore_mem>>)
        %dma_wait3A_75 = arith.constant 0 : i32
        %dma_wait3A_76 = tpu.memref_slice %arg2[%cond3A_23, %dma_wait3A_75] : memref<2x320000xi32, #tpu.memory_space<hbm>> -> memref<1x320000xi32, #tpu.memory_space<hbm>>
        %dma_wait3A_77 = tpu.memref_squeeze %dma_wait3A_76 : memref<1x320000xi32, #tpu.memory_space<hbm>> -> memref<320000xi32, #tpu.memory_space<hbm>>
        %dma_wait3A_78 = tpu.memref_slice %dma_wait3A_77[%multiple_of3A_45] : memref<320000xi32, #tpu.memory_space<hbm>> -> memref<128xi32, #tpu.memory_space<hbm>>
        %dma_wait3A_79 = arith.constant 0 : i32
        %dma_wait3A_80 = tpu.memref_slice %arg2[%cond3A_23, %dma_wait3A_79] : memref<2x320000xi32, #tpu.memory_space<hbm>> -> memref<1x320000xi32, #tpu.memory_space<hbm>>
        %dma_wait3A_81 = tpu.memref_squeeze %dma_wait3A_80 : memref<1x320000xi32, #tpu.memory_space<hbm>> -> memref<320000xi32, #tpu.memory_space<hbm>>
        %dma_wait3A_82 = tpu.memref_slice %dma_wait3A_81[%multiple_of3A_45] : memref<320000xi32, #tpu.memory_space<hbm>> -> memref<128xi32, #tpu.memory_space<hbm>>
        tpu.wait_dma2 semaphore(%run_scoped3A : memref<!tpu.dma_semaphore, #tpu.memory_space<semaphore_mem>>) src(%dma_wait3A_82 : memref<128xi32, #tpu.memory_space<hbm>>) dst(%arg18 : memref<128xi32, #tpu.memory_space<vmem>>)
        tpu.yield
      }) : () -> ()
      "tpu.region"() ({
        %run_scoped3A = tpu.sem_alloc : memref<!tpu.dma_semaphore, #tpu.memory_space<semaphore_mem>>
        %dma_start3A_67 = arith.constant 0 : i32
        %dma_start3A_68 = tpu.memref_slice %arg4[%multiple_of3A_45, %dma_start3A_67] : memref<320000x16xf32, #tpu.memory_space<hbm>> -> memref<128x16xf32, #tpu.memory_space<hbm>>
        %dma_start3A_69 = arith.constant 0 : i32
        %dma_start3A_70 = tpu.memref_slice %arg4[%multiple_of3A_45, %dma_start3A_69] : memref<320000x16xf32, #tpu.memory_space<hbm>> -> memref<128x16xf32, #tpu.memory_space<hbm>>
        tpu.enqueue_dma source(%dma_start3A_70 : memref<128x16xf32, #tpu.memory_space<hbm>>) target(%arg26 : memref<128x16xf32, #tpu.memory_space<vmem>>) target_semaphore(%run_scoped3A : memref<!tpu.dma_semaphore, #tpu.memory_space<semaphore_mem>>)
        %dma_wait3A_71 = arith.constant 0 : i32
        %dma_wait3A_72 = tpu.memref_slice %arg4[%multiple_of3A_45, %dma_wait3A_71] : memref<320000x16xf32, #tpu.memory_space<hbm>> -> memref<128x16xf32, #tpu.memory_space<hbm>>
        %dma_wait3A_73 = arith.constant 0 : i32
        %dma_wait3A_74 = tpu.memref_slice %arg4[%multiple_of3A_45, %dma_wait3A_73] : memref<320000x16xf32, #tpu.memory_space<hbm>> -> memref<128x16xf32, #tpu.memory_space<hbm>>
        tpu.wait_dma2 semaphore(%run_scoped3A : memref<!tpu.dma_semaphore, #tpu.memory_space<semaphore_mem>>) src(%dma_wait3A_74 : memref<128x16xf32, #tpu.memory_space<hbm>>) dst(%arg26 : memref<128x16xf32, #tpu.memory_space<vmem>>)
        tpu.yield
      }) : () -> ()
      %dma_start3A = arith.constant 0 : i32
      %dma_start3A_46 = arith.constant 0 : i32
      %dma_start3A_47 = tpu.memref_slice %arg6[%dma_start3A, %dma_start3A_46] : memref<10000x64xf32, #tpu.memory_space<hbm>> -> memref<10000x64xf32, #tpu.memory_space<hbm>>
      tpu.enqueue_indirect_dma source(%dma_start3A_47 : memref<10000x64xf32, #tpu.memory_space<hbm>>) target(%arg21 : memref<128x64xf32, #tpu.memory_space<vmem>>) offsets(%arg17 : memref<128xi32, #tpu.memory_space<vmem>>) semaphore(%arg31 : memref<!tpu.dma_semaphore, #tpu.memory_space<semaphore_mem>>)
      %dma_start3A_48 = arith.constant 0 : i32
      %dma_start3A_49 = arith.constant 0 : i32
      %dma_start3A_50 = tpu.memref_slice %arg6[%dma_start3A_48, %dma_start3A_49] : memref<10000x64xf32, #tpu.memory_space<hbm>> -> memref<10000x64xf32, #tpu.memory_space<hbm>>
      tpu.enqueue_indirect_dma source(%dma_start3A_50 : memref<10000x64xf32, #tpu.memory_space<hbm>>) target(%arg22 : memref<128x64xf32, #tpu.memory_space<vmem>>) offsets(%arg18 : memref<128xi32, #tpu.memory_space<vmem>>) semaphore(%arg31 : memref<!tpu.dma_semaphore, #tpu.memory_space<semaphore_mem>>)
      %while3A = arith.constant 0 : i32
      %while3A_51 = arith.constant 0 : i32
      %while3A_52 = arith.subi %select_n3A, %while3A : i32
      %while3A_53 = arith.addi %while3A, %while3A_52 : i32
      %while3A_54 = arith.constant 1 : i32
      %while3A_55 = arith.divsi %while3A_52, %while3A_54 : i32
      %while3A_56 = arith.muli %while3A_55, %while3A_54 : i32
      %while3A_57 = arith.addi %while3A, %while3A_56 : i32
      %while3A_58 = arith.constant 1 : i32
      %while3A_59 = scf.for %while3A_67 = %while3A to %while3A_57 step %while3A_58 iter_args(%while3A_68 = %while3A_51) -> (i32)  : i32 {
        %mul3A_69 = arith.constant 4 : i32
        %mul3A_70 = arith.muli %while3A_67, %mul3A_69 : i32
        %add3A_71 = arith.addi %mul3A_8, %mul3A_70 : i32
        %add3A_72 = arith.constant 2 : i32
        %add3A_73 = arith.addi %add3A_71, %add3A_72 : i32
        %add3A_74 = arith.constant 0 : i32
        %add3A_75 = arith.addi %add3A_73, %add3A_74 : i32
        %mul3A_76 = arith.constant 128 : i32
        %mul3A_77 = arith.muli %add3A_75, %mul3A_76 : i32
        %multiple_of3A_78 = tpu.assume_multiple %mul3A_77, 128 : i32
        "tpu.region"() ({
          %run_scoped3A = tpu.sem_alloc : memref<!tpu.dma_semaphore, #tpu.memory_space<semaphore_mem>>
          %dma_start3A_125 = arith.constant 0 : i32
          %dma_start3A_126 = tpu.memref_slice %arg2[%cond3A_22, %dma_start3A_125] : memref<2x320000xi32, #tpu.memory_space<hbm>> -> memref<1x320000xi32, #tpu.memory_space<hbm>>
          %dma_start3A_127 = tpu.memref_squeeze %dma_start3A_126 : memref<1x320000xi32, #tpu.memory_space<hbm>> -> memref<320000xi32, #tpu.memory_space<hbm>>
          %dma_start3A_128 = tpu.memref_slice %dma_start3A_127[%multiple_of3A_78] : memref<320000xi32, #tpu.memory_space<hbm>> -> memref<128xi32, #tpu.memory_space<hbm>>
          %dma_start3A_129 = arith.constant 0 : i32
          %dma_start3A_130 = tpu.memref_slice %arg2[%cond3A_22, %dma_start3A_129] : memref<2x320000xi32, #tpu.memory_space<hbm>> -> memref<1x320000xi32, #tpu.memory_space<hbm>>
          %dma_start3A_131 = tpu.memref_squeeze %dma_start3A_130 : memref<1x320000xi32, #tpu.memory_space<hbm>> -> memref<320000xi32, #tpu.memory_space<hbm>>
          %dma_start3A_132 = tpu.memref_slice %dma_start3A_131[%multiple_of3A_78] : memref<320000xi32, #tpu.memory_space<hbm>> -> memref<128xi32, #tpu.memory_space<hbm>>
          tpu.enqueue_dma source(%dma_start3A_132 : memref<128xi32, #tpu.memory_space<hbm>>) target(%arg15 : memref<128xi32, #tpu.memory_space<vmem>>) target_semaphore(%run_scoped3A : memref<!tpu.dma_semaphore, #tpu.memory_space<semaphore_mem>>)
          %dma_wait3A_133 = arith.constant 0 : i32
          %dma_wait3A_134 = tpu.memref_slice %arg2[%cond3A_22, %dma_wait3A_133] : memref<2x320000xi32, #tpu.memory_space<hbm>> -> memref<1x320000xi32, #tpu.memory_space<hbm>>
          %dma_wait3A_135 = tpu.memref_squeeze %dma_wait3A_134 : memref<1x320000xi32, #tpu.memory_space<hbm>> -> memref<320000xi32, #tpu.memory_space<hbm>>
          %dma_wait3A_136 = tpu.memref_slice %dma_wait3A_135[%multiple_of3A_78] : memref<320000xi32, #tpu.memory_space<hbm>> -> memref<128xi32, #tpu.memory_space<hbm>>
          %dma_wait3A_137 = arith.constant 0 : i32
          %dma_wait3A_138 = tpu.memref_slice %arg2[%cond3A_22, %dma_wait3A_137] : memref<2x320000xi32, #tpu.memory_space<hbm>> -> memref<1x320000xi32, #tpu.memory_space<hbm>>
          %dma_wait3A_139 = tpu.memref_squeeze %dma_wait3A_138 : memref<1x320000xi32, #tpu.memory_space<hbm>> -> memref<320000xi32, #tpu.memory_space<hbm>>
          %dma_wait3A_140 = tpu.memref_slice %dma_wait3A_139[%multiple_of3A_78] : memref<320000xi32, #tpu.memory_space<hbm>> -> memref<128xi32, #tpu.memory_space<hbm>>
          tpu.wait_dma2 semaphore(%run_scoped3A : memref<!tpu.dma_semaphore, #tpu.memory_space<semaphore_mem>>) src(%dma_wait3A_140 : memref<128xi32, #tpu.memory_space<hbm>>) dst(%arg15 : memref<128xi32, #tpu.memory_space<vmem>>)
          tpu.yield
        }) : () -> ()
        "tpu.region"() ({
          %run_scoped3A = tpu.sem_alloc : memref<!tpu.dma_semaphore, #tpu.memory_space<semaphore_mem>>
          %dma_start3A_125 = arith.constant 0 : i32
          %dma_start3A_126 = tpu.memref_slice %arg2[%cond3A_23, %dma_start3A_125] : memref<2x320000xi32, #tpu.memory_space<hbm>> -> memref<1x320000xi32, #tpu.memory_space<hbm>>
          %dma_start3A_127 = tpu.memref_squeeze %dma_start3A_126 : memref<1x320000xi32, #tpu.memory_space<hbm>> -> memref<320000xi32, #tpu.memory_space<hbm>>
          %dma_start3A_128 = tpu.memref_slice %dma_start3A_127[%multiple_of3A_78] : memref<320000xi32, #tpu.memory_space<hbm>> -> memref<128xi32, #tpu.memory_space<hbm>>
          %dma_start3A_129 = arith.constant 0 : i32
          %dma_start3A_130 = tpu.memref_slice %arg2[%cond3A_23, %dma_start3A_129] : memref<2x320000xi32, #tpu.memory_space<hbm>> -> memref<1x320000xi32, #tpu.memory_space<hbm>>
          %dma_start3A_131 = tpu.memref_squeeze %dma_start3A_130 : memref<1x320000xi32, #tpu.memory_space<hbm>> -> memref<320000xi32, #tpu.memory_space<hbm>>
          %dma_start3A_132 = tpu.memref_slice %dma_start3A_131[%multiple_of3A_78] : memref<320000xi32, #tpu.memory_space<hbm>> -> memref<128xi32, #tpu.memory_space<hbm>>
          tpu.enqueue_dma source(%dma_start3A_132 : memref<128xi32, #tpu.memory_space<hbm>>) target(%arg19 : memref<128xi32, #tpu.memory_space<vmem>>) target_semaphore(%run_scoped3A : memref<!tpu.dma_semaphore, #tpu.memory_space<semaphore_mem>>)
          %dma_wait3A_133 = arith.constant 0 : i32
          %dma_wait3A_134 = tpu.memref_slice %arg2[%cond3A_23, %dma_wait3A_133] : memref<2x320000xi32, #tpu.memory_space<hbm>> -> memref<1x320000xi32, #tpu.memory_space<hbm>>
          %dma_wait3A_135 = tpu.memref_squeeze %dma_wait3A_134 : memref<1x320000xi32, #tpu.memory_space<hbm>> -> memref<320000xi32, #tpu.memory_space<hbm>>
          %dma_wait3A_136 = tpu.memref_slice %dma_wait3A_135[%multiple_of3A_78] : memref<320000xi32, #tpu.memory_space<hbm>> -> memref<128xi32, #tpu.memory_space<hbm>>
          %dma_wait3A_137 = arith.constant 0 : i32
          %dma_wait3A_138 = tpu.memref_slice %arg2[%cond3A_23, %dma_wait3A_137] : memref<2x320000xi32, #tpu.memory_space<hbm>> -> memref<1x320000xi32, #tpu.memory_space<hbm>>
          %dma_wait3A_139 = tpu.memref_squeeze %dma_wait3A_138 : memref<1x320000xi32, #tpu.memory_space<hbm>> -> memref<320000xi32, #tpu.memory_space<hbm>>
          %dma_wait3A_140 = tpu.memref_slice %dma_wait3A_139[%multiple_of3A_78] : memref<320000xi32, #tpu.memory_space<hbm>> -> memref<128xi32, #tpu.memory_space<hbm>>
          tpu.wait_dma2 semaphore(%run_scoped3A : memref<!tpu.dma_semaphore, #tpu.memory_space<semaphore_mem>>) src(%dma_wait3A_140 : memref<128xi32, #tpu.memory_space<hbm>>) dst(%arg19 : memref<128xi32, #tpu.memory_space<vmem>>)
          tpu.yield
        }) : () -> ()
        "tpu.region"() ({
          %run_scoped3A = tpu.sem_alloc : memref<!tpu.dma_semaphore, #tpu.memory_space<semaphore_mem>>
          %dma_start3A_125 = arith.constant 0 : i32
          %dma_start3A_126 = tpu.memref_slice %arg4[%multiple_of3A_78, %dma_start3A_125] : memref<320000x16xf32, #tpu.memory_space<hbm>> -> memref<128x16xf32, #tpu.memory_space<hbm>>
          %dma_start3A_127 = arith.constant 0 : i32
          %dma_start3A_128 = tpu.memref_slice %arg4[%multiple_of3A_78, %dma_start3A_127] : memref<320000x16xf32, #tpu.memory_space<hbm>> -> memref<128x16xf32, #tpu.memory_space<hbm>>
          tpu.enqueue_dma source(%dma_start3A_128 : memref<128x16xf32, #tpu.memory_space<hbm>>) target(%arg27 : memref<128x16xf32, #tpu.memory_space<vmem>>) target_semaphore(%run_scoped3A : memref<!tpu.dma_semaphore, #tpu.memory_space<semaphore_mem>>)
          %dma_wait3A_129 = arith.constant 0 : i32
          %dma_wait3A_130 = tpu.memref_slice %arg4[%multiple_of3A_78, %dma_wait3A_129] : memref<320000x16xf32, #tpu.memory_space<hbm>> -> memref<128x16xf32, #tpu.memory_space<hbm>>
          %dma_wait3A_131 = arith.constant 0 : i32
          %dma_wait3A_132 = tpu.memref_slice %arg4[%multiple_of3A_78, %dma_wait3A_131] : memref<320000x16xf32, #tpu.memory_space<hbm>> -> memref<128x16xf32, #tpu.memory_space<hbm>>
          tpu.wait_dma2 semaphore(%run_scoped3A : memref<!tpu.dma_semaphore, #tpu.memory_space<semaphore_mem>>) src(%dma_wait3A_132 : memref<128x16xf32, #tpu.memory_space<hbm>>) dst(%arg27 : memref<128x16xf32, #tpu.memory_space<vmem>>)
          tpu.yield
        }) : () -> ()
        %add3A_79 = arith.constant 1 : i32
        %add3A_80 = arith.addi %add3A_73, %add3A_79 : i32
        %mul3A_81 = arith.constant 128 : i32
        %mul3A_82 = arith.muli %add3A_80, %mul3A_81 : i32
        %multiple_of3A_83 = tpu.assume_multiple %mul3A_82, 128 : i32
        "tpu.region"() ({
          %run_scoped3A = tpu.sem_alloc : memref<!tpu.dma_semaphore, #tpu.memory_space<semaphore_mem>>
          %dma_start3A_125 = arith.constant 0 : i32
          %dma_start3A_126 = tpu.memref_slice %arg2[%cond3A_22, %dma_start3A_125] : memref<2x320000xi32, #tpu.memory_space<hbm>> -> memref<1x320000xi32, #tpu.memory_space<hbm>>
          %dma_start3A_127 = tpu.memref_squeeze %dma_start3A_126 : memref<1x320000xi32, #tpu.memory_space<hbm>> -> memref<320000xi32, #tpu.memory_space<hbm>>
          %dma_start3A_128 = tpu.memref_slice %dma_start3A_127[%multiple_of3A_83] : memref<320000xi32, #tpu.memory_space<hbm>> -> memref<128xi32, #tpu.memory_space<hbm>>
          %dma_start3A_129 = arith.constant 0 : i32
          %dma_start3A_130 = tpu.memref_slice %arg2[%cond3A_22, %dma_start3A_129] : memref<2x320000xi32, #tpu.memory_space<hbm>> -> memref<1x320000xi32, #tpu.memory_space<hbm>>
          %dma_start3A_131 = tpu.memref_squeeze %dma_start3A_130 : memref<1x320000xi32, #tpu.memory_space<hbm>> -> memref<320000xi32, #tpu.memory_space<hbm>>
          %dma_start3A_132 = tpu.memref_slice %dma_start3A_131[%multiple_of3A_83] : memref<320000xi32, #tpu.memory_space<hbm>> -> memref<128xi32, #tpu.memory_space<hbm>>
          tpu.enqueue_dma source(%dma_start3A_132 : memref<128xi32, #tpu.memory_space<hbm>>) target(%arg16 : memref<128xi32, #tpu.memory_space<vmem>>) target_semaphore(%run_scoped3A : memref<!tpu.dma_semaphore, #tpu.memory_space<semaphore_mem>>)
          %dma_wait3A_133 = arith.constant 0 : i32
          %dma_wait3A_134 = tpu.memref_slice %arg2[%cond3A_22, %dma_wait3A_133] : memref<2x320000xi32, #tpu.memory_space<hbm>> -> memref<1x320000xi32, #tpu.memory_space<hbm>>
          %dma_wait3A_135 = tpu.memref_squeeze %dma_wait3A_134 : memref<1x320000xi32, #tpu.memory_space<hbm>> -> memref<320000xi32, #tpu.memory_space<hbm>>
          %dma_wait3A_136 = tpu.memref_slice %dma_wait3A_135[%multiple_of3A_83] : memref<320000xi32, #tpu.memory_space<hbm>> -> memref<128xi32, #tpu.memory_space<hbm>>
          %dma_wait3A_137 = arith.constant 0 : i32
          %dma_wait3A_138 = tpu.memref_slice %arg2[%cond3A_22, %dma_wait3A_137] : memref<2x320000xi32, #tpu.memory_space<hbm>> -> memref<1x320000xi32, #tpu.memory_space<hbm>>
          %dma_wait3A_139 = tpu.memref_squeeze %dma_wait3A_138 : memref<1x320000xi32, #tpu.memory_space<hbm>> -> memref<320000xi32, #tpu.memory_space<hbm>>
          %dma_wait3A_140 = tpu.memref_slice %dma_wait3A_139[%multiple_of3A_83] : memref<320000xi32, #tpu.memory_space<hbm>> -> memref<128xi32, #tpu.memory_space<hbm>>
          tpu.wait_dma2 semaphore(%run_scoped3A : memref<!tpu.dma_semaphore, #tpu.memory_space<semaphore_mem>>) src(%dma_wait3A_140 : memref<128xi32, #tpu.memory_space<hbm>>) dst(%arg16 : memref<128xi32, #tpu.memory_space<vmem>>)
          tpu.yield
        }) : () -> ()
        "tpu.region"() ({
          %run_scoped3A = tpu.sem_alloc : memref<!tpu.dma_semaphore, #tpu.memory_space<semaphore_mem>>
          %dma_start3A_125 = arith.constant 0 : i32
          %dma_start3A_126 = tpu.memref_slice %arg2[%cond3A_23, %dma_start3A_125] : memref<2x320000xi32, #tpu.memory_space<hbm>> -> memref<1x320000xi32, #tpu.memory_space<hbm>>
          %dma_start3A_127 = tpu.memref_squeeze %dma_start3A_126 : memref<1x320000xi32, #tpu.memory_space<hbm>> -> memref<320000xi32, #tpu.memory_space<hbm>>
          %dma_start3A_128 = tpu.memref_slice %dma_start3A_127[%multiple_of3A_83] : memref<320000xi32, #tpu.memory_space<hbm>> -> memref<128xi32, #tpu.memory_space<hbm>>
          %dma_start3A_129 = arith.constant 0 : i32
          %dma_start3A_130 = tpu.memref_slice %arg2[%cond3A_23, %dma_start3A_129] : memref<2x320000xi32, #tpu.memory_space<hbm>> -> memref<1x320000xi32, #tpu.memory_space<hbm>>
          %dma_start3A_131 = tpu.memref_squeeze %dma_start3A_130 : memref<1x320000xi32, #tpu.memory_space<hbm>> -> memref<320000xi32, #tpu.memory_space<hbm>>
          %dma_start3A_132 = tpu.memref_slice %dma_start3A_131[%multiple_of3A_83] : memref<320000xi32, #tpu.memory_space<hbm>> -> memref<128xi32, #tpu.memory_space<hbm>>
          tpu.enqueue_dma source(%dma_start3A_132 : memref<128xi32, #tpu.memory_space<hbm>>) target(%arg20 : memref<128xi32, #tpu.memory_space<vmem>>) target_semaphore(%run_scoped3A : memref<!tpu.dma_semaphore, #tpu.memory_space<semaphore_mem>>)
          %dma_wait3A_133 = arith.constant 0 : i32
          %dma_wait3A_134 = tpu.memref_slice %arg2[%cond3A_23, %dma_wait3A_133] : memref<2x320000xi32, #tpu.memory_space<hbm>> -> memref<1x320000xi32, #tpu.memory_space<hbm>>
          %dma_wait3A_135 = tpu.memref_squeeze %dma_wait3A_134 : memref<1x320000xi32, #tpu.memory_space<hbm>> -> memref<320000xi32, #tpu.memory_space<hbm>>
          %dma_wait3A_136 = tpu.memref_slice %dma_wait3A_135[%multiple_of3A_83] : memref<320000xi32, #tpu.memory_space<hbm>> -> memref<128xi32, #tpu.memory_space<hbm>>
          %dma_wait3A_137 = arith.constant 0 : i32
          %dma_wait3A_138 = tpu.memref_slice %arg2[%cond3A_23, %dma_wait3A_137] : memref<2x320000xi32, #tpu.memory_space<hbm>> -> memref<1x320000xi32, #tpu.memory_space<hbm>>
          %dma_wait3A_139 = tpu.memref_squeeze %dma_wait3A_138 : memref<1x320000xi32, #tpu.memory_space<hbm>> -> memref<320000xi32, #tpu.memory_space<hbm>>
          %dma_wait3A_140 = tpu.memref_slice %dma_wait3A_139[%multiple_of3A_83] : memref<320000xi32, #tpu.memory_space<hbm>> -> memref<128xi32, #tpu.memory_space<hbm>>
          tpu.wait_dma2 semaphore(%run_scoped3A : memref<!tpu.dma_semaphore, #tpu.memory_space<semaphore_mem>>) src(%dma_wait3A_140 : memref<128xi32, #tpu.memory_space<hbm>>) dst(%arg20 : memref<128xi32, #tpu.memory_space<vmem>>)
          tpu.yield
        }) : () -> ()
        "tpu.region"() ({
          %run_scoped3A = tpu.sem_alloc : memref<!tpu.dma_semaphore, #tpu.memory_space<semaphore_mem>>
          %dma_start3A_125 = arith.constant 0 : i32
          %dma_start3A_126 = tpu.memref_slice %arg4[%multiple_of3A_83, %dma_start3A_125] : memref<320000x16xf32, #tpu.memory_space<hbm>> -> memref<128x16xf32, #tpu.memory_space<hbm>>
          %dma_start3A_127 = arith.constant 0 : i32
          %dma_start3A_128 = tpu.memref_slice %arg4[%multiple_of3A_83, %dma_start3A_127] : memref<320000x16xf32, #tpu.memory_space<hbm>> -> memref<128x16xf32, #tpu.memory_space<hbm>>
          tpu.enqueue_dma source(%dma_start3A_128 : memref<128x16xf32, #tpu.memory_space<hbm>>) target(%arg28 : memref<128x16xf32, #tpu.memory_space<vmem>>) target_semaphore(%run_scoped3A : memref<!tpu.dma_semaphore, #tpu.memory_space<semaphore_mem>>)
          %dma_wait3A_129 = arith.constant 0 : i32
          %dma_wait3A_130 = tpu.memref_slice %arg4[%multiple_of3A_83, %dma_wait3A_129] : memref<320000x16xf32, #tpu.memory_space<hbm>> -> memref<128x16xf32, #tpu.memory_space<hbm>>
          %dma_wait3A_131 = arith.constant 0 : i32
          %dma_wait3A_132 = tpu.memref_slice %arg4[%multiple_of3A_83, %dma_wait3A_131] : memref<320000x16xf32, #tpu.memory_space<hbm>> -> memref<128x16xf32, #tpu.memory_space<hbm>>
          tpu.wait_dma2 semaphore(%run_scoped3A : memref<!tpu.dma_semaphore, #tpu.memory_space<semaphore_mem>>) src(%dma_wait3A_132 : memref<128x16xf32, #tpu.memory_space<hbm>>) dst(%arg28 : memref<128x16xf32, #tpu.memory_space<vmem>>)
          tpu.yield
        }) : () -> ()
        %dma_start3A_84 = arith.constant 0 : i32
        %dma_start3A_85 = arith.constant 0 : i32
        %dma_start3A_86 = tpu.memref_slice %arg6[%dma_start3A_84, %dma_start3A_85] : memref<10000x64xf32, #tpu.memory_space<hbm>> -> memref<10000x64xf32, #tpu.memory_space<hbm>>
        tpu.enqueue_indirect_dma source(%dma_start3A_86 : memref<10000x64xf32, #tpu.memory_space<hbm>>) target(%arg23 : memref<128x64xf32, #tpu.memory_space<vmem>>) offsets(%arg19 : memref<128xi32, #tpu.memory_space<vmem>>) semaphore(%arg32 : memref<!tpu.dma_semaphore, #tpu.memory_space<semaphore_mem>>)
        %dma_start3A_87 = arith.constant 0 : i32
        %dma_start3A_88 = arith.constant 0 : i32
        %dma_start3A_89 = tpu.memref_slice %arg6[%dma_start3A_87, %dma_start3A_88] : memref<10000x64xf32, #tpu.memory_space<hbm>> -> memref<10000x64xf32, #tpu.memory_space<hbm>>
        tpu.enqueue_indirect_dma source(%dma_start3A_89 : memref<10000x64xf32, #tpu.memory_space<hbm>>) target(%arg24 : memref<128x64xf32, #tpu.memory_space<vmem>>) offsets(%arg20 : memref<128xi32, #tpu.memory_space<vmem>>) semaphore(%arg32 : memref<!tpu.dma_semaphore, #tpu.memory_space<semaphore_mem>>)
        %dma_wait3A_90 = arith.constant 0 : i32
        %dma_wait3A_91 = arith.constant 0 : i32
        %dma_wait3A_92 = tpu.memref_slice %arg6[%dma_wait3A_90, %dma_wait3A_91] : memref<10000x64xf32, #tpu.memory_space<hbm>> -> memref<10000x64xf32, #tpu.memory_space<hbm>>
        tpu.wait_indirect_dma semaphore(%arg31 : memref<!tpu.dma_semaphore, #tpu.memory_space<semaphore_mem>>) src(%dma_wait3A_92 : memref<10000x64xf32, #tpu.memory_space<hbm>>) dst(%arg21 : memref<128x64xf32, #tpu.memory_space<vmem>>)
        %dma_wait3A_93 = arith.constant 0 : i32
        %dma_wait3A_94 = arith.constant 0 : i32
        %dma_wait3A_95 = tpu.memref_slice %arg6[%dma_wait3A_93, %dma_wait3A_94] : memref<10000x64xf32, #tpu.memory_space<hbm>> -> memref<10000x64xf32, #tpu.memory_space<hbm>>
        tpu.wait_indirect_dma semaphore(%arg31 : memref<!tpu.dma_semaphore, #tpu.memory_space<semaphore_mem>>) src(%dma_wait3A_95 : memref<10000x64xf32, #tpu.memory_space<hbm>>) dst(%arg22 : memref<128x64xf32, #tpu.memory_space<vmem>>)
        "tpu.region"() ({
          %run_scoped3A = tpu.sem_alloc : memref<!tpu.dma_semaphore, #tpu.memory_space<semaphore_mem>>
          %dma_start3A_125 = arith.constant 0 : i32
          %dma_start3A_126 = arith.constant 0 : i32
          %dma_start3A_127 = tpu.memref_slice %arg29[%dma_start3A_125, %dma_start3A_126] : memref<10000x64xf32, #tpu.memory_space<vmem_shared>> -> memref<10000x64xf32, #tpu.memory_space<vmem_shared>>
          tpu.enqueue_indirect_dma source(%arg21 : memref<128x64xf32, #tpu.memory_space<vmem>>) target(%dma_start3A_127 : memref<10000x64xf32, #tpu.memory_space<vmem_shared>>) offsets(%arg13 : memref<128xi32, #tpu.memory_space<vmem>>) semaphore(%run_scoped3A : memref<!tpu.dma_semaphore, #tpu.memory_space<semaphore_mem>>) {add = true}
          %dma_wait3A_128 = arith.constant 0 : i32
          %dma_wait3A_129 = arith.constant 0 : i32
          %dma_wait3A_130 = tpu.memref_slice %arg29[%dma_wait3A_128, %dma_wait3A_129] : memref<10000x64xf32, #tpu.memory_space<vmem_shared>> -> memref<10000x64xf32, #tpu.memory_space<vmem_shared>>
          tpu.wait_indirect_dma semaphore(%run_scoped3A : memref<!tpu.dma_semaphore, #tpu.memory_space<semaphore_mem>>) src(%arg21 : memref<128x64xf32, #tpu.memory_space<vmem>>) dst(%dma_wait3A_130 : memref<10000x64xf32, #tpu.memory_space<vmem_shared>>)
          tpu.yield
        }) : () -> ()
        "tpu.region"() ({
          %run_scoped3A = tpu.sem_alloc : memref<!tpu.dma_semaphore, #tpu.memory_space<semaphore_mem>>
          %dma_start3A_125 = arith.constant 0 : i32
          %dma_start3A_126 = arith.constant 0 : i32
          %dma_start3A_127 = tpu.memref_slice %arg30[%dma_start3A_125, %dma_start3A_126] : memref<10000x16xf32, #tpu.memory_space<vmem_shared>> -> memref<10000x16xf32, #tpu.memory_space<vmem_shared>>
          tpu.enqueue_indirect_dma source(%arg25 : memref<128x16xf32, #tpu.memory_space<vmem>>) target(%dma_start3A_127 : memref<10000x16xf32, #tpu.memory_space<vmem_shared>>) offsets(%arg13 : memref<128xi32, #tpu.memory_space<vmem>>) semaphore(%run_scoped3A : memref<!tpu.dma_semaphore, #tpu.memory_space<semaphore_mem>>) {add = true}
          %dma_wait3A_128 = arith.constant 0 : i32
          %dma_wait3A_129 = arith.constant 0 : i32
          %dma_wait3A_130 = tpu.memref_slice %arg30[%dma_wait3A_128, %dma_wait3A_129] : memref<10000x16xf32, #tpu.memory_space<vmem_shared>> -> memref<10000x16xf32, #tpu.memory_space<vmem_shared>>
          tpu.wait_indirect_dma semaphore(%run_scoped3A : memref<!tpu.dma_semaphore, #tpu.memory_space<semaphore_mem>>) src(%arg25 : memref<128x16xf32, #tpu.memory_space<vmem>>) dst(%dma_wait3A_130 : memref<10000x16xf32, #tpu.memory_space<vmem_shared>>)
          tpu.yield
        }) : () -> ()
        "tpu.region"() ({
          %run_scoped3A = tpu.sem_alloc : memref<!tpu.dma_semaphore, #tpu.memory_space<semaphore_mem>>
          %dma_start3A_125 = arith.constant 0 : i32
          %dma_start3A_126 = arith.constant 0 : i32
          %dma_start3A_127 = tpu.memref_slice %arg29[%dma_start3A_125, %dma_start3A_126] : memref<10000x64xf32, #tpu.memory_space<vmem_shared>> -> memref<10000x64xf32, #tpu.memory_space<vmem_shared>>
          tpu.enqueue_indirect_dma source(%arg22 : memref<128x64xf32, #tpu.memory_space<vmem>>) target(%dma_start3A_127 : memref<10000x64xf32, #tpu.memory_space<vmem_shared>>) offsets(%arg14 : memref<128xi32, #tpu.memory_space<vmem>>) semaphore(%run_scoped3A : memref<!tpu.dma_semaphore, #tpu.memory_space<semaphore_mem>>) {add = true}
          %dma_wait3A_128 = arith.constant 0 : i32
          %dma_wait3A_129 = arith.constant 0 : i32
          %dma_wait3A_130 = tpu.memref_slice %arg29[%dma_wait3A_128, %dma_wait3A_129] : memref<10000x64xf32, #tpu.memory_space<vmem_shared>> -> memref<10000x64xf32, #tpu.memory_space<vmem_shared>>
          tpu.wait_indirect_dma semaphore(%run_scoped3A : memref<!tpu.dma_semaphore, #tpu.memory_space<semaphore_mem>>) src(%arg22 : memref<128x64xf32, #tpu.memory_space<vmem>>) dst(%dma_wait3A_130 : memref<10000x64xf32, #tpu.memory_space<vmem_shared>>)
          tpu.yield
        }) : () -> ()
        "tpu.region"() ({
          %run_scoped3A = tpu.sem_alloc : memref<!tpu.dma_semaphore, #tpu.memory_space<semaphore_mem>>
          %dma_start3A_125 = arith.constant 0 : i32
          %dma_start3A_126 = arith.constant 0 : i32
          %dma_start3A_127 = tpu.memref_slice %arg30[%dma_start3A_125, %dma_start3A_126] : memref<10000x16xf32, #tpu.memory_space<vmem_shared>> -> memref<10000x16xf32, #tpu.memory_space<vmem_shared>>
          tpu.enqueue_indirect_dma source(%arg26 : memref<128x16xf32, #tpu.memory_space<vmem>>) target(%dma_start3A_127 : memref<10000x16xf32, #tpu.memory_space<vmem_shared>>) offsets(%arg14 : memref<128xi32, #tpu.memory_space<vmem>>) semaphore(%run_scoped3A : memref<!tpu.dma_semaphore, #tpu.memory_space<semaphore_mem>>) {add = true}
          %dma_wait3A_128 = arith.constant 0 : i32
          %dma_wait3A_129 = arith.constant 0 : i32
          %dma_wait3A_130 = tpu.memref_slice %arg30[%dma_wait3A_128, %dma_wait3A_129] : memref<10000x16xf32, #tpu.memory_space<vmem_shared>> -> memref<10000x16xf32, #tpu.memory_space<vmem_shared>>
          tpu.wait_indirect_dma semaphore(%run_scoped3A : memref<!tpu.dma_semaphore, #tpu.memory_space<semaphore_mem>>) src(%arg26 : memref<128x16xf32, #tpu.memory_space<vmem>>) dst(%dma_wait3A_130 : memref<10000x16xf32, #tpu.memory_space<vmem_shared>>)
          tpu.yield
        }) : () -> ()
        %add3A_96 = arith.constant 1 : i32
        %add3A_97 = arith.addi %while3A_67, %add3A_96 : i32
        %lt3A_98 = arith.cmpi slt, %add3A_97, %select_n3A : i32
        %add3A_99 = arith.constant 4 : i32
        %add3A_100 = arith.addi %add3A_71, %add3A_99 : i32
        %select_n3A_101 = arith.select %lt3A_98, %add3A_100, %mul3A_8 : i32
        %add3A_102 = arith.constant 0 : i32
        %add3A_103 = arith.addi %select_n3A_101, %add3A_102 : i32
        %mul3A_104 = arith.constant 128 : i32
        %mul3A_105 = arith.muli %add3A_103, %mul3A_104 : i32
        %multiple_of3A_106 = tpu.assume_multiple %mul3A_105, 128 : i32
        "tpu.region"() ({
          %run_scoped3A = tpu.sem_alloc : memref<!tpu.dma_semaphore, #tpu.memory_space<semaphore_mem>>
          %dma_start3A_125 = arith.constant 0 : i32
          %dma_start3A_126 = tpu.memref_slice %arg2[%cond3A_22, %dma_start3A_125] : memref<2x320000xi32, #tpu.memory_space<hbm>> -> memref<1x320000xi32, #tpu.memory_space<hbm>>
          %dma_start3A_127 = tpu.memref_squeeze %dma_start3A_126 : memref<1x320000xi32, #tpu.memory_space<hbm>> -> memref<320000xi32, #tpu.memory_space<hbm>>
          %dma_start3A_128 = tpu.memref_slice %dma_start3A_127[%multiple_of3A_106] : memref<320000xi32, #tpu.memory_space<hbm>> -> memref<128xi32, #tpu.memory_space<hbm>>
          %dma_start3A_129 = arith.constant 0 : i32
          %dma_start3A_130 = tpu.memref_slice %arg2[%cond3A_22, %dma_start3A_129] : memref<2x320000xi32, #tpu.memory_space<hbm>> -> memref<1x320000xi32, #tpu.memory_space<hbm>>
          %dma_start3A_131 = tpu.memref_squeeze %dma_start3A_130 : memref<1x320000xi32, #tpu.memory_space<hbm>> -> memref<320000xi32, #tpu.memory_space<hbm>>
          %dma_start3A_132 = tpu.memref_slice %dma_start3A_131[%multiple_of3A_106] : memref<320000xi32, #tpu.memory_space<hbm>> -> memref<128xi32, #tpu.memory_space<hbm>>
          tpu.enqueue_dma source(%dma_start3A_132 : memref<128xi32, #tpu.memory_space<hbm>>) target(%arg13 : memref<128xi32, #tpu.memory_space<vmem>>) target_semaphore(%run_scoped3A : memref<!tpu.dma_semaphore, #tpu.memory_space<semaphore_mem>>)
          %dma_wait3A_133 = arith.constant 0 : i32
          %dma_wait3A_134 = tpu.memref_slice %arg2[%cond3A_22, %dma_wait3A_133] : memref<2x320000xi32, #tpu.memory_space<hbm>> -> memref<1x320000xi32, #tpu.memory_space<hbm>>
          %dma_wait3A_135 = tpu.memref_squeeze %dma_wait3A_134 : memref<1x320000xi32, #tpu.memory_space<hbm>> -> memref<320000xi32, #tpu.memory_space<hbm>>
          %dma_wait3A_136 = tpu.memref_slice %dma_wait3A_135[%multiple_of3A_106] : memref<320000xi32, #tpu.memory_space<hbm>> -> memref<128xi32, #tpu.memory_space<hbm>>
          %dma_wait3A_137 = arith.constant 0 : i32
          %dma_wait3A_138 = tpu.memref_slice %arg2[%cond3A_22, %dma_wait3A_137] : memref<2x320000xi32, #tpu.memory_space<hbm>> -> memref<1x320000xi32, #tpu.memory_space<hbm>>
          %dma_wait3A_139 = tpu.memref_squeeze %dma_wait3A_138 : memref<1x320000xi32, #tpu.memory_space<hbm>> -> memref<320000xi32, #tpu.memory_space<hbm>>
          %dma_wait3A_140 = tpu.memref_slice %dma_wait3A_139[%multiple_of3A_106] : memref<320000xi32, #tpu.memory_space<hbm>> -> memref<128xi32, #tpu.memory_space<hbm>>
          tpu.wait_dma2 semaphore(%run_scoped3A : memref<!tpu.dma_semaphore, #tpu.memory_space<semaphore_mem>>) src(%dma_wait3A_140 : memref<128xi32, #tpu.memory_space<hbm>>) dst(%arg13 : memref<128xi32, #tpu.memory_space<vmem>>)
          tpu.yield
        }) : () -> ()
        "tpu.region"() ({
          %run_scoped3A = tpu.sem_alloc : memref<!tpu.dma_semaphore, #tpu.memory_space<semaphore_mem>>
          %dma_start3A_125 = arith.constant 0 : i32
          %dma_start3A_126 = tpu.memref_slice %arg2[%cond3A_23, %dma_start3A_125] : memref<2x320000xi32, #tpu.memory_space<hbm>> -> memref<1x320000xi32, #tpu.memory_space<hbm>>
          %dma_start3A_127 = tpu.memref_squeeze %dma_start3A_126 : memref<1x320000xi32, #tpu.memory_space<hbm>> -> memref<320000xi32, #tpu.memory_space<hbm>>
          %dma_start3A_128 = tpu.memref_slice %dma_start3A_127[%multiple_of3A_106] : memref<320000xi32, #tpu.memory_space<hbm>> -> memref<128xi32, #tpu.memory_space<hbm>>
          %dma_start3A_129 = arith.constant 0 : i32
          %dma_start3A_130 = tpu.memref_slice %arg2[%cond3A_23, %dma_start3A_129] : memref<2x320000xi32, #tpu.memory_space<hbm>> -> memref<1x320000xi32, #tpu.memory_space<hbm>>
          %dma_start3A_131 = tpu.memref_squeeze %dma_start3A_130 : memref<1x320000xi32, #tpu.memory_space<hbm>> -> memref<320000xi32, #tpu.memory_space<hbm>>
          %dma_start3A_132 = tpu.memref_slice %dma_start3A_131[%multiple_of3A_106] : memref<320000xi32, #tpu.memory_space<hbm>> -> memref<128xi32, #tpu.memory_space<hbm>>
          tpu.enqueue_dma source(%dma_start3A_132 : memref<128xi32, #tpu.memory_space<hbm>>) target(%arg17 : memref<128xi32, #tpu.memory_space<vmem>>) target_semaphore(%run_scoped3A : memref<!tpu.dma_semaphore, #tpu.memory_space<semaphore_mem>>)
          %dma_wait3A_133 = arith.constant 0 : i32
          %dma_wait3A_134 = tpu.memref_slice %arg2[%cond3A_23, %dma_wait3A_133] : memref<2x320000xi32, #tpu.memory_space<hbm>> -> memref<1x320000xi32, #tpu.memory_space<hbm>>
          %dma_wait3A_135 = tpu.memref_squeeze %dma_wait3A_134 : memref<1x320000xi32, #tpu.memory_space<hbm>> -> memref<320000xi32, #tpu.memory_space<hbm>>
          %dma_wait3A_136 = tpu.memref_slice %dma_wait3A_135[%multiple_of3A_106] : memref<320000xi32, #tpu.memory_space<hbm>> -> memref<128xi32, #tpu.memory_space<hbm>>
          %dma_wait3A_137 = arith.constant 0 : i32
          %dma_wait3A_138 = tpu.memref_slice %arg2[%cond3A_23, %dma_wait3A_137] : memref<2x320000xi32, #tpu.memory_space<hbm>> -> memref<1x320000xi32, #tpu.memory_space<hbm>>
          %dma_wait3A_139 = tpu.memref_squeeze %dma_wait3A_138 : memref<1x320000xi32, #tpu.memory_space<hbm>> -> memref<320000xi32, #tpu.memory_space<hbm>>
          %dma_wait3A_140 = tpu.memref_slice %dma_wait3A_139[%multiple_of3A_106] : memref<320000xi32, #tpu.memory_space<hbm>> -> memref<128xi32, #tpu.memory_space<hbm>>
          tpu.wait_dma2 semaphore(%run_scoped3A : memref<!tpu.dma_semaphore, #tpu.memory_space<semaphore_mem>>) src(%dma_wait3A_140 : memref<128xi32, #tpu.memory_space<hbm>>) dst(%arg17 : memref<128xi32, #tpu.memory_space<vmem>>)
          tpu.yield
        }) : () -> ()
        "tpu.region"() ({
          %run_scoped3A = tpu.sem_alloc : memref<!tpu.dma_semaphore, #tpu.memory_space<semaphore_mem>>
          %dma_start3A_125 = arith.constant 0 : i32
          %dma_start3A_126 = tpu.memref_slice %arg4[%multiple_of3A_106, %dma_start3A_125] : memref<320000x16xf32, #tpu.memory_space<hbm>> -> memref<128x16xf32, #tpu.memory_space<hbm>>
          %dma_start3A_127 = arith.constant 0 : i32
          %dma_start3A_128 = tpu.memref_slice %arg4[%multiple_of3A_106, %dma_start3A_127] : memref<320000x16xf32, #tpu.memory_space<hbm>> -> memref<128x16xf32, #tpu.memory_space<hbm>>
          tpu.enqueue_dma source(%dma_start3A_128 : memref<128x16xf32, #tpu.memory_space<hbm>>) target(%arg25 : memref<128x16xf32, #tpu.memory_space<vmem>>) target_semaphore(%run_scoped3A : memref<!tpu.dma_semaphore, #tpu.memory_space<semaphore_mem>>)
          %dma_wait3A_129 = arith.constant 0 : i32
          %dma_wait3A_130 = tpu.memref_slice %arg4[%multiple_of3A_106, %dma_wait3A_129] : memref<320000x16xf32, #tpu.memory_space<hbm>> -> memref<128x16xf32, #tpu.memory_space<hbm>>
          %dma_wait3A_131 = arith.constant 0 : i32
          %dma_wait3A_132 = tpu.memref_slice %arg4[%multiple_of3A_106, %dma_wait3A_131] : memref<320000x16xf32, #tpu.memory_space<hbm>> -> memref<128x16xf32, #tpu.memory_space<hbm>>
          tpu.wait_dma2 semaphore(%run_scoped3A : memref<!tpu.dma_semaphore, #tpu.memory_space<semaphore_mem>>) src(%dma_wait3A_132 : memref<128x16xf32, #tpu.memory_space<hbm>>) dst(%arg25 : memref<128x16xf32, #tpu.memory_space<vmem>>)
          tpu.yield
        }) : () -> ()
        %add3A_107 = arith.constant 1 : i32
        %add3A_108 = arith.addi %select_n3A_101, %add3A_107 : i32
        %mul3A_109 = arith.constant 128 : i32
        %mul3A_110 = arith.muli %add3A_108, %mul3A_109 : i32
        %multiple_of3A_111 = tpu.assume_multiple %mul3A_110, 128 : i32
        "tpu.region"() ({
          %run_scoped3A = tpu.sem_alloc : memref<!tpu.dma_semaphore, #tpu.memory_space<semaphore_mem>>
          %dma_start3A_125 = arith.constant 0 : i32
          %dma_start3A_126 = tpu.memref_slice %arg2[%cond3A_22, %dma_start3A_125] : memref<2x320000xi32, #tpu.memory_space<hbm>> -> memref<1x320000xi32, #tpu.memory_space<hbm>>
          %dma_start3A_127 = tpu.memref_squeeze %dma_start3A_126 : memref<1x320000xi32, #tpu.memory_space<hbm>> -> memref<320000xi32, #tpu.memory_space<hbm>>
          %dma_start3A_128 = tpu.memref_slice %dma_start3A_127[%multiple_of3A_111] : memref<320000xi32, #tpu.memory_space<hbm>> -> memref<128xi32, #tpu.memory_space<hbm>>
          %dma_start3A_129 = arith.constant 0 : i32
          %dma_start3A_130 = tpu.memref_slice %arg2[%cond3A_22, %dma_start3A_129] : memref<2x320000xi32, #tpu.memory_space<hbm>> -> memref<1x320000xi32, #tpu.memory_space<hbm>>
          %dma_start3A_131 = tpu.memref_squeeze %dma_start3A_130 : memref<1x320000xi32, #tpu.memory_space<hbm>> -> memref<320000xi32, #tpu.memory_space<hbm>>
          %dma_start3A_132 = tpu.memref_slice %dma_start3A_131[%multiple_of3A_111] : memref<320000xi32, #tpu.memory_space<hbm>> -> memref<128xi32, #tpu.memory_space<hbm>>
          tpu.enqueue_dma source(%dma_start3A_132 : memref<128xi32, #tpu.memory_space<hbm>>) target(%arg14 : memref<128xi32, #tpu.memory_space<vmem>>) target_semaphore(%run_scoped3A : memref<!tpu.dma_semaphore, #tpu.memory_space<semaphore_mem>>)
          %dma_wait3A_133 = arith.constant 0 : i32
          %dma_wait3A_134 = tpu.memref_slice %arg2[%cond3A_22, %dma_wait3A_133] : memref<2x320000xi32, #tpu.memory_space<hbm>> -> memref<1x320000xi32, #tpu.memory_space<hbm>>
          %dma_wait3A_135 = tpu.memref_squeeze %dma_wait3A_134 : memref<1x320000xi32, #tpu.memory_space<hbm>> -> memref<320000xi32, #tpu.memory_space<hbm>>
          %dma_wait3A_136 = tpu.memref_slice %dma_wait3A_135[%multiple_of3A_111] : memref<320000xi32, #tpu.memory_space<hbm>> -> memref<128xi32, #tpu.memory_space<hbm>>
          %dma_wait3A_137 = arith.constant 0 : i32
          %dma_wait3A_138 = tpu.memref_slice %arg2[%cond3A_22, %dma_wait3A_137] : memref<2x320000xi32, #tpu.memory_space<hbm>> -> memref<1x320000xi32, #tpu.memory_space<hbm>>
          %dma_wait3A_139 = tpu.memref_squeeze %dma_wait3A_138 : memref<1x320000xi32, #tpu.memory_space<hbm>> -> memref<320000xi32, #tpu.memory_space<hbm>>
          %dma_wait3A_140 = tpu.memref_slice %dma_wait3A_139[%multiple_of3A_111] : memref<320000xi32, #tpu.memory_space<hbm>> -> memref<128xi32, #tpu.memory_space<hbm>>
          tpu.wait_dma2 semaphore(%run_scoped3A : memref<!tpu.dma_semaphore, #tpu.memory_space<semaphore_mem>>) src(%dma_wait3A_140 : memref<128xi32, #tpu.memory_space<hbm>>) dst(%arg14 : memref<128xi32, #tpu.memory_space<vmem>>)
          tpu.yield
        }) : () -> ()
        "tpu.region"() ({
          %run_scoped3A = tpu.sem_alloc : memref<!tpu.dma_semaphore, #tpu.memory_space<semaphore_mem>>
          %dma_start3A_125 = arith.constant 0 : i32
          %dma_start3A_126 = tpu.memref_slice %arg2[%cond3A_23, %dma_start3A_125] : memref<2x320000xi32, #tpu.memory_space<hbm>> -> memref<1x320000xi32, #tpu.memory_space<hbm>>
          %dma_start3A_127 = tpu.memref_squeeze %dma_start3A_126 : memref<1x320000xi32, #tpu.memory_space<hbm>> -> memref<320000xi32, #tpu.memory_space<hbm>>
          %dma_start3A_128 = tpu.memref_slice %dma_start3A_127[%multiple_of3A_111] : memref<320000xi32, #tpu.memory_space<hbm>> -> memref<128xi32, #tpu.memory_space<hbm>>
          %dma_start3A_129 = arith.constant 0 : i32
          %dma_start3A_130 = tpu.memref_slice %arg2[%cond3A_23, %dma_start3A_129] : memref<2x320000xi32, #tpu.memory_space<hbm>> -> memref<1x320000xi32, #tpu.memory_space<hbm>>
          %dma_start3A_131 = tpu.memref_squeeze %dma_start3A_130 : memref<1x320000xi32, #tpu.memory_space<hbm>> -> memref<320000xi32, #tpu.memory_space<hbm>>
          %dma_start3A_132 = tpu.memref_slice %dma_start3A_131[%multiple_of3A_111] : memref<320000xi32, #tpu.memory_space<hbm>> -> memref<128xi32, #tpu.memory_space<hbm>>
          tpu.enqueue_dma source(%dma_start3A_132 : memref<128xi32, #tpu.memory_space<hbm>>) target(%arg18 : memref<128xi32, #tpu.memory_space<vmem>>) target_semaphore(%run_scoped3A : memref<!tpu.dma_semaphore, #tpu.memory_space<semaphore_mem>>)
          %dma_wait3A_133 = arith.constant 0 : i32
          %dma_wait3A_134 = tpu.memref_slice %arg2[%cond3A_23, %dma_wait3A_133] : memref<2x320000xi32, #tpu.memory_space<hbm>> -> memref<1x320000xi32, #tpu.memory_space<hbm>>
          %dma_wait3A_135 = tpu.memref_squeeze %dma_wait3A_134 : memref<1x320000xi32, #tpu.memory_space<hbm>> -> memref<320000xi32, #tpu.memory_space<hbm>>
          %dma_wait3A_136 = tpu.memref_slice %dma_wait3A_135[%multiple_of3A_111] : memref<320000xi32, #tpu.memory_space<hbm>> -> memref<128xi32, #tpu.memory_space<hbm>>
          %dma_wait3A_137 = arith.constant 0 : i32
          %dma_wait3A_138 = tpu.memref_slice %arg2[%cond3A_23, %dma_wait3A_137] : memref<2x320000xi32, #tpu.memory_space<hbm>> -> memref<1x320000xi32, #tpu.memory_space<hbm>>
          %dma_wait3A_139 = tpu.memref_squeeze %dma_wait3A_138 : memref<1x320000xi32, #tpu.memory_space<hbm>> -> memref<320000xi32, #tpu.memory_space<hbm>>
          %dma_wait3A_140 = tpu.memref_slice %dma_wait3A_139[%multiple_of3A_111] : memref<320000xi32, #tpu.memory_space<hbm>> -> memref<128xi32, #tpu.memory_space<hbm>>
          tpu.wait_dma2 semaphore(%run_scoped3A : memref<!tpu.dma_semaphore, #tpu.memory_space<semaphore_mem>>) src(%dma_wait3A_140 : memref<128xi32, #tpu.memory_space<hbm>>) dst(%arg18 : memref<128xi32, #tpu.memory_space<vmem>>)
          tpu.yield
        }) : () -> ()
        "tpu.region"() ({
          %run_scoped3A = tpu.sem_alloc : memref<!tpu.dma_semaphore, #tpu.memory_space<semaphore_mem>>
          %dma_start3A_125 = arith.constant 0 : i32
          %dma_start3A_126 = tpu.memref_slice %arg4[%multiple_of3A_111, %dma_start3A_125] : memref<320000x16xf32, #tpu.memory_space<hbm>> -> memref<128x16xf32, #tpu.memory_space<hbm>>
          %dma_start3A_127 = arith.constant 0 : i32
          %dma_start3A_128 = tpu.memref_slice %arg4[%multiple_of3A_111, %dma_start3A_127] : memref<320000x16xf32, #tpu.memory_space<hbm>> -> memref<128x16xf32, #tpu.memory_space<hbm>>
          tpu.enqueue_dma source(%dma_start3A_128 : memref<128x16xf32, #tpu.memory_space<hbm>>) target(%arg26 : memref<128x16xf32, #tpu.memory_space<vmem>>) target_semaphore(%run_scoped3A : memref<!tpu.dma_semaphore, #tpu.memory_space<semaphore_mem>>)
          %dma_wait3A_129 = arith.constant 0 : i32
          %dma_wait3A_130 = tpu.memref_slice %arg4[%multiple_of3A_111, %dma_wait3A_129] : memref<320000x16xf32, #tpu.memory_space<hbm>> -> memref<128x16xf32, #tpu.memory_space<hbm>>
          %dma_wait3A_131 = arith.constant 0 : i32
          %dma_wait3A_132 = tpu.memref_slice %arg4[%multiple_of3A_111, %dma_wait3A_131] : memref<320000x16xf32, #tpu.memory_space<hbm>> -> memref<128x16xf32, #tpu.memory_space<hbm>>
          tpu.wait_dma2 semaphore(%run_scoped3A : memref<!tpu.dma_semaphore, #tpu.memory_space<semaphore_mem>>) src(%dma_wait3A_132 : memref<128x16xf32, #tpu.memory_space<hbm>>) dst(%arg26 : memref<128x16xf32, #tpu.memory_space<vmem>>)
          tpu.yield
        }) : () -> ()
        %dma_start3A_112 = arith.constant 0 : i32
        %dma_start3A_113 = arith.constant 0 : i32
        %dma_start3A_114 = tpu.memref_slice %arg6[%dma_start3A_112, %dma_start3A_113] : memref<10000x64xf32, #tpu.memory_space<hbm>> -> memref<10000x64xf32, #tpu.memory_space<hbm>>
        tpu.enqueue_indirect_dma source(%dma_start3A_114 : memref<10000x64xf32, #tpu.memory_space<hbm>>) target(%arg21 : memref<128x64xf32, #tpu.memory_space<vmem>>) offsets(%arg17 : memref<128xi32, #tpu.memory_space<vmem>>) semaphore(%arg31 : memref<!tpu.dma_semaphore, #tpu.memory_space<semaphore_mem>>)
        %dma_start3A_115 = arith.constant 0 : i32
        %dma_start3A_116 = arith.constant 0 : i32
        %dma_start3A_117 = tpu.memref_slice %arg6[%dma_start3A_115, %dma_start3A_116] : memref<10000x64xf32, #tpu.memory_space<hbm>> -> memref<10000x64xf32, #tpu.memory_space<hbm>>
        tpu.enqueue_indirect_dma source(%dma_start3A_117 : memref<10000x64xf32, #tpu.memory_space<hbm>>) target(%arg22 : memref<128x64xf32, #tpu.memory_space<vmem>>) offsets(%arg18 : memref<128xi32, #tpu.memory_space<vmem>>) semaphore(%arg31 : memref<!tpu.dma_semaphore, #tpu.memory_space<semaphore_mem>>)
        %dma_wait3A_118 = arith.constant 0 : i32
        %dma_wait3A_119 = arith.constant 0 : i32
        %dma_wait3A_120 = tpu.memref_slice %arg6[%dma_wait3A_118, %dma_wait3A_119] : memref<10000x64xf32, #tpu.memory_space<hbm>> -> memref<10000x64xf32, #tpu.memory_space<hbm>>
        tpu.wait_indirect_dma semaphore(%arg32 : memref<!tpu.dma_semaphore, #tpu.memory_space<semaphore_mem>>) src(%dma_wait3A_120 : memref<10000x64xf32, #tpu.memory_space<hbm>>) dst(%arg23 : memref<128x64xf32, #tpu.memory_space<vmem>>)
        %dma_wait3A_121 = arith.constant 0 : i32
        %dma_wait3A_122 = arith.constant 0 : i32
        %dma_wait3A_123 = tpu.memref_slice %arg6[%dma_wait3A_121, %dma_wait3A_122] : memref<10000x64xf32, #tpu.memory_space<hbm>> -> memref<10000x64xf32, #tpu.memory_space<hbm>>
        tpu.wait_indirect_dma semaphore(%arg32 : memref<!tpu.dma_semaphore, #tpu.memory_space<semaphore_mem>>) src(%dma_wait3A_123 : memref<10000x64xf32, #tpu.memory_space<hbm>>) dst(%arg24 : memref<128x64xf32, #tpu.memory_space<vmem>>)
        "tpu.region"() ({
          %run_scoped3A = tpu.sem_alloc : memref<!tpu.dma_semaphore, #tpu.memory_space<semaphore_mem>>
          %dma_start3A_125 = arith.constant 0 : i32
          %dma_start3A_126 = arith.constant 0 : i32
          %dma_start3A_127 = tpu.memref_slice %arg29[%dma_start3A_125, %dma_start3A_126] : memref<10000x64xf32, #tpu.memory_space<vmem_shared>> -> memref<10000x64xf32, #tpu.memory_space<vmem_shared>>
          tpu.enqueue_indirect_dma source(%arg23 : memref<128x64xf32, #tpu.memory_space<vmem>>) target(%dma_start3A_127 : memref<10000x64xf32, #tpu.memory_space<vmem_shared>>) offsets(%arg15 : memref<128xi32, #tpu.memory_space<vmem>>) semaphore(%run_scoped3A : memref<!tpu.dma_semaphore, #tpu.memory_space<semaphore_mem>>) {add = true}
          %dma_wait3A_128 = arith.constant 0 : i32
          %dma_wait3A_129 = arith.constant 0 : i32
          %dma_wait3A_130 = tpu.memref_slice %arg29[%dma_wait3A_128, %dma_wait3A_129] : memref<10000x64xf32, #tpu.memory_space<vmem_shared>> -> memref<10000x64xf32, #tpu.memory_space<vmem_shared>>
          tpu.wait_indirect_dma semaphore(%run_scoped3A : memref<!tpu.dma_semaphore, #tpu.memory_space<semaphore_mem>>) src(%arg23 : memref<128x64xf32, #tpu.memory_space<vmem>>) dst(%dma_wait3A_130 : memref<10000x64xf32, #tpu.memory_space<vmem_shared>>)
          tpu.yield
        }) : () -> ()
        "tpu.region"() ({
          %run_scoped3A = tpu.sem_alloc : memref<!tpu.dma_semaphore, #tpu.memory_space<semaphore_mem>>
          %dma_start3A_125 = arith.constant 0 : i32
          %dma_start3A_126 = arith.constant 0 : i32
          %dma_start3A_127 = tpu.memref_slice %arg30[%dma_start3A_125, %dma_start3A_126] : memref<10000x16xf32, #tpu.memory_space<vmem_shared>> -> memref<10000x16xf32, #tpu.memory_space<vmem_shared>>
          tpu.enqueue_indirect_dma source(%arg27 : memref<128x16xf32, #tpu.memory_space<vmem>>) target(%dma_start3A_127 : memref<10000x16xf32, #tpu.memory_space<vmem_shared>>) offsets(%arg15 : memref<128xi32, #tpu.memory_space<vmem>>) semaphore(%run_scoped3A : memref<!tpu.dma_semaphore, #tpu.memory_space<semaphore_mem>>) {add = true}
          %dma_wait3A_128 = arith.constant 0 : i32
          %dma_wait3A_129 = arith.constant 0 : i32
          %dma_wait3A_130 = tpu.memref_slice %arg30[%dma_wait3A_128, %dma_wait3A_129] : memref<10000x16xf32, #tpu.memory_space<vmem_shared>> -> memref<10000x16xf32, #tpu.memory_space<vmem_shared>>
          tpu.wait_indirect_dma semaphore(%run_scoped3A : memref<!tpu.dma_semaphore, #tpu.memory_space<semaphore_mem>>) src(%arg27 : memref<128x16xf32, #tpu.memory_space<vmem>>) dst(%dma_wait3A_130 : memref<10000x16xf32, #tpu.memory_space<vmem_shared>>)
          tpu.yield
        }) : () -> ()
        "tpu.region"() ({
          %run_scoped3A = tpu.sem_alloc : memref<!tpu.dma_semaphore, #tpu.memory_space<semaphore_mem>>
          %dma_start3A_125 = arith.constant 0 : i32
          %dma_start3A_126 = arith.constant 0 : i32
          %dma_start3A_127 = tpu.memref_slice %arg29[%dma_start3A_125, %dma_start3A_126] : memref<10000x64xf32, #tpu.memory_space<vmem_shared>> -> memref<10000x64xf32, #tpu.memory_space<vmem_shared>>
          tpu.enqueue_indirect_dma source(%arg24 : memref<128x64xf32, #tpu.memory_space<vmem>>) target(%dma_start3A_127 : memref<10000x64xf32, #tpu.memory_space<vmem_shared>>) offsets(%arg16 : memref<128xi32, #tpu.memory_space<vmem>>) semaphore(%run_scoped3A : memref<!tpu.dma_semaphore, #tpu.memory_space<semaphore_mem>>) {add = true}
          %dma_wait3A_128 = arith.constant 0 : i32
          %dma_wait3A_129 = arith.constant 0 : i32
          %dma_wait3A_130 = tpu.memref_slice %arg29[%dma_wait3A_128, %dma_wait3A_129] : memref<10000x64xf32, #tpu.memory_space<vmem_shared>> -> memref<10000x64xf32, #tpu.memory_space<vmem_shared>>
          tpu.wait_indirect_dma semaphore(%run_scoped3A : memref<!tpu.dma_semaphore, #tpu.memory_space<semaphore_mem>>) src(%arg24 : memref<128x64xf32, #tpu.memory_space<vmem>>) dst(%dma_wait3A_130 : memref<10000x64xf32, #tpu.memory_space<vmem_shared>>)
          tpu.yield
        }) : () -> ()
        "tpu.region"() ({
          %run_scoped3A = tpu.sem_alloc : memref<!tpu.dma_semaphore, #tpu.memory_space<semaphore_mem>>
          %dma_start3A_125 = arith.constant 0 : i32
          %dma_start3A_126 = arith.constant 0 : i32
          %dma_start3A_127 = tpu.memref_slice %arg30[%dma_start3A_125, %dma_start3A_126] : memref<10000x16xf32, #tpu.memory_space<vmem_shared>> -> memref<10000x16xf32, #tpu.memory_space<vmem_shared>>
          tpu.enqueue_indirect_dma source(%arg28 : memref<128x16xf32, #tpu.memory_space<vmem>>) target(%dma_start3A_127 : memref<10000x16xf32, #tpu.memory_space<vmem_shared>>) offsets(%arg16 : memref<128xi32, #tpu.memory_space<vmem>>) semaphore(%run_scoped3A : memref<!tpu.dma_semaphore, #tpu.memory_space<semaphore_mem>>) {add = true}
          %dma_wait3A_128 = arith.constant 0 : i32
          %dma_wait3A_129 = arith.constant 0 : i32
          %dma_wait3A_130 = tpu.memref_slice %arg30[%dma_wait3A_128, %dma_wait3A_129] : memref<10000x16xf32, #tpu.memory_space<vmem_shared>> -> memref<10000x16xf32, #tpu.memory_space<vmem_shared>>
          tpu.wait_indirect_dma semaphore(%run_scoped3A : memref<!tpu.dma_semaphore, #tpu.memory_space<semaphore_mem>>) src(%arg28 : memref<128x16xf32, #tpu.memory_space<vmem>>) dst(%dma_wait3A_130 : memref<10000x16xf32, #tpu.memory_space<vmem_shared>>)
          tpu.yield
        }) : () -> ()
        %while3A_124 = arith.constant 0 : i32
        scf.yield %while3A_124 : i32
      }
      %while3A_60 = arith.constant 1 : i32
      %while3A_61 = scf.for %while3A_67 = %while3A_57 to %while3A_53 step %while3A_60 iter_args(%while3A_68 = %while3A_59) -> (i32)  : i32 {
        %mul3A_69 = arith.constant 4 : i32
        %mul3A_70 = arith.muli %while3A_67, %mul3A_69 : i32
        %add3A_71 = arith.addi %mul3A_8, %mul3A_70 : i32
        %add3A_72 = arith.constant 2 : i32
        %add3A_73 = arith.addi %add3A_71, %add3A_72 : i32
        %add3A_74 = arith.constant 0 : i32
        %add3A_75 = arith.addi %add3A_73, %add3A_74 : i32
        %mul3A_76 = arith.constant 128 : i32
        %mul3A_77 = arith.muli %add3A_75, %mul3A_76 : i32
        %multiple_of3A_78 = tpu.assume_multiple %mul3A_77, 128 : i32
        "tpu.region"() ({
          %run_scoped3A = tpu.sem_alloc : memref<!tpu.dma_semaphore, #tpu.memory_space<semaphore_mem>>
          %dma_start3A_125 = arith.constant 0 : i32
          %dma_start3A_126 = tpu.memref_slice %arg2[%cond3A_22, %dma_start3A_125] : memref<2x320000xi32, #tpu.memory_space<hbm>> -> memref<1x320000xi32, #tpu.memory_space<hbm>>
          %dma_start3A_127 = tpu.memref_squeeze %dma_start3A_126 : memref<1x320000xi32, #tpu.memory_space<hbm>> -> memref<320000xi32, #tpu.memory_space<hbm>>
          %dma_start3A_128 = tpu.memref_slice %dma_start3A_127[%multiple_of3A_78] : memref<320000xi32, #tpu.memory_space<hbm>> -> memref<128xi32, #tpu.memory_space<hbm>>
          %dma_start3A_129 = arith.constant 0 : i32
          %dma_start3A_130 = tpu.memref_slice %arg2[%cond3A_22, %dma_start3A_129] : memref<2x320000xi32, #tpu.memory_space<hbm>> -> memref<1x320000xi32, #tpu.memory_space<hbm>>
          %dma_start3A_131 = tpu.memref_squeeze %dma_start3A_130 : memref<1x320000xi32, #tpu.memory_space<hbm>> -> memref<320000xi32, #tpu.memory_space<hbm>>
          %dma_start3A_132 = tpu.memref_slice %dma_start3A_131[%multiple_of3A_78] : memref<320000xi32, #tpu.memory_space<hbm>> -> memref<128xi32, #tpu.memory_space<hbm>>
          tpu.enqueue_dma source(%dma_start3A_132 : memref<128xi32, #tpu.memory_space<hbm>>) target(%arg15 : memref<128xi32, #tpu.memory_space<vmem>>) target_semaphore(%run_scoped3A : memref<!tpu.dma_semaphore, #tpu.memory_space<semaphore_mem>>)
          %dma_wait3A_133 = arith.constant 0 : i32
          %dma_wait3A_134 = tpu.memref_slice %arg2[%cond3A_22, %dma_wait3A_133] : memref<2x320000xi32, #tpu.memory_space<hbm>> -> memref<1x320000xi32, #tpu.memory_space<hbm>>
          %dma_wait3A_135 = tpu.memref_squeeze %dma_wait3A_134 : memref<1x320000xi32, #tpu.memory_space<hbm>> -> memref<320000xi32, #tpu.memory_space<hbm>>
          %dma_wait3A_136 = tpu.memref_slice %dma_wait3A_135[%multiple_of3A_78] : memref<320000xi32, #tpu.memory_space<hbm>> -> memref<128xi32, #tpu.memory_space<hbm>>
          %dma_wait3A_137 = arith.constant 0 : i32
          %dma_wait3A_138 = tpu.memref_slice %arg2[%cond3A_22, %dma_wait3A_137] : memref<2x320000xi32, #tpu.memory_space<hbm>> -> memref<1x320000xi32, #tpu.memory_space<hbm>>
          %dma_wait3A_139 = tpu.memref_squeeze %dma_wait3A_138 : memref<1x320000xi32, #tpu.memory_space<hbm>> -> memref<320000xi32, #tpu.memory_space<hbm>>
          %dma_wait3A_140 = tpu.memref_slice %dma_wait3A_139[%multiple_of3A_78] : memref<320000xi32, #tpu.memory_space<hbm>> -> memref<128xi32, #tpu.memory_space<hbm>>
          tpu.wait_dma2 semaphore(%run_scoped3A : memref<!tpu.dma_semaphore, #tpu.memory_space<semaphore_mem>>) src(%dma_wait3A_140 : memref<128xi32, #tpu.memory_space<hbm>>) dst(%arg15 : memref<128xi32, #tpu.memory_space<vmem>>)
          tpu.yield
        }) : () -> ()
        "tpu.region"() ({
          %run_scoped3A = tpu.sem_alloc : memref<!tpu.dma_semaphore, #tpu.memory_space<semaphore_mem>>
          %dma_start3A_125 = arith.constant 0 : i32
          %dma_start3A_126 = tpu.memref_slice %arg2[%cond3A_23, %dma_start3A_125] : memref<2x320000xi32, #tpu.memory_space<hbm>> -> memref<1x320000xi32, #tpu.memory_space<hbm>>
          %dma_start3A_127 = tpu.memref_squeeze %dma_start3A_126 : memref<1x320000xi32, #tpu.memory_space<hbm>> -> memref<320000xi32, #tpu.memory_space<hbm>>
          %dma_start3A_128 = tpu.memref_slice %dma_start3A_127[%multiple_of3A_78] : memref<320000xi32, #tpu.memory_space<hbm>> -> memref<128xi32, #tpu.memory_space<hbm>>
          %dma_start3A_129 = arith.constant 0 : i32
          %dma_start3A_130 = tpu.memref_slice %arg2[%cond3A_23, %dma_start3A_129] : memref<2x320000xi32, #tpu.memory_space<hbm>> -> memref<1x320000xi32, #tpu.memory_space<hbm>>
          %dma_start3A_131 = tpu.memref_squeeze %dma_start3A_130 : memref<1x320000xi32, #tpu.memory_space<hbm>> -> memref<320000xi32, #tpu.memory_space<hbm>>
          %dma_start3A_132 = tpu.memref_slice %dma_start3A_131[%multiple_of3A_78] : memref<320000xi32, #tpu.memory_space<hbm>> -> memref<128xi32, #tpu.memory_space<hbm>>
          tpu.enqueue_dma source(%dma_start3A_132 : memref<128xi32, #tpu.memory_space<hbm>>) target(%arg19 : memref<128xi32, #tpu.memory_space<vmem>>) target_semaphore(%run_scoped3A : memref<!tpu.dma_semaphore, #tpu.memory_space<semaphore_mem>>)
          %dma_wait3A_133 = arith.constant 0 : i32
          %dma_wait3A_134 = tpu.memref_slice %arg2[%cond3A_23, %dma_wait3A_133] : memref<2x320000xi32, #tpu.memory_space<hbm>> -> memref<1x320000xi32, #tpu.memory_space<hbm>>
          %dma_wait3A_135 = tpu.memref_squeeze %dma_wait3A_134 : memref<1x320000xi32, #tpu.memory_space<hbm>> -> memref<320000xi32, #tpu.memory_space<hbm>>
          %dma_wait3A_136 = tpu.memref_slice %dma_wait3A_135[%multiple_of3A_78] : memref<320000xi32, #tpu.memory_space<hbm>> -> memref<128xi32, #tpu.memory_space<hbm>>
          %dma_wait3A_137 = arith.constant 0 : i32
          %dma_wait3A_138 = tpu.memref_slice %arg2[%cond3A_23, %dma_wait3A_137] : memref<2x320000xi32, #tpu.memory_space<hbm>> -> memref<1x320000xi32, #tpu.memory_space<hbm>>
          %dma_wait3A_139 = tpu.memref_squeeze %dma_wait3A_138 : memref<1x320000xi32, #tpu.memory_space<hbm>> -> memref<320000xi32, #tpu.memory_space<hbm>>
          %dma_wait3A_140 = tpu.memref_slice %dma_wait3A_139[%multiple_of3A_78] : memref<320000xi32, #tpu.memory_space<hbm>> -> memref<128xi32, #tpu.memory_space<hbm>>
          tpu.wait_dma2 semaphore(%run_scoped3A : memref<!tpu.dma_semaphore, #tpu.memory_space<semaphore_mem>>) src(%dma_wait3A_140 : memref<128xi32, #tpu.memory_space<hbm>>) dst(%arg19 : memref<128xi32, #tpu.memory_space<vmem>>)
          tpu.yield
        }) : () -> ()
        "tpu.region"() ({
          %run_scoped3A = tpu.sem_alloc : memref<!tpu.dma_semaphore, #tpu.memory_space<semaphore_mem>>
          %dma_start3A_125 = arith.constant 0 : i32
          %dma_start3A_126 = tpu.memref_slice %arg4[%multiple_of3A_78, %dma_start3A_125] : memref<320000x16xf32, #tpu.memory_space<hbm>> -> memref<128x16xf32, #tpu.memory_space<hbm>>
          %dma_start3A_127 = arith.constant 0 : i32
          %dma_start3A_128 = tpu.memref_slice %arg4[%multiple_of3A_78, %dma_start3A_127] : memref<320000x16xf32, #tpu.memory_space<hbm>> -> memref<128x16xf32, #tpu.memory_space<hbm>>
          tpu.enqueue_dma source(%dma_start3A_128 : memref<128x16xf32, #tpu.memory_space<hbm>>) target(%arg27 : memref<128x16xf32, #tpu.memory_space<vmem>>) target_semaphore(%run_scoped3A : memref<!tpu.dma_semaphore, #tpu.memory_space<semaphore_mem>>)
          %dma_wait3A_129 = arith.constant 0 : i32
          %dma_wait3A_130 = tpu.memref_slice %arg4[%multiple_of3A_78, %dma_wait3A_129] : memref<320000x16xf32, #tpu.memory_space<hbm>> -> memref<128x16xf32, #tpu.memory_space<hbm>>
          %dma_wait3A_131 = arith.constant 0 : i32
          %dma_wait3A_132 = tpu.memref_slice %arg4[%multiple_of3A_78, %dma_wait3A_131] : memref<320000x16xf32, #tpu.memory_space<hbm>> -> memref<128x16xf32, #tpu.memory_space<hbm>>
          tpu.wait_dma2 semaphore(%run_scoped3A : memref<!tpu.dma_semaphore, #tpu.memory_space<semaphore_mem>>) src(%dma_wait3A_132 : memref<128x16xf32, #tpu.memory_space<hbm>>) dst(%arg27 : memref<128x16xf32, #tpu.memory_space<vmem>>)
          tpu.yield
        }) : () -> ()
        %add3A_79 = arith.constant 1 : i32
        %add3A_80 = arith.addi %add3A_73, %add3A_79 : i32
        %mul3A_81 = arith.constant 128 : i32
        %mul3A_82 = arith.muli %add3A_80, %mul3A_81 : i32
        %multiple_of3A_83 = tpu.assume_multiple %mul3A_82, 128 : i32
        "tpu.region"() ({
          %run_scoped3A = tpu.sem_alloc : memref<!tpu.dma_semaphore, #tpu.memory_space<semaphore_mem>>
          %dma_start3A_125 = arith.constant 0 : i32
          %dma_start3A_126 = tpu.memref_slice %arg2[%cond3A_22, %dma_start3A_125] : memref<2x320000xi32, #tpu.memory_space<hbm>> -> memref<1x320000xi32, #tpu.memory_space<hbm>>
          %dma_start3A_127 = tpu.memref_squeeze %dma_start3A_126 : memref<1x320000xi32, #tpu.memory_space<hbm>> -> memref<320000xi32, #tpu.memory_space<hbm>>
          %dma_start3A_128 = tpu.memref_slice %dma_start3A_127[%multiple_of3A_83] : memref<320000xi32, #tpu.memory_space<hbm>> -> memref<128xi32, #tpu.memory_space<hbm>>
          %dma_start3A_129 = arith.constant 0 : i32
          %dma_start3A_130 = tpu.memref_slice %arg2[%cond3A_22, %dma_start3A_129] : memref<2x320000xi32, #tpu.memory_space<hbm>> -> memref<1x320000xi32, #tpu.memory_space<hbm>>
          %dma_start3A_131 = tpu.memref_squeeze %dma_start3A_130 : memref<1x320000xi32, #tpu.memory_space<hbm>> -> memref<320000xi32, #tpu.memory_space<hbm>>
          %dma_start3A_132 = tpu.memref_slice %dma_start3A_131[%multiple_of3A_83] : memref<320000xi32, #tpu.memory_space<hbm>> -> memref<128xi32, #tpu.memory_space<hbm>>
          tpu.enqueue_dma source(%dma_start3A_132 : memref<128xi32, #tpu.memory_space<hbm>>) target(%arg16 : memref<128xi32, #tpu.memory_space<vmem>>) target_semaphore(%run_scoped3A : memref<!tpu.dma_semaphore, #tpu.memory_space<semaphore_mem>>)
          %dma_wait3A_133 = arith.constant 0 : i32
          %dma_wait3A_134 = tpu.memref_slice %arg2[%cond3A_22, %dma_wait3A_133] : memref<2x320000xi32, #tpu.memory_space<hbm>> -> memref<1x320000xi32, #tpu.memory_space<hbm>>
          %dma_wait3A_135 = tpu.memref_squeeze %dma_wait3A_134 : memref<1x320000xi32, #tpu.memory_space<hbm>> -> memref<320000xi32, #tpu.memory_space<hbm>>
          %dma_wait3A_136 = tpu.memref_slice %dma_wait3A_135[%multiple_of3A_83] : memref<320000xi32, #tpu.memory_space<hbm>> -> memref<128xi32, #tpu.memory_space<hbm>>
          %dma_wait3A_137 = arith.constant 0 : i32
          %dma_wait3A_138 = tpu.memref_slice %arg2[%cond3A_22, %dma_wait3A_137] : memref<2x320000xi32, #tpu.memory_space<hbm>> -> memref<1x320000xi32, #tpu.memory_space<hbm>>
          %dma_wait3A_139 = tpu.memref_squeeze %dma_wait3A_138 : memref<1x320000xi32, #tpu.memory_space<hbm>> -> memref<320000xi32, #tpu.memory_space<hbm>>
          %dma_wait3A_140 = tpu.memref_slice %dma_wait3A_139[%multiple_of3A_83] : memref<320000xi32, #tpu.memory_space<hbm>> -> memref<128xi32, #tpu.memory_space<hbm>>
          tpu.wait_dma2 semaphore(%run_scoped3A : memref<!tpu.dma_semaphore, #tpu.memory_space<semaphore_mem>>) src(%dma_wait3A_140 : memref<128xi32, #tpu.memory_space<hbm>>) dst(%arg16 : memref<128xi32, #tpu.memory_space<vmem>>)
          tpu.yield
        }) : () -> ()
        "tpu.region"() ({
          %run_scoped3A = tpu.sem_alloc : memref<!tpu.dma_semaphore, #tpu.memory_space<semaphore_mem>>
          %dma_start3A_125 = arith.constant 0 : i32
          %dma_start3A_126 = tpu.memref_slice %arg2[%cond3A_23, %dma_start3A_125] : memref<2x320000xi32, #tpu.memory_space<hbm>> -> memref<1x320000xi32, #tpu.memory_space<hbm>>
          %dma_start3A_127 = tpu.memref_squeeze %dma_start3A_126 : memref<1x320000xi32, #tpu.memory_space<hbm>> -> memref<320000xi32, #tpu.memory_space<hbm>>
          %dma_start3A_128 = tpu.memref_slice %dma_start3A_127[%multiple_of3A_83] : memref<320000xi32, #tpu.memory_space<hbm>> -> memref<128xi32, #tpu.memory_space<hbm>>
          %dma_start3A_129 = arith.constant 0 : i32
          %dma_start3A_130 = tpu.memref_slice %arg2[%cond3A_23, %dma_start3A_129] : memref<2x320000xi32, #tpu.memory_space<hbm>> -> memref<1x320000xi32, #tpu.memory_space<hbm>>
          %dma_start3A_131 = tpu.memref_squeeze %dma_start3A_130 : memref<1x320000xi32, #tpu.memory_space<hbm>> -> memref<320000xi32, #tpu.memory_space<hbm>>
          %dma_start3A_132 = tpu.memref_slice %dma_start3A_131[%multiple_of3A_83] : memref<320000xi32, #tpu.memory_space<hbm>> -> memref<128xi32, #tpu.memory_space<hbm>>
          tpu.enqueue_dma source(%dma_start3A_132 : memref<128xi32, #tpu.memory_space<hbm>>) target(%arg20 : memref<128xi32, #tpu.memory_space<vmem>>) target_semaphore(%run_scoped3A : memref<!tpu.dma_semaphore, #tpu.memory_space<semaphore_mem>>)
          %dma_wait3A_133 = arith.constant 0 : i32
          %dma_wait3A_134 = tpu.memref_slice %arg2[%cond3A_23, %dma_wait3A_133] : memref<2x320000xi32, #tpu.memory_space<hbm>> -> memref<1x320000xi32, #tpu.memory_space<hbm>>
          %dma_wait3A_135 = tpu.memref_squeeze %dma_wait3A_134 : memref<1x320000xi32, #tpu.memory_space<hbm>> -> memref<320000xi32, #tpu.memory_space<hbm>>
          %dma_wait3A_136 = tpu.memref_slice %dma_wait3A_135[%multiple_of3A_83] : memref<320000xi32, #tpu.memory_space<hbm>> -> memref<128xi32, #tpu.memory_space<hbm>>
          %dma_wait3A_137 = arith.constant 0 : i32
          %dma_wait3A_138 = tpu.memref_slice %arg2[%cond3A_23, %dma_wait3A_137] : memref<2x320000xi32, #tpu.memory_space<hbm>> -> memref<1x320000xi32, #tpu.memory_space<hbm>>
          %dma_wait3A_139 = tpu.memref_squeeze %dma_wait3A_138 : memref<1x320000xi32, #tpu.memory_space<hbm>> -> memref<320000xi32, #tpu.memory_space<hbm>>
          %dma_wait3A_140 = tpu.memref_slice %dma_wait3A_139[%multiple_of3A_83] : memref<320000xi32, #tpu.memory_space<hbm>> -> memref<128xi32, #tpu.memory_space<hbm>>
          tpu.wait_dma2 semaphore(%run_scoped3A : memref<!tpu.dma_semaphore, #tpu.memory_space<semaphore_mem>>) src(%dma_wait3A_140 : memref<128xi32, #tpu.memory_space<hbm>>) dst(%arg20 : memref<128xi32, #tpu.memory_space<vmem>>)
          tpu.yield
        }) : () -> ()
        "tpu.region"() ({
          %run_scoped3A = tpu.sem_alloc : memref<!tpu.dma_semaphore, #tpu.memory_space<semaphore_mem>>
          %dma_start3A_125 = arith.constant 0 : i32
          %dma_start3A_126 = tpu.memref_slice %arg4[%multiple_of3A_83, %dma_start3A_125] : memref<320000x16xf32, #tpu.memory_space<hbm>> -> memref<128x16xf32, #tpu.memory_space<hbm>>
          %dma_start3A_127 = arith.constant 0 : i32
          %dma_start3A_128 = tpu.memref_slice %arg4[%multiple_of3A_83, %dma_start3A_127] : memref<320000x16xf32, #tpu.memory_space<hbm>> -> memref<128x16xf32, #tpu.memory_space<hbm>>
          tpu.enqueue_dma source(%dma_start3A_128 : memref<128x16xf32, #tpu.memory_space<hbm>>) target(%arg28 : memref<128x16xf32, #tpu.memory_space<vmem>>) target_semaphore(%run_scoped3A : memref<!tpu.dma_semaphore, #tpu.memory_space<semaphore_mem>>)
          %dma_wait3A_129 = arith.constant 0 : i32
          %dma_wait3A_130 = tpu.memref_slice %arg4[%multiple_of3A_83, %dma_wait3A_129] : memref<320000x16xf32, #tpu.memory_space<hbm>> -> memref<128x16xf32, #tpu.memory_space<hbm>>
          %dma_wait3A_131 = arith.constant 0 : i32
          %dma_wait3A_132 = tpu.memref_slice %arg4[%multiple_of3A_83, %dma_wait3A_131] : memref<320000x16xf32, #tpu.memory_space<hbm>> -> memref<128x16xf32, #tpu.memory_space<hbm>>
          tpu.wait_dma2 semaphore(%run_scoped3A : memref<!tpu.dma_semaphore, #tpu.memory_space<semaphore_mem>>) src(%dma_wait3A_132 : memref<128x16xf32, #tpu.memory_space<hbm>>) dst(%arg28 : memref<128x16xf32, #tpu.memory_space<vmem>>)
          tpu.yield
        }) : () -> ()
        %dma_start3A_84 = arith.constant 0 : i32
        %dma_start3A_85 = arith.constant 0 : i32
        %dma_start3A_86 = tpu.memref_slice %arg6[%dma_start3A_84, %dma_start3A_85] : memref<10000x64xf32, #tpu.memory_space<hbm>> -> memref<10000x64xf32, #tpu.memory_space<hbm>>
        tpu.enqueue_indirect_dma source(%dma_start3A_86 : memref<10000x64xf32, #tpu.memory_space<hbm>>) target(%arg23 : memref<128x64xf32, #tpu.memory_space<vmem>>) offsets(%arg19 : memref<128xi32, #tpu.memory_space<vmem>>) semaphore(%arg32 : memref<!tpu.dma_semaphore, #tpu.memory_space<semaphore_mem>>)
        %dma_start3A_87 = arith.constant 0 : i32
        %dma_start3A_88 = arith.constant 0 : i32
        %dma_start3A_89 = tpu.memref_slice %arg6[%dma_start3A_87, %dma_start3A_88] : memref<10000x64xf32, #tpu.memory_space<hbm>> -> memref<10000x64xf32, #tpu.memory_space<hbm>>
        tpu.enqueue_indirect_dma source(%dma_start3A_89 : memref<10000x64xf32, #tpu.memory_space<hbm>>) target(%arg24 : memref<128x64xf32, #tpu.memory_space<vmem>>) offsets(%arg20 : memref<128xi32, #tpu.memory_space<vmem>>) semaphore(%arg32 : memref<!tpu.dma_semaphore, #tpu.memory_space<semaphore_mem>>)
        %dma_wait3A_90 = arith.constant 0 : i32
        %dma_wait3A_91 = arith.constant 0 : i32
        %dma_wait3A_92 = tpu.memref_slice %arg6[%dma_wait3A_90, %dma_wait3A_91] : memref<10000x64xf32, #tpu.memory_space<hbm>> -> memref<10000x64xf32, #tpu.memory_space<hbm>>
        tpu.wait_indirect_dma semaphore(%arg31 : memref<!tpu.dma_semaphore, #tpu.memory_space<semaphore_mem>>) src(%dma_wait3A_92 : memref<10000x64xf32, #tpu.memory_space<hbm>>) dst(%arg21 : memref<128x64xf32, #tpu.memory_space<vmem>>)
        %dma_wait3A_93 = arith.constant 0 : i32
        %dma_wait3A_94 = arith.constant 0 : i32
        %dma_wait3A_95 = tpu.memref_slice %arg6[%dma_wait3A_93, %dma_wait3A_94] : memref<10000x64xf32, #tpu.memory_space<hbm>> -> memref<10000x64xf32, #tpu.memory_space<hbm>>
        tpu.wait_indirect_dma semaphore(%arg31 : memref<!tpu.dma_semaphore, #tpu.memory_space<semaphore_mem>>) src(%dma_wait3A_95 : memref<10000x64xf32, #tpu.memory_space<hbm>>) dst(%arg22 : memref<128x64xf32, #tpu.memory_space<vmem>>)
        "tpu.region"() ({
          %run_scoped3A = tpu.sem_alloc : memref<!tpu.dma_semaphore, #tpu.memory_space<semaphore_mem>>
          %dma_start3A_125 = arith.constant 0 : i32
          %dma_start3A_126 = arith.constant 0 : i32
          %dma_start3A_127 = tpu.memref_slice %arg29[%dma_start3A_125, %dma_start3A_126] : memref<10000x64xf32, #tpu.memory_space<vmem_shared>> -> memref<10000x64xf32, #tpu.memory_space<vmem_shared>>
          tpu.enqueue_indirect_dma source(%arg21 : memref<128x64xf32, #tpu.memory_space<vmem>>) target(%dma_start3A_127 : memref<10000x64xf32, #tpu.memory_space<vmem_shared>>) offsets(%arg13 : memref<128xi32, #tpu.memory_space<vmem>>) semaphore(%run_scoped3A : memref<!tpu.dma_semaphore, #tpu.memory_space<semaphore_mem>>) {add = true}
          %dma_wait3A_128 = arith.constant 0 : i32
          %dma_wait3A_129 = arith.constant 0 : i32
          %dma_wait3A_130 = tpu.memref_slice %arg29[%dma_wait3A_128, %dma_wait3A_129] : memref<10000x64xf32, #tpu.memory_space<vmem_shared>> -> memref<10000x64xf32, #tpu.memory_space<vmem_shared>>
          tpu.wait_indirect_dma semaphore(%run_scoped3A : memref<!tpu.dma_semaphore, #tpu.memory_space<semaphore_mem>>) src(%arg21 : memref<128x64xf32, #tpu.memory_space<vmem>>) dst(%dma_wait3A_130 : memref<10000x64xf32, #tpu.memory_space<vmem_shared>>)
          tpu.yield
        }) : () -> ()
        "tpu.region"() ({
          %run_scoped3A = tpu.sem_alloc : memref<!tpu.dma_semaphore, #tpu.memory_space<semaphore_mem>>
          %dma_start3A_125 = arith.constant 0 : i32
          %dma_start3A_126 = arith.constant 0 : i32
          %dma_start3A_127 = tpu.memref_slice %arg30[%dma_start3A_125, %dma_start3A_126] : memref<10000x16xf32, #tpu.memory_space<vmem_shared>> -> memref<10000x16xf32, #tpu.memory_space<vmem_shared>>
          tpu.enqueue_indirect_dma source(%arg25 : memref<128x16xf32, #tpu.memory_space<vmem>>) target(%dma_start3A_127 : memref<10000x16xf32, #tpu.memory_space<vmem_shared>>) offsets(%arg13 : memref<128xi32, #tpu.memory_space<vmem>>) semaphore(%run_scoped3A : memref<!tpu.dma_semaphore, #tpu.memory_space<semaphore_mem>>) {add = true}
          %dma_wait3A_128 = arith.constant 0 : i32
          %dma_wait3A_129 = arith.constant 0 : i32
          %dma_wait3A_130 = tpu.memref_slice %arg30[%dma_wait3A_128, %dma_wait3A_129] : memref<10000x16xf32, #tpu.memory_space<vmem_shared>> -> memref<10000x16xf32, #tpu.memory_space<vmem_shared>>
          tpu.wait_indirect_dma semaphore(%run_scoped3A : memref<!tpu.dma_semaphore, #tpu.memory_space<semaphore_mem>>) src(%arg25 : memref<128x16xf32, #tpu.memory_space<vmem>>) dst(%dma_wait3A_130 : memref<10000x16xf32, #tpu.memory_space<vmem_shared>>)
          tpu.yield
        }) : () -> ()
        "tpu.region"() ({
          %run_scoped3A = tpu.sem_alloc : memref<!tpu.dma_semaphore, #tpu.memory_space<semaphore_mem>>
          %dma_start3A_125 = arith.constant 0 : i32
          %dma_start3A_126 = arith.constant 0 : i32
          %dma_start3A_127 = tpu.memref_slice %arg29[%dma_start3A_125, %dma_start3A_126] : memref<10000x64xf32, #tpu.memory_space<vmem_shared>> -> memref<10000x64xf32, #tpu.memory_space<vmem_shared>>
          tpu.enqueue_indirect_dma source(%arg22 : memref<128x64xf32, #tpu.memory_space<vmem>>) target(%dma_start3A_127 : memref<10000x64xf32, #tpu.memory_space<vmem_shared>>) offsets(%arg14 : memref<128xi32, #tpu.memory_space<vmem>>) semaphore(%run_scoped3A : memref<!tpu.dma_semaphore, #tpu.memory_space<semaphore_mem>>) {add = true}
          %dma_wait3A_128 = arith.constant 0 : i32
          %dma_wait3A_129 = arith.constant 0 : i32
          %dma_wait3A_130 = tpu.memref_slice %arg29[%dma_wait3A_128, %dma_wait3A_129] : memref<10000x64xf32, #tpu.memory_space<vmem_shared>> -> memref<10000x64xf32, #tpu.memory_space<vmem_shared>>
          tpu.wait_indirect_dma semaphore(%run_scoped3A : memref<!tpu.dma_semaphore, #tpu.memory_space<semaphore_mem>>) src(%arg22 : memref<128x64xf32, #tpu.memory_space<vmem>>) dst(%dma_wait3A_130 : memref<10000x64xf32, #tpu.memory_space<vmem_shared>>)
          tpu.yield
        }) : () -> ()
        "tpu.region"() ({
          %run_scoped3A = tpu.sem_alloc : memref<!tpu.dma_semaphore, #tpu.memory_space<semaphore_mem>>
          %dma_start3A_125 = arith.constant 0 : i32
          %dma_start3A_126 = arith.constant 0 : i32
          %dma_start3A_127 = tpu.memref_slice %arg30[%dma_start3A_125, %dma_start3A_126] : memref<10000x16xf32, #tpu.memory_space<vmem_shared>> -> memref<10000x16xf32, #tpu.memory_space<vmem_shared>>
          tpu.enqueue_indirect_dma source(%arg26 : memref<128x16xf32, #tpu.memory_space<vmem>>) target(%dma_start3A_127 : memref<10000x16xf32, #tpu.memory_space<vmem_shared>>) offsets(%arg14 : memref<128xi32, #tpu.memory_space<vmem>>) semaphore(%run_scoped3A : memref<!tpu.dma_semaphore, #tpu.memory_space<semaphore_mem>>) {add = true}
          %dma_wait3A_128 = arith.constant 0 : i32
          %dma_wait3A_129 = arith.constant 0 : i32
          %dma_wait3A_130 = tpu.memref_slice %arg30[%dma_wait3A_128, %dma_wait3A_129] : memref<10000x16xf32, #tpu.memory_space<vmem_shared>> -> memref<10000x16xf32, #tpu.memory_space<vmem_shared>>
          tpu.wait_indirect_dma semaphore(%run_scoped3A : memref<!tpu.dma_semaphore, #tpu.memory_space<semaphore_mem>>) src(%arg26 : memref<128x16xf32, #tpu.memory_space<vmem>>) dst(%dma_wait3A_130 : memref<10000x16xf32, #tpu.memory_space<vmem_shared>>)
          tpu.yield
        }) : () -> ()
        %add3A_96 = arith.constant 1 : i32
        %add3A_97 = arith.addi %while3A_67, %add3A_96 : i32
        %lt3A_98 = arith.cmpi slt, %add3A_97, %select_n3A : i32
        %add3A_99 = arith.constant 4 : i32
        %add3A_100 = arith.addi %add3A_71, %add3A_99 : i32
        %select_n3A_101 = arith.select %lt3A_98, %add3A_100, %mul3A_8 : i32
        %add3A_102 = arith.constant 0 : i32
        %add3A_103 = arith.addi %select_n3A_101, %add3A_102 : i32
        %mul3A_104 = arith.constant 128 : i32
        %mul3A_105 = arith.muli %add3A_103, %mul3A_104 : i32
        %multiple_of3A_106 = tpu.assume_multiple %mul3A_105, 128 : i32
        "tpu.region"() ({
          %run_scoped3A = tpu.sem_alloc : memref<!tpu.dma_semaphore, #tpu.memory_space<semaphore_mem>>
          %dma_start3A_125 = arith.constant 0 : i32
          %dma_start3A_126 = tpu.memref_slice %arg2[%cond3A_22, %dma_start3A_125] : memref<2x320000xi32, #tpu.memory_space<hbm>> -> memref<1x320000xi32, #tpu.memory_space<hbm>>
          %dma_start3A_127 = tpu.memref_squeeze %dma_start3A_126 : memref<1x320000xi32, #tpu.memory_space<hbm>> -> memref<320000xi32, #tpu.memory_space<hbm>>
          %dma_start3A_128 = tpu.memref_slice %dma_start3A_127[%multiple_of3A_106] : memref<320000xi32, #tpu.memory_space<hbm>> -> memref<128xi32, #tpu.memory_space<hbm>>
          %dma_start3A_129 = arith.constant 0 : i32
          %dma_start3A_130 = tpu.memref_slice %arg2[%cond3A_22, %dma_start3A_129] : memref<2x320000xi32, #tpu.memory_space<hbm>> -> memref<1x320000xi32, #tpu.memory_space<hbm>>
          %dma_start3A_131 = tpu.memref_squeeze %dma_start3A_130 : memref<1x320000xi32, #tpu.memory_space<hbm>> -> memref<320000xi32, #tpu.memory_space<hbm>>
          %dma_start3A_132 = tpu.memref_slice %dma_start3A_131[%multiple_of3A_106] : memref<320000xi32, #tpu.memory_space<hbm>> -> memref<128xi32, #tpu.memory_space<hbm>>
          tpu.enqueue_dma source(%dma_start3A_132 : memref<128xi32, #tpu.memory_space<hbm>>) target(%arg13 : memref<128xi32, #tpu.memory_space<vmem>>) target_semaphore(%run_scoped3A : memref<!tpu.dma_semaphore, #tpu.memory_space<semaphore_mem>>)
          %dma_wait3A_133 = arith.constant 0 : i32
          %dma_wait3A_134 = tpu.memref_slice %arg2[%cond3A_22, %dma_wait3A_133] : memref<2x320000xi32, #tpu.memory_space<hbm>> -> memref<1x320000xi32, #tpu.memory_space<hbm>>
          %dma_wait3A_135 = tpu.memref_squeeze %dma_wait3A_134 : memref<1x320000xi32, #tpu.memory_space<hbm>> -> memref<320000xi32, #tpu.memory_space<hbm>>
          %dma_wait3A_136 = tpu.memref_slice %dma_wait3A_135[%multiple_of3A_106] : memref<320000xi32, #tpu.memory_space<hbm>> -> memref<128xi32, #tpu.memory_space<hbm>>
          %dma_wait3A_137 = arith.constant 0 : i32
          %dma_wait3A_138 = tpu.memref_slice %arg2[%cond3A_22, %dma_wait3A_137] : memref<2x320000xi32, #tpu.memory_space<hbm>> -> memref<1x320000xi32, #tpu.memory_space<hbm>>
          %dma_wait3A_139 = tpu.memref_squeeze %dma_wait3A_138 : memref<1x320000xi32, #tpu.memory_space<hbm>> -> memref<320000xi32, #tpu.memory_space<hbm>>
          %dma_wait3A_140 = tpu.memref_slice %dma_wait3A_139[%multiple_of3A_106] : memref<320000xi32, #tpu.memory_space<hbm>> -> memref<128xi32, #tpu.memory_space<hbm>>
          tpu.wait_dma2 semaphore(%run_scoped3A : memref<!tpu.dma_semaphore, #tpu.memory_space<semaphore_mem>>) src(%dma_wait3A_140 : memref<128xi32, #tpu.memory_space<hbm>>) dst(%arg13 : memref<128xi32, #tpu.memory_space<vmem>>)
          tpu.yield
        }) : () -> ()
        "tpu.region"() ({
          %run_scoped3A = tpu.sem_alloc : memref<!tpu.dma_semaphore, #tpu.memory_space<semaphore_mem>>
          %dma_start3A_125 = arith.constant 0 : i32
          %dma_start3A_126 = tpu.memref_slice %arg2[%cond3A_23, %dma_start3A_125] : memref<2x320000xi32, #tpu.memory_space<hbm>> -> memref<1x320000xi32, #tpu.memory_space<hbm>>
          %dma_start3A_127 = tpu.memref_squeeze %dma_start3A_126 : memref<1x320000xi32, #tpu.memory_space<hbm>> -> memref<320000xi32, #tpu.memory_space<hbm>>
          %dma_start3A_128 = tpu.memref_slice %dma_start3A_127[%multiple_of3A_106] : memref<320000xi32, #tpu.memory_space<hbm>> -> memref<128xi32, #tpu.memory_space<hbm>>
          %dma_start3A_129 = arith.constant 0 : i32
          %dma_start3A_130 = tpu.memref_slice %arg2[%cond3A_23, %dma_start3A_129] : memref<2x320000xi32, #tpu.memory_space<hbm>> -> memref<1x320000xi32, #tpu.memory_space<hbm>>
          %dma_start3A_131 = tpu.memref_squeeze %dma_start3A_130 : memref<1x320000xi32, #tpu.memory_space<hbm>> -> memref<320000xi32, #tpu.memory_space<hbm>>
          %dma_start3A_132 = tpu.memref_slice %dma_start3A_131[%multiple_of3A_106] : memref<320000xi32, #tpu.memory_space<hbm>> -> memref<128xi32, #tpu.memory_space<hbm>>
          tpu.enqueue_dma source(%dma_start3A_132 : memref<128xi32, #tpu.memory_space<hbm>>) target(%arg17 : memref<128xi32, #tpu.memory_space<vmem>>) target_semaphore(%run_scoped3A : memref<!tpu.dma_semaphore, #tpu.memory_space<semaphore_mem>>)
          %dma_wait3A_133 = arith.constant 0 : i32
          %dma_wait3A_134 = tpu.memref_slice %arg2[%cond3A_23, %dma_wait3A_133] : memref<2x320000xi32, #tpu.memory_space<hbm>> -> memref<1x320000xi32, #tpu.memory_space<hbm>>
          %dma_wait3A_135 = tpu.memref_squeeze %dma_wait3A_134 : memref<1x320000xi32, #tpu.memory_space<hbm>> -> memref<320000xi32, #tpu.memory_space<hbm>>
          %dma_wait3A_136 = tpu.memref_slice %dma_wait3A_135[%multiple_of3A_106] : memref<320000xi32, #tpu.memory_space<hbm>> -> memref<128xi32, #tpu.memory_space<hbm>>
          %dma_wait3A_137 = arith.constant 0 : i32
          %dma_wait3A_138 = tpu.memref_slice %arg2[%cond3A_23, %dma_wait3A_137] : memref<2x320000xi32, #tpu.memory_space<hbm>> -> memref<1x320000xi32, #tpu.memory_space<hbm>>
          %dma_wait3A_139 = tpu.memref_squeeze %dma_wait3A_138 : memref<1x320000xi32, #tpu.memory_space<hbm>> -> memref<320000xi32, #tpu.memory_space<hbm>>
          %dma_wait3A_140 = tpu.memref_slice %dma_wait3A_139[%multiple_of3A_106] : memref<320000xi32, #tpu.memory_space<hbm>> -> memref<128xi32, #tpu.memory_space<hbm>>
          tpu.wait_dma2 semaphore(%run_scoped3A : memref<!tpu.dma_semaphore, #tpu.memory_space<semaphore_mem>>) src(%dma_wait3A_140 : memref<128xi32, #tpu.memory_space<hbm>>) dst(%arg17 : memref<128xi32, #tpu.memory_space<vmem>>)
          tpu.yield
        }) : () -> ()
        "tpu.region"() ({
          %run_scoped3A = tpu.sem_alloc : memref<!tpu.dma_semaphore, #tpu.memory_space<semaphore_mem>>
          %dma_start3A_125 = arith.constant 0 : i32
          %dma_start3A_126 = tpu.memref_slice %arg4[%multiple_of3A_106, %dma_start3A_125] : memref<320000x16xf32, #tpu.memory_space<hbm>> -> memref<128x16xf32, #tpu.memory_space<hbm>>
          %dma_start3A_127 = arith.constant 0 : i32
          %dma_start3A_128 = tpu.memref_slice %arg4[%multiple_of3A_106, %dma_start3A_127] : memref<320000x16xf32, #tpu.memory_space<hbm>> -> memref<128x16xf32, #tpu.memory_space<hbm>>
          tpu.enqueue_dma source(%dma_start3A_128 : memref<128x16xf32, #tpu.memory_space<hbm>>) target(%arg25 : memref<128x16xf32, #tpu.memory_space<vmem>>) target_semaphore(%run_scoped3A : memref<!tpu.dma_semaphore, #tpu.memory_space<semaphore_mem>>)
          %dma_wait3A_129 = arith.constant 0 : i32
          %dma_wait3A_130 = tpu.memref_slice %arg4[%multiple_of3A_106, %dma_wait3A_129] : memref<320000x16xf32, #tpu.memory_space<hbm>> -> memref<128x16xf32, #tpu.memory_space<hbm>>
          %dma_wait3A_131 = arith.constant 0 : i32
          %dma_wait3A_132 = tpu.memref_slice %arg4[%multiple_of3A_106, %dma_wait3A_131] : memref<320000x16xf32, #tpu.memory_space<hbm>> -> memref<128x16xf32, #tpu.memory_space<hbm>>
          tpu.wait_dma2 semaphore(%run_scoped3A : memref<!tpu.dma_semaphore, #tpu.memory_space<semaphore_mem>>) src(%dma_wait3A_132 : memref<128x16xf32, #tpu.memory_space<hbm>>) dst(%arg25 : memref<128x16xf32, #tpu.memory_space<vmem>>)
          tpu.yield
        }) : () -> ()
        %add3A_107 = arith.constant 1 : i32
        %add3A_108 = arith.addi %select_n3A_101, %add3A_107 : i32
        %mul3A_109 = arith.constant 128 : i32
        %mul3A_110 = arith.muli %add3A_108, %mul3A_109 : i32
        %multiple_of3A_111 = tpu.assume_multiple %mul3A_110, 128 : i32
        "tpu.region"() ({
          %run_scoped3A = tpu.sem_alloc : memref<!tpu.dma_semaphore, #tpu.memory_space<semaphore_mem>>
          %dma_start3A_125 = arith.constant 0 : i32
          %dma_start3A_126 = tpu.memref_slice %arg2[%cond3A_22, %dma_start3A_125] : memref<2x320000xi32, #tpu.memory_space<hbm>> -> memref<1x320000xi32, #tpu.memory_space<hbm>>
          %dma_start3A_127 = tpu.memref_squeeze %dma_start3A_126 : memref<1x320000xi32, #tpu.memory_space<hbm>> -> memref<320000xi32, #tpu.memory_space<hbm>>
          %dma_start3A_128 = tpu.memref_slice %dma_start3A_127[%multiple_of3A_111] : memref<320000xi32, #tpu.memory_space<hbm>> -> memref<128xi32, #tpu.memory_space<hbm>>
          %dma_start3A_129 = arith.constant 0 : i32
          %dma_start3A_130 = tpu.memref_slice %arg2[%cond3A_22, %dma_start3A_129] : memref<2x320000xi32, #tpu.memory_space<hbm>> -> memref<1x320000xi32, #tpu.memory_space<hbm>>
          %dma_start3A_131 = tpu.memref_squeeze %dma_start3A_130 : memref<1x320000xi32, #tpu.memory_space<hbm>> -> memref<320000xi32, #tpu.memory_space<hbm>>
          %dma_start3A_132 = tpu.memref_slice %dma_start3A_131[%multiple_of3A_111] : memref<320000xi32, #tpu.memory_space<hbm>> -> memref<128xi32, #tpu.memory_space<hbm>>
          tpu.enqueue_dma source(%dma_start3A_132 : memref<128xi32, #tpu.memory_space<hbm>>) target(%arg14 : memref<128xi32, #tpu.memory_space<vmem>>) target_semaphore(%run_scoped3A : memref<!tpu.dma_semaphore, #tpu.memory_space<semaphore_mem>>)
          %dma_wait3A_133 = arith.constant 0 : i32
          %dma_wait3A_134 = tpu.memref_slice %arg2[%cond3A_22, %dma_wait3A_133] : memref<2x320000xi32, #tpu.memory_space<hbm>> -> memref<1x320000xi32, #tpu.memory_space<hbm>>
          %dma_wait3A_135 = tpu.memref_squeeze %dma_wait3A_134 : memref<1x320000xi32, #tpu.memory_space<hbm>> -> memref<320000xi32, #tpu.memory_space<hbm>>
          %dma_wait3A_136 = tpu.memref_slice %dma_wait3A_135[%multiple_of3A_111] : memref<320000xi32, #tpu.memory_space<hbm>> -> memref<128xi32, #tpu.memory_space<hbm>>
          %dma_wait3A_137 = arith.constant 0 : i32
          %dma_wait3A_138 = tpu.memref_slice %arg2[%cond3A_22, %dma_wait3A_137] : memref<2x320000xi32, #tpu.memory_space<hbm>> -> memref<1x320000xi32, #tpu.memory_space<hbm>>
          %dma_wait3A_139 = tpu.memref_squeeze %dma_wait3A_138 : memref<1x320000xi32, #tpu.memory_space<hbm>> -> memref<320000xi32, #tpu.memory_space<hbm>>
          %dma_wait3A_140 = tpu.memref_slice %dma_wait3A_139[%multiple_of3A_111] : memref<320000xi32, #tpu.memory_space<hbm>> -> memref<128xi32, #tpu.memory_space<hbm>>
          tpu.wait_dma2 semaphore(%run_scoped3A : memref<!tpu.dma_semaphore, #tpu.memory_space<semaphore_mem>>) src(%dma_wait3A_140 : memref<128xi32, #tpu.memory_space<hbm>>) dst(%arg14 : memref<128xi32, #tpu.memory_space<vmem>>)
          tpu.yield
        }) : () -> ()
        "tpu.region"() ({
          %run_scoped3A = tpu.sem_alloc : memref<!tpu.dma_semaphore, #tpu.memory_space<semaphore_mem>>
          %dma_start3A_125 = arith.constant 0 : i32
          %dma_start3A_126 = tpu.memref_slice %arg2[%cond3A_23, %dma_start3A_125] : memref<2x320000xi32, #tpu.memory_space<hbm>> -> memref<1x320000xi32, #tpu.memory_space<hbm>>
          %dma_start3A_127 = tpu.memref_squeeze %dma_start3A_126 : memref<1x320000xi32, #tpu.memory_space<hbm>> -> memref<320000xi32, #tpu.memory_space<hbm>>
          %dma_start3A_128 = tpu.memref_slice %dma_start3A_127[%multiple_of3A_111] : memref<320000xi32, #tpu.memory_space<hbm>> -> memref<128xi32, #tpu.memory_space<hbm>>
          %dma_start3A_129 = arith.constant 0 : i32
          %dma_start3A_130 = tpu.memref_slice %arg2[%cond3A_23, %dma_start3A_129] : memref<2x320000xi32, #tpu.memory_space<hbm>> -> memref<1x320000xi32, #tpu.memory_space<hbm>>
          %dma_start3A_131 = tpu.memref_squeeze %dma_start3A_130 : memref<1x320000xi32, #tpu.memory_space<hbm>> -> memref<320000xi32, #tpu.memory_space<hbm>>
          %dma_start3A_132 = tpu.memref_slice %dma_start3A_131[%multiple_of3A_111] : memref<320000xi32, #tpu.memory_space<hbm>> -> memref<128xi32, #tpu.memory_space<hbm>>
          tpu.enqueue_dma source(%dma_start3A_132 : memref<128xi32, #tpu.memory_space<hbm>>) target(%arg18 : memref<128xi32, #tpu.memory_space<vmem>>) target_semaphore(%run_scoped3A : memref<!tpu.dma_semaphore, #tpu.memory_space<semaphore_mem>>)
          %dma_wait3A_133 = arith.constant 0 : i32
          %dma_wait3A_134 = tpu.memref_slice %arg2[%cond3A_23, %dma_wait3A_133] : memref<2x320000xi32, #tpu.memory_space<hbm>> -> memref<1x320000xi32, #tpu.memory_space<hbm>>
          %dma_wait3A_135 = tpu.memref_squeeze %dma_wait3A_134 : memref<1x320000xi32, #tpu.memory_space<hbm>> -> memref<320000xi32, #tpu.memory_space<hbm>>
          %dma_wait3A_136 = tpu.memref_slice %dma_wait3A_135[%multiple_of3A_111] : memref<320000xi32, #tpu.memory_space<hbm>> -> memref<128xi32, #tpu.memory_space<hbm>>
          %dma_wait3A_137 = arith.constant 0 : i32
          %dma_wait3A_138 = tpu.memref_slice %arg2[%cond3A_23, %dma_wait3A_137] : memref<2x320000xi32, #tpu.memory_space<hbm>> -> memref<1x320000xi32, #tpu.memory_space<hbm>>
          %dma_wait3A_139 = tpu.memref_squeeze %dma_wait3A_138 : memref<1x320000xi32, #tpu.memory_space<hbm>> -> memref<320000xi32, #tpu.memory_space<hbm>>
          %dma_wait3A_140 = tpu.memref_slice %dma_wait3A_139[%multiple_of3A_111] : memref<320000xi32, #tpu.memory_space<hbm>> -> memref<128xi32, #tpu.memory_space<hbm>>
          tpu.wait_dma2 semaphore(%run_scoped3A : memref<!tpu.dma_semaphore, #tpu.memory_space<semaphore_mem>>) src(%dma_wait3A_140 : memref<128xi32, #tpu.memory_space<hbm>>) dst(%arg18 : memref<128xi32, #tpu.memory_space<vmem>>)
          tpu.yield
        }) : () -> ()
        "tpu.region"() ({
          %run_scoped3A = tpu.sem_alloc : memref<!tpu.dma_semaphore, #tpu.memory_space<semaphore_mem>>
          %dma_start3A_125 = arith.constant 0 : i32
          %dma_start3A_126 = tpu.memref_slice %arg4[%multiple_of3A_111, %dma_start3A_125] : memref<320000x16xf32, #tpu.memory_space<hbm>> -> memref<128x16xf32, #tpu.memory_space<hbm>>
          %dma_start3A_127 = arith.constant 0 : i32
          %dma_start3A_128 = tpu.memref_slice %arg4[%multiple_of3A_111, %dma_start3A_127] : memref<320000x16xf32, #tpu.memory_space<hbm>> -> memref<128x16xf32, #tpu.memory_space<hbm>>
          tpu.enqueue_dma source(%dma_start3A_128 : memref<128x16xf32, #tpu.memory_space<hbm>>) target(%arg26 : memref<128x16xf32, #tpu.memory_space<vmem>>) target_semaphore(%run_scoped3A : memref<!tpu.dma_semaphore, #tpu.memory_space<semaphore_mem>>)
          %dma_wait3A_129 = arith.constant 0 : i32
          %dma_wait3A_130 = tpu.memref_slice %arg4[%multiple_of3A_111, %dma_wait3A_129] : memref<320000x16xf32, #tpu.memory_space<hbm>> -> memref<128x16xf32, #tpu.memory_space<hbm>>
          %dma_wait3A_131 = arith.constant 0 : i32
          %dma_wait3A_132 = tpu.memref_slice %arg4[%multiple_of3A_111, %dma_wait3A_131] : memref<320000x16xf32, #tpu.memory_space<hbm>> -> memref<128x16xf32, #tpu.memory_space<hbm>>
          tpu.wait_dma2 semaphore(%run_scoped3A : memref<!tpu.dma_semaphore, #tpu.memory_space<semaphore_mem>>) src(%dma_wait3A_132 : memref<128x16xf32, #tpu.memory_space<hbm>>) dst(%arg26 : memref<128x16xf32, #tpu.memory_space<vmem>>)
          tpu.yield
        }) : () -> ()
        %dma_start3A_112 = arith.constant 0 : i32
        %dma_start3A_113 = arith.constant 0 : i32
        %dma_start3A_114 = tpu.memref_slice %arg6[%dma_start3A_112, %dma_start3A_113] : memref<10000x64xf32, #tpu.memory_space<hbm>> -> memref<10000x64xf32, #tpu.memory_space<hbm>>
        tpu.enqueue_indirect_dma source(%dma_start3A_114 : memref<10000x64xf32, #tpu.memory_space<hbm>>) target(%arg21 : memref<128x64xf32, #tpu.memory_space<vmem>>) offsets(%arg17 : memref<128xi32, #tpu.memory_space<vmem>>) semaphore(%arg31 : memref<!tpu.dma_semaphore, #tpu.memory_space<semaphore_mem>>)
        %dma_start3A_115 = arith.constant 0 : i32
        %dma_start3A_116 = arith.constant 0 : i32
        %dma_start3A_117 = tpu.memref_slice %arg6[%dma_start3A_115, %dma_start3A_116] : memref<10000x64xf32, #tpu.memory_space<hbm>> -> memref<10000x64xf32, #tpu.memory_space<hbm>>
        tpu.enqueue_indirect_dma source(%dma_start3A_117 : memref<10000x64xf32, #tpu.memory_space<hbm>>) target(%arg22 : memref<128x64xf32, #tpu.memory_space<vmem>>) offsets(%arg18 : memref<128xi32, #tpu.memory_space<vmem>>) semaphore(%arg31 : memref<!tpu.dma_semaphore, #tpu.memory_space<semaphore_mem>>)
        %dma_wait3A_118 = arith.constant 0 : i32
        %dma_wait3A_119 = arith.constant 0 : i32
        %dma_wait3A_120 = tpu.memref_slice %arg6[%dma_wait3A_118, %dma_wait3A_119] : memref<10000x64xf32, #tpu.memory_space<hbm>> -> memref<10000x64xf32, #tpu.memory_space<hbm>>
        tpu.wait_indirect_dma semaphore(%arg32 : memref<!tpu.dma_semaphore, #tpu.memory_space<semaphore_mem>>) src(%dma_wait3A_120 : memref<10000x64xf32, #tpu.memory_space<hbm>>) dst(%arg23 : memref<128x64xf32, #tpu.memory_space<vmem>>)
        %dma_wait3A_121 = arith.constant 0 : i32
        %dma_wait3A_122 = arith.constant 0 : i32
        %dma_wait3A_123 = tpu.memref_slice %arg6[%dma_wait3A_121, %dma_wait3A_122] : memref<10000x64xf32, #tpu.memory_space<hbm>> -> memref<10000x64xf32, #tpu.memory_space<hbm>>
        tpu.wait_indirect_dma semaphore(%arg32 : memref<!tpu.dma_semaphore, #tpu.memory_space<semaphore_mem>>) src(%dma_wait3A_123 : memref<10000x64xf32, #tpu.memory_space<hbm>>) dst(%arg24 : memref<128x64xf32, #tpu.memory_space<vmem>>)
        "tpu.region"() ({
          %run_scoped3A = tpu.sem_alloc : memref<!tpu.dma_semaphore, #tpu.memory_space<semaphore_mem>>
          %dma_start3A_125 = arith.constant 0 : i32
          %dma_start3A_126 = arith.constant 0 : i32
          %dma_start3A_127 = tpu.memref_slice %arg29[%dma_start3A_125, %dma_start3A_126] : memref<10000x64xf32, #tpu.memory_space<vmem_shared>> -> memref<10000x64xf32, #tpu.memory_space<vmem_shared>>
          tpu.enqueue_indirect_dma source(%arg23 : memref<128x64xf32, #tpu.memory_space<vmem>>) target(%dma_start3A_127 : memref<10000x64xf32, #tpu.memory_space<vmem_shared>>) offsets(%arg15 : memref<128xi32, #tpu.memory_space<vmem>>) semaphore(%run_scoped3A : memref<!tpu.dma_semaphore, #tpu.memory_space<semaphore_mem>>) {add = true}
          %dma_wait3A_128 = arith.constant 0 : i32
          %dma_wait3A_129 = arith.constant 0 : i32
          %dma_wait3A_130 = tpu.memref_slice %arg29[%dma_wait3A_128, %dma_wait3A_129] : memref<10000x64xf32, #tpu.memory_space<vmem_shared>> -> memref<10000x64xf32, #tpu.memory_space<vmem_shared>>
          tpu.wait_indirect_dma semaphore(%run_scoped3A : memref<!tpu.dma_semaphore, #tpu.memory_space<semaphore_mem>>) src(%arg23 : memref<128x64xf32, #tpu.memory_space<vmem>>) dst(%dma_wait3A_130 : memref<10000x64xf32, #tpu.memory_space<vmem_shared>>)
          tpu.yield
        }) : () -> ()
        "tpu.region"() ({
          %run_scoped3A = tpu.sem_alloc : memref<!tpu.dma_semaphore, #tpu.memory_space<semaphore_mem>>
          %dma_start3A_125 = arith.constant 0 : i32
          %dma_start3A_126 = arith.constant 0 : i32
          %dma_start3A_127 = tpu.memref_slice %arg30[%dma_start3A_125, %dma_start3A_126] : memref<10000x16xf32, #tpu.memory_space<vmem_shared>> -> memref<10000x16xf32, #tpu.memory_space<vmem_shared>>
          tpu.enqueue_indirect_dma source(%arg27 : memref<128x16xf32, #tpu.memory_space<vmem>>) target(%dma_start3A_127 : memref<10000x16xf32, #tpu.memory_space<vmem_shared>>) offsets(%arg15 : memref<128xi32, #tpu.memory_space<vmem>>) semaphore(%run_scoped3A : memref<!tpu.dma_semaphore, #tpu.memory_space<semaphore_mem>>) {add = true}
          %dma_wait3A_128 = arith.constant 0 : i32
          %dma_wait3A_129 = arith.constant 0 : i32
          %dma_wait3A_130 = tpu.memref_slice %arg30[%dma_wait3A_128, %dma_wait3A_129] : memref<10000x16xf32, #tpu.memory_space<vmem_shared>> -> memref<10000x16xf32, #tpu.memory_space<vmem_shared>>
          tpu.wait_indirect_dma semaphore(%run_scoped3A : memref<!tpu.dma_semaphore, #tpu.memory_space<semaphore_mem>>) src(%arg27 : memref<128x16xf32, #tpu.memory_space<vmem>>) dst(%dma_wait3A_130 : memref<10000x16xf32, #tpu.memory_space<vmem_shared>>)
          tpu.yield
        }) : () -> ()
        "tpu.region"() ({
          %run_scoped3A = tpu.sem_alloc : memref<!tpu.dma_semaphore, #tpu.memory_space<semaphore_mem>>
          %dma_start3A_125 = arith.constant 0 : i32
          %dma_start3A_126 = arith.constant 0 : i32
          %dma_start3A_127 = tpu.memref_slice %arg29[%dma_start3A_125, %dma_start3A_126] : memref<10000x64xf32, #tpu.memory_space<vmem_shared>> -> memref<10000x64xf32, #tpu.memory_space<vmem_shared>>
          tpu.enqueue_indirect_dma source(%arg24 : memref<128x64xf32, #tpu.memory_space<vmem>>) target(%dma_start3A_127 : memref<10000x64xf32, #tpu.memory_space<vmem_shared>>) offsets(%arg16 : memref<128xi32, #tpu.memory_space<vmem>>) semaphore(%run_scoped3A : memref<!tpu.dma_semaphore, #tpu.memory_space<semaphore_mem>>) {add = true}
          %dma_wait3A_128 = arith.constant 0 : i32
          %dma_wait3A_129 = arith.constant 0 : i32
          %dma_wait3A_130 = tpu.memref_slice %arg29[%dma_wait3A_128, %dma_wait3A_129] : memref<10000x64xf32, #tpu.memory_space<vmem_shared>> -> memref<10000x64xf32, #tpu.memory_space<vmem_shared>>
          tpu.wait_indirect_dma semaphore(%run_scoped3A : memref<!tpu.dma_semaphore, #tpu.memory_space<semaphore_mem>>) src(%arg24 : memref<128x64xf32, #tpu.memory_space<vmem>>) dst(%dma_wait3A_130 : memref<10000x64xf32, #tpu.memory_space<vmem_shared>>)
          tpu.yield
        }) : () -> ()
        "tpu.region"() ({
          %run_scoped3A = tpu.sem_alloc : memref<!tpu.dma_semaphore, #tpu.memory_space<semaphore_mem>>
          %dma_start3A_125 = arith.constant 0 : i32
          %dma_start3A_126 = arith.constant 0 : i32
          %dma_start3A_127 = tpu.memref_slice %arg30[%dma_start3A_125, %dma_start3A_126] : memref<10000x16xf32, #tpu.memory_space<vmem_shared>> -> memref<10000x16xf32, #tpu.memory_space<vmem_shared>>
          tpu.enqueue_indirect_dma source(%arg28 : memref<128x16xf32, #tpu.memory_space<vmem>>) target(%dma_start3A_127 : memref<10000x16xf32, #tpu.memory_space<vmem_shared>>) offsets(%arg16 : memref<128xi32, #tpu.memory_space<vmem>>) semaphore(%run_scoped3A : memref<!tpu.dma_semaphore, #tpu.memory_space<semaphore_mem>>) {add = true}
          %dma_wait3A_128 = arith.constant 0 : i32
          %dma_wait3A_129 = arith.constant 0 : i32
          %dma_wait3A_130 = tpu.memref_slice %arg30[%dma_wait3A_128, %dma_wait3A_129] : memref<10000x16xf32, #tpu.memory_space<vmem_shared>> -> memref<10000x16xf32, #tpu.memory_space<vmem_shared>>
          tpu.wait_indirect_dma semaphore(%run_scoped3A : memref<!tpu.dma_semaphore, #tpu.memory_space<semaphore_mem>>) src(%arg28 : memref<128x16xf32, #tpu.memory_space<vmem>>) dst(%dma_wait3A_130 : memref<10000x16xf32, #tpu.memory_space<vmem_shared>>)
          tpu.yield
        }) : () -> ()
        %while3A_124 = arith.constant 0 : i32
        scf.yield %while3A_124 : i32
      }
      %dma_wait3A = arith.constant 0 : i32
      %dma_wait3A_62 = arith.constant 0 : i32
      %dma_wait3A_63 = tpu.memref_slice %arg6[%dma_wait3A, %dma_wait3A_62] : memref<10000x64xf32, #tpu.memory_space<hbm>> -> memref<10000x64xf32, #tpu.memory_space<hbm>>
      tpu.wait_indirect_dma semaphore(%arg31 : memref<!tpu.dma_semaphore, #tpu.memory_space<semaphore_mem>>) src(%dma_wait3A_63 : memref<10000x64xf32, #tpu.memory_space<hbm>>) dst(%arg21 : memref<128x64xf32, #tpu.memory_space<vmem>>)
      %dma_wait3A_64 = arith.constant 0 : i32
      %dma_wait3A_65 = arith.constant 0 : i32
      %dma_wait3A_66 = tpu.memref_slice %arg6[%dma_wait3A_64, %dma_wait3A_65] : memref<10000x64xf32, #tpu.memory_space<hbm>> -> memref<10000x64xf32, #tpu.memory_space<hbm>>
      tpu.wait_indirect_dma semaphore(%arg31 : memref<!tpu.dma_semaphore, #tpu.memory_space<semaphore_mem>>) src(%dma_wait3A_66 : memref<10000x64xf32, #tpu.memory_space<hbm>>) dst(%arg22 : memref<128x64xf32, #tpu.memory_space<vmem>>)
    } else {
    }
    %barrier3A_26 = arith.constant 0 : index
    tpu.barrier barrier_id(%barrier3A_26)
    %eq3A_27 = arith.constant 0 : i32
    %eq3A_28 = arith.cmpi eq, %arg0, %eq3A_27 : i32
    %convert_element_type3A_29 = arith.extui %eq3A_28 : i1 to i32
    %cond3A_30 = arith.constant 0 : i32
    %cond3A_31 = arith.cmpi ne, %convert_element_type3A_29, %cond3A_30 : i32
    scf.if %cond3A_31 {
      %lt3A_37 = arith.constant 15 : i32
      %lt3A_38 = arith.cmpi slt, %arg1, %lt3A_37 : i32
      %convert_element_type3A_39 = arith.extui %lt3A_38 : i1 to i32
      %cond3A_40 = arith.constant 0 : i32
      %cond3A_41 = arith.cmpi ne, %convert_element_type3A_39, %cond3A_40 : i32
      scf.if %cond3A_41 {
        "tpu.region"() ({
          %run_scoped3A = tpu.sem_alloc : memref<!tpu.dma_semaphore, #tpu.memory_space<semaphore_mem>>
          %dma_start3A = arith.constant 0 : i32
          %dma_start3A_47 = tpu.memref_slice %arg9[%multiple_of3A, %dma_start3A] : memref<10000x64xf32, #tpu.memory_space<hbm>> -> memref<632x64xf32, #tpu.memory_space<hbm>>
          %dma_start3A_48 = arith.constant 0 : i32
          %dma_start3A_49 = tpu.memref_slice %arg29[%multiple_of3A, %dma_start3A_48] : memref<10000x64xf32, #tpu.memory_space<vmem_shared>> -> memref<632x64xf32, #tpu.memory_space<vmem_shared>>
          tpu.enqueue_dma source(%dma_start3A_49 : memref<632x64xf32, #tpu.memory_space<vmem_shared>>) target(%dma_start3A_47 : memref<632x64xf32, #tpu.memory_space<hbm>>) target_semaphore(%run_scoped3A : memref<!tpu.dma_semaphore, #tpu.memory_space<semaphore_mem>>)
          %dma_wait3A = arith.constant 0 : i32
          %dma_wait3A_50 = tpu.memref_slice %arg9[%multiple_of3A, %dma_wait3A] : memref<10000x64xf32, #tpu.memory_space<hbm>> -> memref<632x64xf32, #tpu.memory_space<hbm>>
          %dma_wait3A_51 = arith.constant 0 : i32
          %dma_wait3A_52 = tpu.memref_slice %arg29[%multiple_of3A, %dma_wait3A_51] : memref<10000x64xf32, #tpu.memory_space<vmem_shared>> -> memref<632x64xf32, #tpu.memory_space<vmem_shared>>
          tpu.wait_dma2 semaphore(%run_scoped3A : memref<!tpu.dma_semaphore, #tpu.memory_space<semaphore_mem>>) src(%dma_wait3A_52 : memref<632x64xf32, #tpu.memory_space<vmem_shared>>) dst(%dma_wait3A_50 : memref<632x64xf32, #tpu.memory_space<hbm>>)
          tpu.yield
        }) : () -> ()
        "tpu.region"() ({
          %run_scoped3A = tpu.sem_alloc : memref<!tpu.dma_semaphore, #tpu.memory_space<semaphore_mem>>
          %dma_start3A = arith.constant 0 : i32
          %dma_start3A_47 = tpu.memref_slice %arg11[%multiple_of3A, %dma_start3A] : memref<10000x16xf32, #tpu.memory_space<hbm>> -> memref<632x16xf32, #tpu.memory_space<hbm>>
          %dma_start3A_48 = arith.constant 0 : i32
          %dma_start3A_49 = tpu.memref_slice %arg30[%multiple_of3A, %dma_start3A_48] : memref<10000x16xf32, #tpu.memory_space<vmem_shared>> -> memref<632x16xf32, #tpu.memory_space<vmem_shared>>
          tpu.enqueue_dma source(%dma_start3A_49 : memref<632x16xf32, #tpu.memory_space<vmem_shared>>) target(%dma_start3A_47 : memref<632x16xf32, #tpu.memory_space<hbm>>) target_semaphore(%run_scoped3A : memref<!tpu.dma_semaphore, #tpu.memory_space<semaphore_mem>>)
          %dma_wait3A = arith.constant 0 : i32
          %dma_wait3A_50 = tpu.memref_slice %arg11[%multiple_of3A, %dma_wait3A] : memref<10000x16xf32, #tpu.memory_space<hbm>> -> memref<632x16xf32, #tpu.memory_space<hbm>>
          %dma_wait3A_51 = arith.constant 0 : i32
          %dma_wait3A_52 = tpu.memref_slice %arg30[%multiple_of3A, %dma_wait3A_51] : memref<10000x16xf32, #tpu.memory_space<vmem_shared>> -> memref<632x16xf32, #tpu.memory_space<vmem_shared>>
          tpu.wait_dma2 semaphore(%run_scoped3A : memref<!tpu.dma_semaphore, #tpu.memory_space<semaphore_mem>>) src(%dma_wait3A_52 : memref<632x16xf32, #tpu.memory_space<vmem_shared>>) dst(%dma_wait3A_50 : memref<632x16xf32, #tpu.memory_space<hbm>>)
          tpu.yield
        }) : () -> ()
      } else {
      }
      %eq3A_42 = arith.constant 15 : i32
      %eq3A_43 = arith.cmpi eq, %arg1, %eq3A_42 : i32
      %convert_element_type3A_44 = arith.extui %eq3A_43 : i1 to i32
      %cond3A_45 = arith.constant 0 : i32
      %cond3A_46 = arith.cmpi ne, %convert_element_type3A_44, %cond3A_45 : i32
      scf.if %cond3A_46 {
        "tpu.region"() ({
          %run_scoped3A = tpu.sem_alloc : memref<!tpu.dma_semaphore, #tpu.memory_space<semaphore_mem>>
          %dma_start3A = arith.constant 9480 : i32
          %dma_start3A_47 = arith.constant 0 : i32
          %dma_start3A_48 = tpu.memref_slice %arg9[%dma_start3A, %dma_start3A_47] : memref<10000x64xf32, #tpu.memory_space<hbm>> -> memref<520x64xf32, #tpu.memory_space<hbm>>
          %dma_start3A_49 = arith.constant 9480 : i32
          %dma_start3A_50 = arith.constant 0 : i32
          %dma_start3A_51 = tpu.memref_slice %arg29[%dma_start3A_49, %dma_start3A_50] : memref<10000x64xf32, #tpu.memory_space<vmem_shared>> -> memref<520x64xf32, #tpu.memory_space<vmem_shared>>
          tpu.enqueue_dma source(%dma_start3A_51 : memref<520x64xf32, #tpu.memory_space<vmem_shared>>) target(%dma_start3A_48 : memref<520x64xf32, #tpu.memory_space<hbm>>) target_semaphore(%run_scoped3A : memref<!tpu.dma_semaphore, #tpu.memory_space<semaphore_mem>>)
          %dma_wait3A = arith.constant 9480 : i32
          %dma_wait3A_52 = arith.constant 0 : i32
          %dma_wait3A_53 = tpu.memref_slice %arg9[%dma_wait3A, %dma_wait3A_52] : memref<10000x64xf32, #tpu.memory_space<hbm>> -> memref<520x64xf32, #tpu.memory_space<hbm>>
          %dma_wait3A_54 = arith.constant 9480 : i32
          %dma_wait3A_55 = arith.constant 0 : i32
          %dma_wait3A_56 = tpu.memref_slice %arg29[%dma_wait3A_54, %dma_wait3A_55] : memref<10000x64xf32, #tpu.memory_space<vmem_shared>> -> memref<520x64xf32, #tpu.memory_space<vmem_shared>>
          tpu.wait_dma2 semaphore(%run_scoped3A : memref<!tpu.dma_semaphore, #tpu.memory_space<semaphore_mem>>) src(%dma_wait3A_56 : memref<520x64xf32, #tpu.memory_space<vmem_shared>>) dst(%dma_wait3A_53 : memref<520x64xf32, #tpu.memory_space<hbm>>)
          tpu.yield
        }) : () -> ()
        "tpu.region"() ({
          %run_scoped3A = tpu.sem_alloc : memref<!tpu.dma_semaphore, #tpu.memory_space<semaphore_mem>>
          %dma_start3A = arith.constant 9480 : i32
          %dma_start3A_47 = arith.constant 0 : i32
          %dma_start3A_48 = tpu.memref_slice %arg11[%dma_start3A, %dma_start3A_47] : memref<10000x16xf32, #tpu.memory_space<hbm>> -> memref<520x16xf32, #tpu.memory_space<hbm>>
          %dma_start3A_49 = arith.constant 9480 : i32
          %dma_start3A_50 = arith.constant 0 : i32
          %dma_start3A_51 = tpu.memref_slice %arg30[%dma_start3A_49, %dma_start3A_50] : memref<10000x16xf32, #tpu.memory_space<vmem_shared>> -> memref<520x16xf32, #tpu.memory_space<vmem_shared>>
          tpu.enqueue_dma source(%dma_start3A_51 : memref<520x16xf32, #tpu.memory_space<vmem_shared>>) target(%dma_start3A_48 : memref<520x16xf32, #tpu.memory_space<hbm>>) target_semaphore(%run_scoped3A : memref<!tpu.dma_semaphore, #tpu.memory_space<semaphore_mem>>)
          %dma_wait3A = arith.constant 9480 : i32
          %dma_wait3A_52 = arith.constant 0 : i32
          %dma_wait3A_53 = tpu.memref_slice %arg11[%dma_wait3A, %dma_wait3A_52] : memref<10000x16xf32, #tpu.memory_space<hbm>> -> memref<520x16xf32, #tpu.memory_space<hbm>>
          %dma_wait3A_54 = arith.constant 9480 : i32
          %dma_wait3A_55 = arith.constant 0 : i32
          %dma_wait3A_56 = tpu.memref_slice %arg30[%dma_wait3A_54, %dma_wait3A_55] : memref<10000x16xf32, #tpu.memory_space<vmem_shared>> -> memref<520x16xf32, #tpu.memory_space<vmem_shared>>
          tpu.wait_dma2 semaphore(%run_scoped3A : memref<!tpu.dma_semaphore, #tpu.memory_space<semaphore_mem>>) src(%dma_wait3A_56 : memref<520x16xf32, #tpu.memory_space<vmem_shared>>) dst(%dma_wait3A_53 : memref<520x16xf32, #tpu.memory_space<hbm>>)
          tpu.yield
        }) : () -> ()
      } else {
      }
    } else {
    }
    %eq3A_32 = arith.constant 1 : i32
    %eq3A_33 = arith.cmpi eq, %arg0, %eq3A_32 : i32
    %convert_element_type3A_34 = arith.extui %eq3A_33 : i1 to i32
    %cond3A_35 = arith.constant 0 : i32
    %cond3A_36 = arith.cmpi ne, %convert_element_type3A_34, %cond3A_35 : i32
    scf.if %cond3A_36 {
      %lt3A_37 = arith.constant 15 : i32
      %lt3A_38 = arith.cmpi slt, %arg1, %lt3A_37 : i32
      %convert_element_type3A_39 = arith.extui %lt3A_38 : i1 to i32
      %cond3A_40 = arith.constant 0 : i32
      %cond3A_41 = arith.cmpi ne, %convert_element_type3A_39, %cond3A_40 : i32
      scf.if %cond3A_41 {
        "tpu.region"() ({
          %run_scoped3A = tpu.sem_alloc : memref<!tpu.dma_semaphore, #tpu.memory_space<semaphore_mem>>
          %dma_start3A = arith.constant 0 : i32
          %dma_start3A_47 = tpu.memref_slice %arg10[%multiple_of3A, %dma_start3A] : memref<10000x64xf32, #tpu.memory_space<hbm>> -> memref<632x64xf32, #tpu.memory_space<hbm>>
          %dma_start3A_48 = arith.constant 0 : i32
          %dma_start3A_49 = tpu.memref_slice %arg29[%multiple_of3A, %dma_start3A_48] : memref<10000x64xf32, #tpu.memory_space<vmem_shared>> -> memref<632x64xf32, #tpu.memory_space<vmem_shared>>
          tpu.enqueue_dma source(%dma_start3A_49 : memref<632x64xf32, #tpu.memory_space<vmem_shared>>) target(%dma_start3A_47 : memref<632x64xf32, #tpu.memory_space<hbm>>) target_semaphore(%run_scoped3A : memref<!tpu.dma_semaphore, #tpu.memory_space<semaphore_mem>>)
          %dma_wait3A = arith.constant 0 : i32
          %dma_wait3A_50 = tpu.memref_slice %arg10[%multiple_of3A, %dma_wait3A] : memref<10000x64xf32, #tpu.memory_space<hbm>> -> memref<632x64xf32, #tpu.memory_space<hbm>>
          %dma_wait3A_51 = arith.constant 0 : i32
          %dma_wait3A_52 = tpu.memref_slice %arg29[%multiple_of3A, %dma_wait3A_51] : memref<10000x64xf32, #tpu.memory_space<vmem_shared>> -> memref<632x64xf32, #tpu.memory_space<vmem_shared>>
          tpu.wait_dma2 semaphore(%run_scoped3A : memref<!tpu.dma_semaphore, #tpu.memory_space<semaphore_mem>>) src(%dma_wait3A_52 : memref<632x64xf32, #tpu.memory_space<vmem_shared>>) dst(%dma_wait3A_50 : memref<632x64xf32, #tpu.memory_space<hbm>>)
          tpu.yield
        }) : () -> ()
        "tpu.region"() ({
          %run_scoped3A = tpu.sem_alloc : memref<!tpu.dma_semaphore, #tpu.memory_space<semaphore_mem>>
          %dma_start3A = arith.constant 0 : i32
          %dma_start3A_47 = tpu.memref_slice %arg12[%multiple_of3A, %dma_start3A] : memref<10000x16xf32, #tpu.memory_space<hbm>> -> memref<632x16xf32, #tpu.memory_space<hbm>>
          %dma_start3A_48 = arith.constant 0 : i32
          %dma_start3A_49 = tpu.memref_slice %arg30[%multiple_of3A, %dma_start3A_48] : memref<10000x16xf32, #tpu.memory_space<vmem_shared>> -> memref<632x16xf32, #tpu.memory_space<vmem_shared>>
          tpu.enqueue_dma source(%dma_start3A_49 : memref<632x16xf32, #tpu.memory_space<vmem_shared>>) target(%dma_start3A_47 : memref<632x16xf32, #tpu.memory_space<hbm>>) target_semaphore(%run_scoped3A : memref<!tpu.dma_semaphore, #tpu.memory_space<semaphore_mem>>)
          %dma_wait3A = arith.constant 0 : i32
          %dma_wait3A_50 = tpu.memref_slice %arg12[%multiple_of3A, %dma_wait3A] : memref<10000x16xf32, #tpu.memory_space<hbm>> -> memref<632x16xf32, #tpu.memory_space<hbm>>
          %dma_wait3A_51 = arith.constant 0 : i32
          %dma_wait3A_52 = tpu.memref_slice %arg30[%multiple_of3A, %dma_wait3A_51] : memref<10000x16xf32, #tpu.memory_space<vmem_shared>> -> memref<632x16xf32, #tpu.memory_space<vmem_shared>>
          tpu.wait_dma2 semaphore(%run_scoped3A : memref<!tpu.dma_semaphore, #tpu.memory_space<semaphore_mem>>) src(%dma_wait3A_52 : memref<632x16xf32, #tpu.memory_space<vmem_shared>>) dst(%dma_wait3A_50 : memref<632x16xf32, #tpu.memory_space<hbm>>)
          tpu.yield
        }) : () -> ()
      } else {
      }
      %eq3A_42 = arith.constant 15 : i32
      %eq3A_43 = arith.cmpi eq, %arg1, %eq3A_42 : i32
      %convert_element_type3A_44 = arith.extui %eq3A_43 : i1 to i32
      %cond3A_45 = arith.constant 0 : i32
      %cond3A_46 = arith.cmpi ne, %convert_element_type3A_44, %cond3A_45 : i32
      scf.if %cond3A_46 {
        "tpu.region"() ({
          %run_scoped3A = tpu.sem_alloc : memref<!tpu.dma_semaphore, #tpu.memory_space<semaphore_mem>>
          %dma_start3A = arith.constant 9480 : i32
          %dma_start3A_47 = arith.constant 0 : i32
          %dma_start3A_48 = tpu.memref_slice %arg10[%dma_start3A, %dma_start3A_47] : memref<10000x64xf32, #tpu.memory_space<hbm>> -> memref<520x64xf32, #tpu.memory_space<hbm>>
          %dma_start3A_49 = arith.constant 9480 : i32
          %dma_start3A_50 = arith.constant 0 : i32
          %dma_start3A_51 = tpu.memref_slice %arg29[%dma_start3A_49, %dma_start3A_50] : memref<10000x64xf32, #tpu.memory_space<vmem_shared>> -> memref<520x64xf32, #tpu.memory_space<vmem_shared>>
          tpu.enqueue_dma source(%dma_start3A_51 : memref<520x64xf32, #tpu.memory_space<vmem_shared>>) target(%dma_start3A_48 : memref<520x64xf32, #tpu.memory_space<hbm>>) target_semaphore(%run_scoped3A : memref<!tpu.dma_semaphore, #tpu.memory_space<semaphore_mem>>)
          %dma_wait3A = arith.constant 9480 : i32
          %dma_wait3A_52 = arith.constant 0 : i32
          %dma_wait3A_53 = tpu.memref_slice %arg10[%dma_wait3A, %dma_wait3A_52] : memref<10000x64xf32, #tpu.memory_space<hbm>> -> memref<520x64xf32, #tpu.memory_space<hbm>>
          %dma_wait3A_54 = arith.constant 9480 : i32
          %dma_wait3A_55 = arith.constant 0 : i32
          %dma_wait3A_56 = tpu.memref_slice %arg29[%dma_wait3A_54, %dma_wait3A_55] : memref<10000x64xf32, #tpu.memory_space<vmem_shared>> -> memref<520x64xf32, #tpu.memory_space<vmem_shared>>
          tpu.wait_dma2 semaphore(%run_scoped3A : memref<!tpu.dma_semaphore, #tpu.memory_space<semaphore_mem>>) src(%dma_wait3A_56 : memref<520x64xf32, #tpu.memory_space<vmem_shared>>) dst(%dma_wait3A_53 : memref<520x64xf32, #tpu.memory_space<hbm>>)
          tpu.yield
        }) : () -> ()
        "tpu.region"() ({
          %run_scoped3A = tpu.sem_alloc : memref<!tpu.dma_semaphore, #tpu.memory_space<semaphore_mem>>
          %dma_start3A = arith.constant 9480 : i32
          %dma_start3A_47 = arith.constant 0 : i32
          %dma_start3A_48 = tpu.memref_slice %arg12[%dma_start3A, %dma_start3A_47] : memref<10000x16xf32, #tpu.memory_space<hbm>> -> memref<520x16xf32, #tpu.memory_space<hbm>>
          %dma_start3A_49 = arith.constant 9480 : i32
          %dma_start3A_50 = arith.constant 0 : i32
          %dma_start3A_51 = tpu.memref_slice %arg30[%dma_start3A_49, %dma_start3A_50] : memref<10000x16xf32, #tpu.memory_space<vmem_shared>> -> memref<520x16xf32, #tpu.memory_space<vmem_shared>>
          tpu.enqueue_dma source(%dma_start3A_51 : memref<520x16xf32, #tpu.memory_space<vmem_shared>>) target(%dma_start3A_48 : memref<520x16xf32, #tpu.memory_space<hbm>>) target_semaphore(%run_scoped3A : memref<!tpu.dma_semaphore, #tpu.memory_space<semaphore_mem>>)
          %dma_wait3A = arith.constant 9480 : i32
          %dma_wait3A_52 = arith.constant 0 : i32
          %dma_wait3A_53 = tpu.memref_slice %arg12[%dma_wait3A, %dma_wait3A_52] : memref<10000x16xf32, #tpu.memory_space<hbm>> -> memref<520x16xf32, #tpu.memory_space<hbm>>
          %dma_wait3A_54 = arith.constant 9480 : i32
          %dma_wait3A_55 = arith.constant 0 : i32
          %dma_wait3A_56 = tpu.memref_slice %arg30[%dma_wait3A_54, %dma_wait3A_55] : memref<10000x16xf32, #tpu.memory_space<vmem_shared>> -> memref<520x16xf32, #tpu.memory_space<vmem_shared>>
          tpu.wait_dma2 semaphore(%run_scoped3A : memref<!tpu.dma_semaphore, #tpu.memory_space<semaphore_mem>>) src(%dma_wait3A_56 : memref<520x16xf32, #tpu.memory_space<vmem_shared>>) dst(%dma_wait3A_53 : memref<520x16xf32, #tpu.memory_space<hbm>>)
          tpu.yield
        }) : () -> ()
      } else {
      }
    } else {
    }
    return
  }
}

module attributes {stable_mosaic.version = 14 : i64} {
  func.func @_tc1_body(%arg0: i32, %arg1: memref<1000x128xf32, #tpu.memory_space<vmem>>, %arg2: memref<128x128xf32, #tpu.memory_space<vmem>>, %arg3: memref<128x128xf32, #tpu.memory_space<vmem>>, %arg4: memref<1x128xf32, #tpu.memory_space<vmem>>, %arg5: memref<1000x64xf32, #tpu.memory_space<vmem>>, %arg6: memref<1000x64xf32, #tpu.memory_space<vmem>>, %arg7: memref<1000x128xf32, #tpu.memory_space<vmem>>) attributes {dimension_semantics = [#tpu.dimension_semantics<arbitrary>], iteration_bounds = array<i64: 10>, scalar_prefetch = 0 : i64, scratch_operands = 0 : i64, tpu.core_type = #tpu.core_type<tc>, window_params = [{transform_indices = @transform_0, window_bounds = array<i64: 1000, 128>}, {pipeline_mode = #tpu.pipeline_mode<synchronous>, transform_indices = @transform_1, window_bounds = array<i64: 128, 128>}, {pipeline_mode = #tpu.pipeline_mode<synchronous>, transform_indices = @transform_2, window_bounds = array<i64: 128, 128>}, {pipeline_mode = #tpu.pipeline_mode<synchronous>, transform_indices = @transform_3, window_bounds = array<i64: 1, 128>}, {transform_indices = @transform_4, window_bounds = array<i64: 1000, 64>}, {transform_indices = @transform_5, window_bounds = array<i64: 1000, 64>}, {transform_indices = @transform_6, window_bounds = array<i64: 1000, 128>}]} {
    %get3A = arith.constant 0 : index
    %get3A_0 = arith.constant 0 : index
    %get3A_1 = vector.load %arg1[%get3A, %get3A_0] : memref<1000x128xf32, #tpu.memory_space<vmem>>, vector<1000x128xf32>
    %get3A_2 = arith.constant 0 : index
    %get3A_3 = arith.constant 0 : index
    %get3A_4 = vector.load %arg2[%get3A_2, %get3A_3] : memref<128x128xf32, #tpu.memory_space<vmem>>, vector<128x128xf32>
    %dot_general3A = arith.constant dense<0.000000e+00> : vector<1000x128xf32>
    %dot_general3A_5 = tpu.matmul %get3A_1, %get3A_4, %dot_general3A {dimension_numbers = #tpu.dot_dimension_numbers<[1], [0], [0], [1], [0, 0, 1, 1], [], []>, transpose_lhs_hint = false} : vector<1000x128xf32>, vector<128x128xf32>, vector<1000x128xf32> -> vector<1000x128xf32>
    %slice3A = vector.extract_strided_slice %dot_general3A_5 {offsets = [0, 0], sizes = [1000, 64], strides = [1, 1]} : vector<1000x128xf32> to vector<1000x64xf32>
    %swap3A = arith.constant 0 : index
    %swap3A_6 = arith.constant 0 : index
    %swap3A_7 = vector.load %arg5[%swap3A, %swap3A_6] : memref<1000x64xf32, #tpu.memory_space<vmem>>, vector<1000x64xf32>
    tpu.vector_store %arg5[%swap3A, %swap3A_6], %slice3A {strides = array<i32>} : memref<1000x64xf32, #tpu.memory_space<vmem>>, vector<1000x64xf32>,
    %slice3A_8 = vector.extract_strided_slice %dot_general3A_5 {offsets = [0, 64], sizes = [1000, 64], strides = [1, 1]} : vector<1000x128xf32> to vector<1000x64xf32>
    %swap3A_9 = arith.constant 0 : index
    %swap3A_10 = arith.constant 0 : index
    %swap3A_11 = vector.load %arg6[%swap3A_9, %swap3A_10] : memref<1000x64xf32, #tpu.memory_space<vmem>>, vector<1000x64xf32>
    tpu.vector_store %arg6[%swap3A_9, %swap3A_10], %slice3A_8 {strides = array<i32>} : memref<1000x64xf32, #tpu.memory_space<vmem>>, vector<1000x64xf32>,
    %get3A_12 = arith.constant 0 : index
    %get3A_13 = arith.constant 0 : index
    %get3A_14 = vector.load %arg3[%get3A_12, %get3A_13] : memref<128x128xf32, #tpu.memory_space<vmem>>, vector<128x128xf32>
    %dot_general3A_15 = arith.constant dense<0.000000e+00> : vector<1000x128xf32>
    %dot_general3A_16 = tpu.matmul %get3A_1, %get3A_14, %dot_general3A_15 {dimension_numbers = #tpu.dot_dimension_numbers<[1], [0], [0], [1], [0, 0, 1, 1], [], []>, transpose_lhs_hint = false} : vector<1000x128xf32>, vector<128x128xf32>, vector<1000x128xf32> -> vector<1000x128xf32>
    %get3A_17 = arith.constant 0 : index
    %get3A_18 = arith.constant 0 : index
    %get3A_19 = vector.load %arg4[%get3A_17, %get3A_18] : memref<1x128xf32, #tpu.memory_space<vmem>>, vector<1x128xf32>
    %add3A = vector.broadcast %get3A_19 : vector<1x128xf32> to vector<1000x128xf32>
    %add3A_20 = arith.addf %dot_general3A_16, %add3A : vector<1000x128xf32>
    %swap3A_21 = arith.constant 0 : index
    %swap3A_22 = arith.constant 0 : index
    %swap3A_23 = vector.load %arg7[%swap3A_21, %swap3A_22] : memref<1000x128xf32, #tpu.memory_space<vmem>>, vector<1000x128xf32>
    tpu.vector_store %arg7[%swap3A_21, %swap3A_22], %add3A_20 {strides = array<i32>} : memref<1000x128xf32, #tpu.memory_space<vmem>>, vector<1000x128xf32>,
    return
  }
  func.func @transform_0(%arg0: i32) -> (i32, i32) {
    %c0_i32 = arith.constant 0 : i32
    %c0_i32_0 = arith.constant 0 : i32
    return %arg0, %c0_i32 : i32, i32
  }
  func.func @transform_1(%arg0: i32) -> (i32, i32) {
    %c0_i32 = arith.constant 0 : i32
    %c0_i32_0 = arith.constant 0 : i32
    %c0_i32_1 = arith.constant 0 : i32
    return %c0_i32, %c0_i32_0 : i32, i32
  }
  func.func @transform_2(%arg0: i32) -> (i32, i32) {
    %c0_i32 = arith.constant 0 : i32
    %c0_i32_0 = arith.constant 0 : i32
    %c0_i32_1 = arith.constant 0 : i32
    return %c0_i32, %c0_i32_0 : i32, i32
  }
  func.func @transform_3(%arg0: i32) -> (i32, i32) {
    %c0_i32 = arith.constant 0 : i32
    %c0_i32_0 = arith.constant 0 : i32
    %c0_i32_1 = arith.constant 0 : i32
    return %c0_i32, %c0_i32_0 : i32, i32
  }
  func.func @transform_4(%arg0: i32) -> (i32, i32) {
    %c0_i32 = arith.constant 0 : i32
    %c0_i32_0 = arith.constant 0 : i32
    return %arg0, %c0_i32 : i32, i32
  }
  func.func @transform_5(%arg0: i32) -> (i32, i32) {
    %c0_i32 = arith.constant 0 : i32
    %c0_i32_0 = arith.constant 0 : i32
    return %arg0, %c0_i32 : i32, i32
  }
  func.func @transform_6(%arg0: i32) -> (i32, i32) {
    %c0_i32 = arith.constant 0 : i32
    %c0_i32_0 = arith.constant 0 : i32
    return %arg0, %c0_i32 : i32, i32
  }
}

module attributes {stable_mosaic.version = 14 : i64} {
  func.func @_tc2_body(%arg0: i32, %arg1: memref<1000x64xf32, #tpu.memory_space<vmem>>, %arg2: memref<1000x64xf32, #tpu.memory_space<vmem>>, %arg3: memref<1000x16xf32, #tpu.memory_space<vmem>>, %arg4: memref<1000x16xf32, #tpu.memory_space<vmem>>, %arg5: memref<16x128xf32, #tpu.memory_space<vmem>>, %arg6: memref<16x128xf32, #tpu.memory_space<vmem>>, %arg7: memref<1000x128xf32, #tpu.memory_space<vmem>>, %arg8: memref<1000x128xf32, #tpu.memory_space<vmem>>) attributes {dimension_semantics = [#tpu.dimension_semantics<arbitrary>], iteration_bounds = array<i64: 10>, scalar_prefetch = 0 : i64, scratch_operands = 0 : i64, tpu.core_type = #tpu.core_type<tc>, window_params = [{transform_indices = @transform_0, window_bounds = array<i64: 1000, 64>}, {transform_indices = @transform_1, window_bounds = array<i64: 1000, 64>}, {transform_indices = @transform_2, window_bounds = array<i64: 1000, 16>}, {transform_indices = @transform_3, window_bounds = array<i64: 1000, 16>}, {pipeline_mode = #tpu.pipeline_mode<synchronous>, transform_indices = @transform_4, window_bounds = array<i64: 16, 128>}, {pipeline_mode = #tpu.pipeline_mode<synchronous>, transform_indices = @transform_5, window_bounds = array<i64: 16, 128>}, {transform_indices = @transform_6, window_bounds = array<i64: 1000, 128>}, {transform_indices = @transform_7, window_bounds = array<i64: 1000, 128>}]} {
    %get3A = arith.constant 0 : index
    %get3A_0 = arith.constant 0 : index
    %get3A_1 = vector.load %arg1[%get3A, %get3A_0] : memref<1000x64xf32, #tpu.memory_space<vmem>>, vector<1000x64xf32>
    %get3A_2 = arith.constant 0 : index
    %get3A_3 = arith.constant 0 : index
    %get3A_4 = vector.load %arg2[%get3A_2, %get3A_3] : memref<1000x64xf32, #tpu.memory_space<vmem>>, vector<1000x64xf32>
    %concatenate3A = tpu.concatenate %get3A_1, %get3A_4 in 1 : vector<1000x64xf32>, vector<1000x64xf32> -> vector<1000x128xf32>
    %get3A_5 = arith.constant 0 : index
    %get3A_6 = arith.constant 0 : index
    %get3A_7 = vector.load %arg7[%get3A_5, %get3A_6] : memref<1000x128xf32, #tpu.memory_space<vmem>>, vector<1000x128xf32>
    %add3A = arith.addf %concatenate3A, %get3A_7 : vector<1000x128xf32>
    %get3A_8 = arith.constant 0 : index
    %get3A_9 = arith.constant 0 : index
    %get3A_10 = vector.load %arg3[%get3A_8, %get3A_9] : memref<1000x16xf32, #tpu.memory_space<vmem>>, vector<1000x16xf32>
    %get3A_11 = arith.constant 0 : index
    %get3A_12 = arith.constant 0 : index
    %get3A_13 = vector.load %arg5[%get3A_11, %get3A_12] : memref<16x128xf32, #tpu.memory_space<vmem>>, vector<16x128xf32>
    %dot_general3A = arith.constant dense<0.000000e+00> : vector<1000x128xf32>
    %dot_general3A_14 = tpu.matmul %get3A_10, %get3A_13, %dot_general3A {dimension_numbers = #tpu.dot_dimension_numbers<[1], [0], [0], [1], [0, 0, 1, 1], [], []>, transpose_lhs_hint = false} : vector<1000x16xf32>, vector<16x128xf32>, vector<1000x128xf32> -> vector<1000x128xf32>
    %add3A_15 = arith.addf %add3A, %dot_general3A_14 : vector<1000x128xf32>
    %get3A_16 = arith.constant 0 : index
    %get3A_17 = arith.constant 0 : index
    %get3A_18 = vector.load %arg4[%get3A_16, %get3A_17] : memref<1000x16xf32, #tpu.memory_space<vmem>>, vector<1000x16xf32>
    %get3A_19 = arith.constant 0 : index
    %get3A_20 = arith.constant 0 : index
    %get3A_21 = vector.load %arg6[%get3A_19, %get3A_20] : memref<16x128xf32, #tpu.memory_space<vmem>>, vector<16x128xf32>
    %dot_general3A_22 = arith.constant dense<0.000000e+00> : vector<1000x128xf32>
    %dot_general3A_23 = tpu.matmul %get3A_18, %get3A_21, %dot_general3A_22 {dimension_numbers = #tpu.dot_dimension_numbers<[1], [0], [0], [1], [0, 0, 1, 1], [], []>, transpose_lhs_hint = false} : vector<1000x16xf32>, vector<16x128xf32>, vector<1000x128xf32> -> vector<1000x128xf32>
    %add3A_24 = arith.addf %add3A_15, %dot_general3A_23 : vector<1000x128xf32>
    %swap3A = arith.constant 0 : index
    %swap3A_25 = arith.constant 0 : index
    %swap3A_26 = vector.load %arg8[%swap3A, %swap3A_25] : memref<1000x128xf32, #tpu.memory_space<vmem>>, vector<1000x128xf32>
    tpu.vector_store %arg8[%swap3A, %swap3A_25], %add3A_24 {strides = array<i32>} : memref<1000x128xf32, #tpu.memory_space<vmem>>, vector<1000x128xf32>,
    return
  }
  func.func @transform_0(%arg0: i32) -> (i32, i32) {
    %c0_i32 = arith.constant 0 : i32
    %c0_i32_0 = arith.constant 0 : i32
    return %arg0, %c0_i32 : i32, i32
  }
  func.func @transform_1(%arg0: i32) -> (i32, i32) {
    %c0_i32 = arith.constant 0 : i32
    %c0_i32_0 = arith.constant 0 : i32
    return %arg0, %c0_i32 : i32, i32
  }
  func.func @transform_2(%arg0: i32) -> (i32, i32) {
    %c0_i32 = arith.constant 0 : i32
    %c0_i32_0 = arith.constant 0 : i32
    return %arg0, %c0_i32 : i32, i32
  }
  func.func @transform_3(%arg0: i32) -> (i32, i32) {
    %c0_i32 = arith.constant 0 : i32
    %c0_i32_0 = arith.constant 0 : i32
    return %arg0, %c0_i32 : i32, i32
  }
  func.func @transform_4(%arg0: i32) -> (i32, i32) {
    %c0_i32 = arith.constant 0 : i32
    %c0_i32_0 = arith.constant 0 : i32
    %c0_i32_1 = arith.constant 0 : i32
    return %c0_i32, %c0_i32_0 : i32, i32
  }
  func.func @transform_5(%arg0: i32) -> (i32, i32) {
    %c0_i32 = arith.constant 0 : i32
    %c0_i32_0 = arith.constant 0 : i32
    %c0_i32_1 = arith.constant 0 : i32
    return %c0_i32, %c0_i32_0 : i32, i32
  }
  func.func @transform_6(%arg0: i32) -> (i32, i32) {
    %c0_i32 = arith.constant 0 : i32
    %c0_i32_0 = arith.constant 0 : i32
    return %arg0, %c0_i32 : i32, i32
  }
  func.func @transform_7(%arg0: i32) -> (i32, i32) {
    %c0_i32 = arith.constant 0 : i32
    %c0_i32_0 = arith.constant 0 : i32
    return %arg0, %c0_i32 : i32, i32
  }
}

</mosaic_0001>

<sc_bundles>
// kernel: kernel.5.cloned.1.call-start
scs
__scs_entry_jumppad:
0x0: {  	(pc) =	sbr.rel $0x88, $3  }
0x1: {  	(tag) =	ssettag $0x0;
	lr =	simm.s32 $0x1  }
0x2: {  	[smem:$0x3F99] =	sst lr;
	_ =	strace $0xD0000000  }
0x3: {  	_ = 	snop  }
0x4: {  	_ = 	snop  }
0x5: {  	_ = 	snop  }
0x6: {  	_ = 	snop  }
0x7: {  	_ = 	snop  }
__scs_overlays_trampoline_lowered:
0x8: {  	[smem:$0x3FA8] =	sst s0  }
0x9: {  	[smem:$0x3FA9] =	sst s1  }
0xa: {  	[smem:$0x3FAA] =	sst s2  }
0xb: {  	[smem:$0x3FAB] =	sst s3  }
0xc: {  	[smem:$0x3FAC] =	sst s4  }
0xd: {  	[smem:$0x3FAD] =	sst s5  }
0xe: {  	[smem:$0x3FAE] =	sst s6  }
0xf: {  	[smem:$0x3FAF] =	sst s7  }
0x10: {  	[smem:$0x3FB0] =	sst s8  }
0x11: {  	[smem:$0x3FB1] =	sst s9;
	s0 =	simm.s32 @!p0 $0x0  }
0x12: {  	s1 =	sld [smem:$0x3F97];
	s0 =	simm.s32 @p0 $0x1  }
0x13: {  	[smem:$0x3FB2] =	sst s0;
	s0 =	simm.s32 @!p1 $0x0  }
0x14: {  	s2 =	sld [smem:$0x3F96];
	s0 =	simm.s32 @p1 $0x1  }
0x15: {  	[smem:$0x3FB3] =	sst s0;
	s0 =	simm.s32 @!p2 $0x0  }
0x16: {  	s3 =	sld [smem:$0x3FDB];
	s0 =	simm.s32 @p2 $0x1  }
0x17: {  	s4 =	simm.s32 $0x1BF5;
	[smem:$0x3FB5] =	sst s0  }
0x18: {  	s0 =	sld [smem:$0x3F98];
	_ =	swait.ge [sflag:s4], $0x0  }
0x19: {  	s7 =	sld [smem:$0x3F99]  }
0x1a: {  	s8 =	sadd.s32 $0xFFFFE003, lr  }
0x1b: {  	s9 =	sadd.s32 $0xFFFFFEF7, lr;
	s5 =	simm.s32 $0xFFFFFFFF;
	p2 =	slt.u32 s8, $0xFFFFF086  }
0x1c: {  	p1 =	slt.u32 s9, $0xF7A;
	s5 =	simm.s32 @!p2 $0x0  }
0x1d: {  	s5 =	simm.s32 @p1 $0x1;
	p0 =	seq.s32 s7, s2  }
0x1e: {  	s7 =	smul.u32 @!p0 $0xF7A, s2;
	p2 =	seq.s32 @!p0 s5, $0x0  }
0x1f: {  	s9 =	smul.u32 $0xF7A, s1;
	s8 =	simm.s32 @!p0 $0x1BF5;
	p2 =	por !p2, p0  }
0x20: {  	[sflag:s8] =	ssyncset.s32 @!p0 $0xFFFFF086;
	s6 =	sadd.s32 @!p0 s3, s7;
	s7 =	simm.s32 @!p0 $0x108  }
0x21: {  	s3 =	sadd.s32 s3, s9;
	s6 =	sadd.s32 @!p0 $0x88, s6;
	s7 =	simm.s32 @p2 $0x1082  }
0x22: {  	[simem:s7], [sflag:s8] =	dma.local @!p0 [hbm:s6], $0xF7A  }
0x23: {  	s9 =	sor.u32 $0xD0000000, s2;
	s6 =	simm.s32 $0x108;
	_ =	swait.ge @!p0 [sflag:s8], $0x0  }
0x24: {  	s3 =	sadd.s32 $0x88, s3;
	s6 =	simm.s32 @!p1 $0x1082;
	[sflag:s4] =	ssyncset.s32 $0xFFFFF086  }
0x25: {  	[simem:s6], [sflag:s4] =	dma.local [hbm:s3], $0xF7A  }
0x26: {  	[smem:$0x3F99] =	sst s1;
	(tag) =	ssettag s2;
	_ =	strace s9  }
0x27: {  	s1 =	sld [smem:$0x3FA9]  }
0x28: {  	s2 =	sld [smem:$0x3FAA]  }
0x29: {  	s4 =	sld [smem:$0x3FAC]  }
0x2a: {  	p0 =	seq.s32 s5, $0x0;
	s5 =	sld [smem:$0x3FAD]  }
0x2b: {  	s6 =	sld [smem:$0x3FAE]  }
0x2c: {  	s7 =	sld [smem:$0x3FAF]  }
0x2d: {  	s3 =	simm.s32 $0x108;
	s8 =	sld [smem:$0x3FB0]  }
0x2e: {  	s3 =	simm.s32 @!p0 $0x1082;
	s9 =	sld [smem:$0x3FB1]  }
0x2f: {  	lr =	sadd.s32 s0, s3;
	s0 =	sld [smem:$0x3FA8]  }
0x30: {  	s3 =	sld [smem:$0x3FAB]  }
0x31: {  	[smem:$0x3FB4] =	sst s10  }
0x32: {  	s10 =	sld [smem:$0x3FB2];
	_ =	sdelay $0x3  }
0x33: {  	p0 =	seq.s32 s10, $0x1;
	s10 =	sld [smem:$0x3FB4];
	_ =	sdelay $0x3  }
0x34: {  	[smem:$0x3FB4] =	sst s10  }
0x35: {  	s10 =	sld [smem:$0x3FB3];
	_ =	sdelay $0x3  }
0x36: {  	p1 =	seq.s32 s10, $0x1;
	s10 =	sld [smem:$0x3FB4];
	_ =	sdelay $0x3  }
0x37: {  	[smem:$0x3FB4] =	sst s10  }
0x38: {  	s10 =	sld [smem:$0x3FB5]  }
0x39: {  	_ = 	snop;
	(pc) =	sbr.ind lr, $3  }
0x3a: {  	_ = 	snop  }
0x3b: {  	_ = 	snop  }
0x3c: {  	p2 =	seq.s32 s10, $0x1;
	s10 =	sld [smem:$0x3FB4]  }
0x3d: {  	_ =	shalt  }
0x3e: {  	_ =	shalt  }
0x3f: {  	_ =	shalt  }
0x40: {  	_ =	shalt  }
0x41: {  	_ =	shalt  }
0x42: {  	_ =	shalt  }
0x43: {  	_ =	shalt  }
0x44: {  	_ =	shalt  }
0x45: {  	_ =	shalt  }
0x46: {  	_ =	shalt  }
0x47: {  	_ =	shalt  }
0x48: {  	_ =	shalt  }
0x49: {  	_ =	shalt  }
0x4a: {  	_ =	shalt  }
0x4b: {  	_ =	shalt  }
0x4c: {  	_ =	shalt  }
0x4d: {  	_ =	shalt  }
0x4e: {  	_ =	shalt  }
0x4f: {  	_ =	shalt  }
0x50: {  	_ =	shalt  }
0x51: {  	_ =	shalt  }
0x52: {  	_ =	shalt  }
0x53: {  	_ =	shalt  }
0x54: {  	_ =	shalt  }
0x55: {  	_ =	shalt  }
0x56: {  	_ =	shalt  }
0x57: {  	_ =	shalt  }
0x58: {  	_ =	shalt  }
0x59: {  	_ =	shalt  }
0x5a: {  	_ =	shalt  }
0x5b: {  	_ =	shalt  }
0x5c: {  	_ =	shalt  }
0x5d: {  	_ =	shalt  }
0x5e: {  	_ =	shalt  }
0x5f: {  	_ =	shalt  }
0x60: {  	_ =	shalt  }
0x61: {  	_ =	shalt  }
0x62: {  	_ =	shalt  }
0x63: {  	_ =	shalt  }
0x64: {  	_ =	shalt  }
0x65: {  	_ =	shalt  }
0x66: {  	_ =	shalt  }
0x67: {  	_ =	shalt  }
0x68: {  	_ =	shalt  }
0x69: {  	_ =	shalt  }
0x6a: {  	_ =	shalt  }
0x6b: {  	_ =	shalt  }
0x6c: {  	_ =	shalt  }
0x6d: {  	_ =	shalt  }
0x6e: {  	_ =	shalt  }
0x6f: {  	_ =	shalt  }
0x70: {  	_ =	shalt  }
0x71: {  	_ =	shalt  }
0x72: {  	_ =	shalt  }
0x73: {  	_ =	shalt  }
0x74: {  	_ =	shalt  }
0x75: {  	_ =	shalt  }
0x76: {  	_ =	shalt  }
0x77: {  	_ =	shalt  }
0x78: {  	_ =	shalt  }
0x79: {  	_ =	shalt  }
0x7a: {  	_ =	shalt  }
0x7b: {  	_ =	shalt  }
0x7c: {  	_ =	shalt  }
0x7d: {  	_ =	shalt  }
0x7e: {  	_ =	shalt  }
0x7f: {  	_ =	shalt  }
0x80: {  	_ =	shalt  }
0x81: {  	_ =	shalt  }
0x82: {  	_ =	shalt  }
0x83: {  	_ =	shalt  }
0x84: {  	_ =	shalt  }
0x85: {  	_ =	shalt  }
0x86: {  	_ =	shalt  }
0x87: {  	_ =	shalt  }
.Lfunc_end0:
.L_simem_size_0:
called_computation_lowered:
.L_overlay_start_0:
0x88: {  	s2 =	sld [smem:$0x3FD9]  }
0x89: {  	s3 =	sld [smem:$0x3FFE];
	_ =	sdelay $0x1  }
0x8a: {  	s1 =	srdreg.scid  }
0x8b: {  	s0 =	sand.u32 $0x1, s1  }
0x8c: {  	s17 =	sshll.u32 s0, $0xA;
	s2 =	sadd.s32 s3, s2  }
0x8d: {  	s2 =	sadd.s32 s2, s17  }
0x8e: {  	[smem:$0x3FC0] =	sst s2  }
0x8f: {  	_ = 	snop  }
0x90: {  	s2 =	sld [smem:$0x3FD0];
	(tm) =	ssettm $0x1  }
0x91: {  	s18 =	sld [smem:$0x3FFB];
	_ =	sdelay $0x3  }
0x92: {  	_ =	strace s18  }
0x93: {  	s3 =	sld [smem:$0x3FFC];
	_ =	sdelay $0x3  }
0x94: {  	_ =	strace s3  }
0x95: {  	s3 =	sld [smem:$0x3FFD];
	_ =	sdelay $0x3  }
0x96: {  	_ =	strace s3  }
0x97: {  	_ =	strace $0x8FFFFFFF  }
0x98: {  	s19 =	sld [smem:$0x3FDB];
	_ =	sdelay $0x1  }
0x99: {  	s4 =	simm.s32 $_scs_section_size  }
0x9a: {  	s5 =	simm.s32 $_size__tile_overlayer_lowered;
	s6 =	simm.s32 $_tile_overlayer_lowered  }
0x9b: {  	s22 =	simm.s32 $0x1BFF;
	s21 =	sshll.u32 s6, $0x1;
	s3 =	sadd.s32 s4, s19  }
0x9c: {  	s7 =	simm.s32 $0x0;
	s20 =	sshll.u32 s5, $0x1;
	s5 =	sadd.s32 s21, s3  }
0x9d: {  	[timem:s7], [sflag:s22] =	dma.local [hbm:s5], s20  }
0x9e: {  	_ =	swait.ge [sflag:s22], s20  }
0x9f: {  	s4 =	ssub.s32 $0x0, s20;
	[sflag:s22] =	ssyncset.done $0x0  }
0xa0: {  	[sflag:s22] =	ssyncadd.s32 s4;
	_ =	sdelay $0x1  }
0xa1: {  	s23 =	simm.s32 $0x1B8B  }
0xa2: {  	_ =	swait.ge [sflag:s23], $0x1  }
0xa3: {  	[sflag:s23] =	ssyncset.done $0x0  }
0xa4: {  	s25 =	simm.s32 $0x1B8E;
	s24 =	sld [smem:$0x3FFE];
	[sflag:s23] =	ssyncadd.s32 $0xFFFFFFFF  }
0xa5: {  	s26 =	simm.s32 $execute0_lowered;
	[smem:$0x3FD2] =	sst s25  }
0xa6: {  	s5 =	sshll.u32 s26, $0x1;
	_ =	strace $0x80000046;
	[dreg:$0x1] =	wrdreg $0xFFFFFFFF  }
0xa7: {  	s28 =	simm.s32 $_size_execute0_lowered;
	s3 =	sadd.s32 s3, s5;
	[dreg:$0x0] =	wrdreg $0x0  }
0xa8: {  	s5 =	sshll.u32 s28, $0x1;
	[dreg:$0x2] =	wrdreg s3  }
0xa9: {  	[dreg:$0x3] =	wrdreg s5  }
0xaa: {  	[dreg:$0x4] =	wrdreg $0xC0  }
0xab: {  	_ =	task [dreg:s7], $0x5FFFF  }
0xac: {  	[dreg:$0x1] =	wrdreg $0xFFFFFFFF  }
0xad: {  	[dreg:$0x0] =	wrdreg $0x60  }
0xae: {  	[dreg:$0x2] =	wrdreg s2  }
0xaf: {  	[dreg:$0x3] =	wrdreg s24  }
0xb0: {  	[dreg:$0x4] =	wrdreg $0xA4000  }
0xb1: {  	[dreg:$0x5] =	wrdreg $0x140400  }
0xb2: {  	[dreg:$0x6] =	wrdreg $0x9  }
0xb3: {  	_ =	task.clear_ibuf [dreg:s7], $0x7FFFF;
	_ =	strace $0x90000046  }
0xb4: {  	s29 =	simm.s32 $0x9;
	_ =	strace $0x80000048  }
0xb5: {  	_ =	swait.ge [sflag:s29], $0x1  }
0xb6: {  	[sflag:s29] =	ssyncadd.s32 $0xFFFFFFFF  }
0xb7: {  	_ =	strace $0x90000048  }
0xb8: {  	_ =	sfence  }
0xb9: {  	s30 =	sld [smem:$0x0];
	_ =	sdelay $0x2  }
0xba: {  	s31 =	sshll.u32 s1, $0xD;
	s1 =	sshrl.u32 s1, $0x2  }
0xbb: {  	s3 =	sand.u32 $0x4000, s31;
	s1 =	sadd.s32 s1, s30  }
0xbc: {  	s0 =	sor.u32 s3, s0;
	s1 =	sshll.u32 s1, $0x11  }
0xbd: {  	s0 =	sor.u32 s1, s0  }
0xbe: {  	s0 =	sadd.s32 $0x8F2B, s0  }
0xbf: {  	[sflag:s0] =	ssyncadd.remote.s32 $0x1  }
0xc0: {  	_ =	sfence.sel $0xFFFF  }
0xc1: {  	[dreg:$0x0] =	wrdreg $0xFFFFFFFF;
	(pc) =	sbr.abs _section_cstart, $3  }
0xc2: {  	[dreg:$0x1] =	wrdreg $0xFFFFFFFF  }
0xc3: {  	_ =	task.clear_ibuf [dreg:s7], $0x2FFFF;
	_ =	strace $0x9FFFFFFF  }
0xc4: {  	(tm) =	ssettm $0x7FFFFFFF  }
0xc5: {  	_ =	shalt  }
tec
execute0_lowered:
.L_overlay_start_1:
0x0: {  	(tag) =	ssettag $0x1  }
0x1: {  	s16 =	rddreg [dreg:$0x0]  }
0x2: {  	s0 =	rddreg [dreg:$0x1]  }
0x3: {  	s2 =	rddreg [dreg:$0x2]  }
0x4: {  	s3 =	rddreg [dreg:$0x3]  }
0x5: {  	s5 =	simm.s32 $0x0;
	s17 =	stileid.u32;
	s4 =	srdreg.scid  }
0x6: {  	s30 =	simm.s32 $0x180;
	[smem:$0x7FF] =	sst s5;
	s28 =	sadd.s32 $0x4E5800, s0  }
0x7: {  	s18 =	sadd.s32 $0x581C00, s0;
	s1 =	smul.u32 $0x9E00, s17;
	s8 =	sadd.s32 $0x2AA00, s0  }
0x8: {  	s9 =	sadd.s32 $0x3E400, s0;
	s7 =	smul.u32 $0x2780, s17;
	s10 =	sadd.s32 $0x51E00, s0  }
0x9: {  	s13 =	smul.u32 $0x27800, s17;
	_ =	strace $0x80000047;
	[dreg:$0xb] =	wrdreg s10  }
0xa: {  	s24 =	smul.u32 $0x4E00, s17;
	s22 =	sadd.s32 $0x94200, s2;
	[dreg:$0xa] =	wrdreg s18  }
0xb: {  	s4 =	sand.u32 $0x1, s4;
	s15 =	smul.u32 $0x9C00, s17;
	[smem:$0x7F7] =	sst s22  }
0xc: {  	p1 =	seq.s32 s17, $0xF;
	s23 =	ssub.s32 $0x2, s4;
	[dreg:$0x9] =	wrdreg s28  }
0xd: {  	s6 =	sshrl.u32 s1, $0x3;
	s14 =	sshrl.u32 s1, $0x2;
	s1 =	sadd.s32 s1, s2  }
0xe: {  	p0 =	sne.s32 s4, $0x0;
	s29 =	sadd.s32 s7, s3;
	[dreg:$0x10] =	wrdreg s1  }
0xf: {  	s12 =	sshrl.u32 s23, $0x1;
	s20 =	sadd.s32 s18, s15;
	[dreg:$0x12] =	wrdreg s29  }
0x10: {  	s1 =	sadd.s32 s28, s15;
	s15 =	sadd.s32 $0x84610, s0;
	[dreg:$0xc] =	wrdreg s20  }
0x11: {  	s10 =	ssub.s32 s23, s12;
	s23 =	sadd.s32 $0x25080, s3;
	[dreg:$0x19] =	wrdreg s15  }
0x12: {  	s11 =	sshrl.u32 s7, $0x3;
	s6 =	sadd.s32 s6, s0;
	[smem:$0x7F8] =	sst s23  }
0x13: {  	s11 =	sadd.s32 s11, s0;
	s25 =	sadd.s32 $0x67200, s6;
	[dreg:$0x13] =	wrdreg s1  }
0x14: {  	s4 =	simm.s32 $0x8C00;
	s26 =	sadd.s32 $0x7FC00, s11;
	[dreg:$0xf] =	wrdreg s25  }
0x15: {  	s13 =	sshrl.u32 s13, $0x2;
	s6 =	sadd.s32 $0x53800, s6;
	[dreg:$0x11] =	wrdreg s26  }
0x16: {  	s13 =	sadd.s32 s13, s2;
	s7 =	sadd.s32 $0x7AC00, s11;
	[dreg:$0x15] =	wrdreg s6  }
0x17: {  	s14 =	sadd.s32 s14, s3;
	s11 =	sadd.s32 $0x53200, s0;
	[dreg:$0x16] =	wrdreg s7  }
0x18: {  	s12 =	sor.u32 $0x80, s24;
	s19 =	smax.u32 s10, $0x1;
	[dreg:$0x17] =	wrdreg s11  }
0x19: {  	s24 =	smul.u32 $0x9C, s17;
	s21 =	sshrl.u32 s12, $0x3;
	[dreg:$0x1c] =	wrdreg s19  }
0x1a: {  	s12 =	sshll.u32 s12, $0x1;
	s15 =	simm.s32 $0x400;
	[dreg:$0xd] =	wrdreg s21  }
0x1b: {  	s23 =	simm.s32 $0x1;
	s18 =	sadd.s32 s18, s12;
	[smem:$0x7FD] =	sst s24  }
0x1c: {  	s10 =	simm.s32 $0x2;
	s31 =	sadd.s32 s28, s12;
	[dreg:$0xe] =	wrdreg s18  }
0x1d: {  	s12 =	sadd.s32 $0x79A40, s0;
	s19 =	sadd.s32 $0x9C40, s16;
	[dreg:$0x14] =	wrdreg s31  }
0x1e: {  	s25 =	sadd.s32 s16, s21;
	s26 =	sadd.s32 $0x300, s20;
	[dreg:$0x18] =	wrdreg s12  }
0x1f: {  	s29 =	sadd.s32 $0x4, s24;
	s21 =	simm.s32 $0x80;
	[smem:$0x7F9] =	sst s25  }
0x20: {  	s20 =	simm.s32 $0x280;
	s7 =	simm.s32 $0x0;
	[smem:$0x7FA] =	sst s26  }
0x21: {  	s18 =	sadd.s32 $0x66040, s0;
	s0 =	sadd.s32 $0x7F610, s0;
	[smem:$0x7FB] =	sst s29  }
0x22: {  	s12 =	smul.u32 $0x9C0, s17;
	s31 =	sadd.s32 $0x300, s1;
	[dreg:$0x1a] =	wrdreg s18  }
.Ltmp0:
0x23: {  	s25 =	simm.s32 $0x3;
	[dreg:$0x1b] =	wrdreg s0;
	(pc) =	sbr.rel .LBB2_1-.Ltmp0, $4  }
0x24: {  	s17 =	simm.s32 $0x100;
	s0 =	sshrl.u32 @!p1 s13, $0x3;
	[smem:$0x7FC] =	sst s31  }
0x25: {  	s13 =	simm.s32 $0x2400;
	[dreg:$0x1e] =	wrdreg s0;
	s0 =	sshrl.u32 @!p1 s14, $0x3  }
0x26: {  	s14 =	sadd.s32 s16, s12;
	s16 =	simm.s32 $0x200;
	[dreg:$0x1d] =	wrdreg s12  }
0x27: {  	[dreg:$0x1f] =	wrdreg s0;
	s0 =	simm.s32 $0x8400;
	s18 =	smov.u32 s14  }
.LBB2_7:
0x28: {  	_ =	swait.ge [sflag:s23], $0x2000  }
0x29: {  	[sflag:s23] =	ssyncset.done $0x0  }
0x2a: {  	[sflag:s23] =	ssyncadd.s32 $0xFFFFE000  }
0x2b: {  	_ =	swait.ge [sflag:s23], $0x2000  }
0x2c: {  	[sflag:s23] =	ssyncset.done $0x0  }
0x2d: {  	[sflag:s23] =	ssyncadd.s32 $0xFFFFE000  }
0x2e: {  	[bflag:$0x0] =	sbarrier.arrive $0xFFFF  }
0x2f: {  	s0 =	sld [smem:$0x7F1];
	_ =	sdelay $0x1  }
0x30: {  	s1 =	simm.s32 @p1 $0x1FC3;
	s6 =	rddreg [dreg:$0x18]  }
0x31: {  	[hbm:s6], [sflag:s1] =	dma.local @p1 [spmem:s0], $0x1040  }
0x32: {  	s6 =	simm.s32 @p1 $0x3  }
0x33: {  	_ =	swait.ge @p1 [sflag:s6], $0x1040  }
0x34: {  	s0 =	sld [smem:$0x7F2]  }
0x35: {  	[sflag:s6] =	ssyncset.done @p1 $0x0  }
0x36: {  	s7 =	rddreg [dreg:$0x19];
	[sflag:s6] =	ssyncadd.s32 @p1 $0xFFFFEFC0  }
0x37: {  	[hbm:s7], [sflag:s1] =	dma.local @p1 [spmem:s0], $0x410  }
0x38: {  	_ =	swait.ge @p1 [sflag:s6], $0x410  }
0x39: {  	s0 =	sld [smem:$0x7F3]  }
0x3a: {  	s4 =	sld [smem:$0x7F5]  }
0x3b: {  	[sflag:s6] =	ssyncset.done @p1 $0x0  }
0x3c: {  	s1 =	rddreg [dreg:$0xf];
	[sflag:s6] =	ssyncadd.s32 @p1 $0xFFFFFBF0  }
0x3d: {  	[hbm:s1], [sflag:s0] =	dma.local @!p1 [spmem:s4], $0x13C0  }
0x3e: {  	s1 =	simm.s32 @!p1 $0x3  }
0x3f: {  	_ =	swait.ge @!p1 [sflag:s1], $0x13C0  }
0x40: {  	s4 =	sld [smem:$0x7F6]  }
0x41: {  	[sflag:s1] =	ssyncset.done @!p1 $0x0  }
0x42: {  	s6 =	rddreg [dreg:$0x11];
	[sflag:s1] =	ssyncadd.s32 @!p1 $0xFFFFEC40  }
0x43: {  	[hbm:s6], [sflag:s0] =	dma.local @!p1 [spmem:s4], $0x4F0  }
0x44: {  	_ =	swait.ge @!p1 [sflag:s1], $0x4F0  }
0x45: {  	[sflag:s1] =	ssyncset.done @!p1 $0x0  }
0x46: {  	s7 =	sld [smem:$0x7F0];
	[sflag:s1] =	ssyncadd.s32 @!p1 $0xFFFFFB10  }
.LBB2_8:
0x47: {  	_ =	sdelay $0x1  }
0x48: {  	s1 =	rddreg [dreg:$0x1c];
	s7 =	sadd.s32 $0x1, s7  }
0x49: {  	p2 =	sne.s32 s7, s1  }
.Ltmp1:
0x4a: {  	_ = 	snop;
	(pc) =	sbr.rel @!p2 .LBB2_9-.Ltmp1, $4  }
0x4b: {  	_ = 	snop  }
0x4c: {  	s12 =	rddreg [dreg:$0x1d]  }
0x4d: {  	s0 =	simm.s32 $0x8400;
	s4 =	simm.s32 $0x8C00;
	s15 =	simm.s32 $0x400  }
0x4e: {  	s13 =	simm.s32 $0x2400;
	s16 =	simm.s32 $0x200;
	s20 =	simm.s32 $0x280  }
.LBB2_1:
0x4f: {  	s1 =	sld [smem:$0x7F7];
	_ =	sdelay $0x1  }
0x50: {  	[smem:$0x7F0] =	sst s7  }
0x51: {  	s7 =	rddreg [dreg:$0xb];
	s6 =	sshrl.u32 @p1 s1, $0x3  }
0x52: {  	s1 =	simm.s32 @p1 $0x1FC3;
	[smem:$0x7F1] =	sst s6  }
0x53: {  	[spmem:s6], [sflag:s1] =	dma.local @p1 [hbm:s7], $0x1040  }
0x54: {  	s6 =	simm.s32 @p1 $0x3  }
0x55: {  	_ =	swait.ge @p1 [sflag:s6], $0x1040  }
0x56: {  	s11 =	sld [smem:$0x7F8];
	_ =	sdelay $0x2  }
0x57: {  	[sflag:s6] =	ssyncset.done @p1 $0x0;
	s22 =	sshrl.u32 @p1 s11, $0x3;
	s11 =	rddreg [dreg:$0x17]  }
0x58: {  	[sflag:s6] =	ssyncadd.s32 @p1 $0xFFFFEFC0;
	[smem:$0x7F2] =	sst s22  }
0x59: {  	[spmem:s22], [sflag:s1] =	dma.local @p1 [hbm:s11], $0x410  }
0x5a: {  	s1 =	stileid.u32;
	_ =	swait.ge @p1 [sflag:s6], $0x410  }
0x5b: {  	s1 =	sshll.u32 @!p1 s1, $0x6;
	[sflag:s6] =	ssyncset.done @p1 $0x0  }
0x5c: {  	s22 =	sor.u32 @!p1 $0x1C03, s1;
	s1 =	rddreg [dreg:$0x1e];
	[sflag:s6] =	ssyncadd.s32 @p1 $0xFFFFFBF0  }
0x5d: {  	[spmem:s1], [sflag:s22] =	dma.local @!p1 [hbm:s7], $0x13C0  }
0x5e: {  	s1 =	simm.s32 @!p1 $0x3  }
0x5f: {  	_ =	swait.ge @!p1 [sflag:s1], $0x13C0  }
0x60: {  	[sflag:s1] =	ssyncset.done @!p1 $0x0;
	s6 =	rddreg [dreg:$0x1f]  }
0x61: {  	[smem:$0x7F3] =	sst s22;
	[sflag:s1] =	ssyncadd.s32 @!p1 $0xFFFFEC40  }
0x62: {  	[spmem:s6], [sflag:s22] =	dma.local @!p1 [hbm:s11], $0x4F0  }
0x63: {  	_ =	swait.ge @!p1 [sflag:s1], $0x4F0  }
0x64: {  	[sflag:s1] =	ssyncset.done @!p1 $0x0  }
0x65: {  	[sflag:s1] =	ssyncadd.s32 @!p1 $0xFFFFFB10  }
0x66: {  	[bflag:$0x0] =	sbarrier.arrive $0xFFFF  }
0x67: {  	[tilespmem:s5], [sflag:$0x3] =	stream.linear.gather [hbm4b:s14+s5], $0x80, $0x38;
	[tilespmem:$0x16750] =	vst v63  }
0x68: {  	_ =	swait.ge [sflag:s25], $0x80  }
0x69: {  	[sflag:s25] =	ssyncset.done $0x0  }
0x6a: {  	s29 =	sadd.s32 s12, s19;
	[sflag:s25] =	ssyncadd.s32 $0xFFFFFF80  }
0x6b: {  	[tilespmem:s16], [sflag:$0x3] =	stream.linear.gather [hbm4b:s29+s5], $0x80, $0x38;
	[tilespmem:$0x16750] =	vst v63  }
0x6c: {  	s1 =	simm.s32 @!p1 $0x27;
	_ =	swait.ge [sflag:s25], $0x80  }
0x6d: {  	s1 =	simm.s32 @p1 $0x28;
	s6 =	rddreg [dreg:$0x10]  }
.Ltmp2:
0x6e: {  	[smem:$0x7F4] =	sst s1;
	s6 =	sshrl.u32 @!p1 s6, $0x3;
	(pc) =	sbr.rel @p0 .LBB2_5-.Ltmp2, $4  }
0x6f: {  	[smem:$0x7F5] =	sst s6  }
0x70: {  	s22 =	simm.s32 $0x0;
	s6 =	rddreg [dreg:$0x12]  }
0x71: {  	[sflag:s25] =	ssyncset.done $0x0;
	s31 =	rddreg [dreg:$0xd];
	s6 =	sshrl.u32 @!p1 s6, $0x3  }
0x72: {  	[sflag:s25] =	ssyncadd.s32 $0xFFFFFF80;
	s1 =	sadd.s32 s31, s19;
	[smem:$0x7F6] =	sst s6  }
0x73: {  	s6 =	rddreg [dreg:$0x13]  }
0x74: {  	[tilespmem:s0], [sflag:$0x3] =	stream.linear.gather [hbm4b:s6+s22], $0x800, $0x38;
	[tilespmem:$0x16750] =	vst v63  }
0x75: {  	_ =	swait.ge [sflag:s25], $0x800  }
0x76: {  	s11 =	sld [smem:$0x7F9]  }
0x77: {  	[sflag:s25] =	ssyncset.done $0x0  }
0x78: {  	[sflag:s25] =	ssyncadd.s32 $0xFFFFF800  }
0x79: {  	[tilespmem:s21], [sflag:$0x3] =	stream.linear.gather [hbm4b:s11+s22], $0x80, $0x38;
	[tilespmem:$0x16750] =	vst v63  }
0x7a: {  	_ =	swait.ge [sflag:s25], $0x80  }
0x7b: {  	[sflag:s25] =	ssyncset.done $0x0  }
0x7c: {  	[sflag:s25] =	ssyncadd.s32 $0xFFFFFF80  }
0x7d: {  	[tilespmem:s20], [sflag:$0x3] =	stream.linear.gather [hbm4b:s1+s22], $0x80, $0x38;
	[tilespmem:$0x16750] =	vst v63  }
0x7e: {  	_ =	swait.ge [sflag:s25], $0x80  }
0x7f: {  	[sflag:s25] =	ssyncset.done $0x0  }
0x80: {  	s29 =	sadd.s32 s19, s12;
	s14 =	rddreg [dreg:$0x14];
	[sflag:s25] =	ssyncadd.s32 $0xFFFFFF80  }
0x81: {  	[tilespmem:s4], [sflag:$0x3] =	stream.linear.gather [hbm4b:s14+s22], $0x800, $0x38;
	[tilespmem:$0x16750] =	vst v63  }
0x82: {  	_ =	swait.ge [sflag:s25], $0x800;
	[dreg:$0x8] =	wrdreg s29  }
0x83: {  	s24 =	sld [smem:$0x7F4]  }
0x84: {  	s6 =	sld [smem:$0x7FB]  }
0x85: {  	s7 =	sld [smem:$0x7FC]  }
0x86: {  	[sflag:s25] =	ssyncset.done $0x0;
	s28 =	rddreg [dreg:$0x9]  }
0x87: {  	s0 =	simm.s32 $0x4400;
	s31 =	sld [smem:$0x7FD];
	[sflag:s25] =	ssyncadd.s32 $0xFFFFF800  }
0x88: {  	[tilespmem:s15], [sflag:$0x1] =	stream.indirect.gather [hbm4b:s8+s21], $0x40, s16, s21, $0xb8;
	[tilespmem:$0x16750] =	vst v63  }
0x89: {  	s1 =	simm.s32 $0x1;
	s11 =	rddreg [dreg:$0x0];
	s26 =	sshll.u32 s24, $0x6  }
0x8a: {  	[tilespmem:s13], [sflag:$0x1] =	stream.indirect.gather [hbm4b:s8+s21], $0x40, s20, s21, $0xb8;
	[tilespmem:$0x16750] =	vst v63  }
0x8b: {  	s15 =	simm.s32 $0x9C00;
	[dreg:$0x7] =	wrdreg s26;
	s13 =	simm.s32 $0x6400  }
.LBB2_3:
0x8c: {  	s14 =	sadd.s32 s22, s18  }
0x8d: {  	s16 =	sadd.s32 $0x20, s14  }
0x8e: {  	[tilespmem:s17], [sflag:$0x3] =	stream.linear.gather [hbm4b:s16+s5], $0x80, $0x38;
	[tilespmem:$0x16750] =	vst v63  }
0x8f: {  	_ =	swait.ge [sflag:s25], $0x80  }
0x90: {  	s17 =	rddreg [dreg:$0x8]  }
0x91: {  	[sflag:s25] =	ssyncset.done $0x0;
	s16 =	sadd.s32 s22, s17  }
0x92: {  	[sflag:s25] =	ssyncadd.s32 $0xFFFFFF80;
	s17 =	simm.s32 $0x300;
	s12 =	sadd.s32 $0x20, s16  }
0x93: {  	[tilespmem:s17], [sflag:$0x3] =	stream.linear.gather [hbm4b:s12+s5], $0x80, $0x38;
	[tilespmem:$0x16750] =	vst v63  }
0x94: {  	_ =	swait.ge [sflag:s25], $0x80  }
0x95: {  	[sflag:s25] =	ssyncset.done $0x0  }
0x96: {  	s20 =	sadd.s32 $0xFFFFFF00, s7;
	s4 =	simm.s32 $0x9400;
	[sflag:s25] =	ssyncadd.s32 $0xFFFFFF80  }
0x97: {  	[tilespmem:s4], [sflag:$0x3] =	stream.linear.gather [hbm4b:s20+s5], $0x800, $0x38;
	[tilespmem:$0x16750] =	vst v63  }
0x98: {  	_ =	swait.ge [sflag:s25], $0x800  }
0x99: {  	[sflag:s25] =	ssyncset.done $0x0  }
0x9a: {  	s24 =	sadd.s32 $0x30, s14;
	[sflag:s25] =	ssyncadd.s32 $0xFFFFF800  }
0x9b: {  	[tilespmem:s30], [sflag:$0x3] =	stream.linear.gather [hbm4b:s24+s5], $0x80, $0x38;
	[tilespmem:$0x16750] =	vst v63  }
0x9c: {  	_ =	swait.ge [sflag:s25], $0x80  }
0x9d: {  	[sflag:s25] =	ssyncset.done $0x0  }
0x9e: {  	s29 =	simm.s32 $0x380;
	s26 =	sadd.s32 $0x30, s16;
	[sflag:s25] =	ssyncadd.s32 $0xFFFFFF80  }
0x9f: {  	[tilespmem:s29], [sflag:$0x3] =	stream.linear.gather [hbm4b:s26+s5], $0x80, $0x38;
	[tilespmem:$0x16750] =	vst v63  }
0xa0: {  	_ =	swait.ge [sflag:s25], $0x80  }
0xa1: {  	[sflag:s25] =	ssyncset.done $0x0  }
0xa2: {  	[sflag:s25] =	ssyncadd.s32 $0xFFFFFF80  }
0xa3: {  	[tilespmem:s15], [sflag:$0x3] =	stream.linear.gather [hbm4b:s7+s5], $0x800, $0x38;
	[tilespmem:$0x16750] =	vst v63  }
0xa4: {  	_ =	swait.ge [sflag:s25], $0x800  }
0xa5: {  	[sflag:s25] =	ssyncset.done $0x0  }
0xa6: {  	[sflag:s25] =	ssyncadd.s32 $0xFFFFF800  }
0xa7: {  	[tilespmem:s0], [sflag:$0x2] =	stream.indirect.gather [hbm4b:s8+s21], $0x40, s17, s21, $0xb8;
	[tilespmem:$0x16750] =	vst v63  }
0xa8: {  	_ = 	snop  }
0xa9: {  	[tilespmem:s13], [sflag:$0x2] =	stream.indirect.gather [hbm4b:s8+s21], $0x40, s29, s21, $0xb8;
	[tilespmem:$0x16750] =	vst v63  }
0xaa: {  	_ =	swait.ge [sflag:s23], $0x2000  }
0xab: {  	[sflag:s23] =	ssyncset.done $0x0  }
0xac: {  	[sflag:s23] =	ssyncadd.s32 $0xFFFFE000  }
0xad: {  	_ =	swait.ge [sflag:s23], $0x2000  }
0xae: {  	[sflag:s23] =	ssyncset.done $0x0  }
0xaf: {  	s29 =	simm.s32 $0x400;
	[sflag:s23] =	ssyncadd.s32 $0xFFFFE000  }
0xb0: {  	[spmem:s2] =	stream.indirect.scatter.add.f32 [tilespmem:s29], [sflag:$0x3], $0x40, s5, s21, $0xb8;
	[tilespmem:$0x16750] =	vst v63  }
0xb1: {  	_ =	swait.ge [sflag:s25], $0x2000  }
0xb2: {  	[sflag:s25] =	ssyncset.done $0x0  }
0xb3: {  	s17 =	simm.s32 $0x8400;
	[sflag:s25] =	ssyncadd.s32 $0xFFFFE000  }
0xb4: {  	[spmem:s3] =	stream.indirect.scatter.add.f32 [tilespmem:s17], [sflag:$0x3], $0x10, s5, s21, $0xb8;
	[tilespmem:$0x16750] =	vst v63  }
0xb5: {  	_ =	swait.ge [sflag:s25], $0x800  }
0xb6: {  	[sflag:s25] =	ssyncset.done $0x0  }
0xb7: {  	s20 =	simm.s32 $0x2400;
	[sflag:s25] =	ssyncadd.s32 $0xFFFFF800  }
0xb8: {  	[spmem:s2] =	stream.indirect.scatter.add.f32 [tilespmem:s20], [sflag:$0x3], $0x40, s21, s21, $0xb8;
	[tilespmem:$0x16750] =	vst v63  }
0xb9: {  	_ =	swait.ge [sflag:s25], $0x2000  }
0xba: {  	[sflag:s25] =	ssyncset.done $0x0;
	s14 =	sld [smem:$0x7F4]  }
0xbb: {  	s26 =	simm.s32 $0x8C00;
	[sflag:s25] =	ssyncadd.s32 $0xFFFFE000  }
0xbc: {  	[spmem:s3] =	stream.indirect.scatter.add.f32 [tilespmem:s26], [sflag:$0x3], $0x10, s21, s21, $0xb8;
	[tilespmem:$0x16750] =	vst v63  }
0xbd: {  	s12 =	smov.u32 s31;
	p2 =	slt.u32 s1, s14  }
0xbe: {  	s12 =	smov.u32 @p2 s6  }
0xbf: {  	_ =	swait.ge [sflag:s25], $0x800;
	s16 =	sshll.u32 s12, $0x4  }
0xc0: {  	[sflag:s25] =	ssyncset.done $0x0;
	s14 =	sand.u32 $0x1FFFFFC0, s16  }
0xc1: {  	[sflag:s25] =	ssyncadd.s32 $0xFFFFF800;
	s24 =	sadd.s32 s11, s14  }
0xc2: {  	[tilespmem:s5], [sflag:$0x3] =	stream.linear.gather [hbm4b:s24+s5], $0x80, $0x38;
	[tilespmem:$0x16750] =	vst v63  }
0xc3: {  	_ =	swait.ge [sflag:s25], $0x80  }
0xc4: {  	[sflag:s25] =	ssyncset.done $0x0  }
0xc5: {  	s14 =	sadd.s32 s19, s14;
	s24 =	simm.s32 $0x200;
	[sflag:s25] =	ssyncadd.s32 $0xFFFFFF80  }
0xc6: {  	[tilespmem:s24], [sflag:$0x3] =	stream.linear.gather [hbm4b:s14+s5], $0x80, $0x38;
	[tilespmem:$0x16750] =	vst v63  }
0xc7: {  	s16 =	sshll.u32 s12, $0x8;
	_ =	swait.ge [sflag:s25], $0x80  }
0xc8: {  	s14 =	sand.u32 $0x1FFFFC00, s16;
	[sflag:s25] =	ssyncset.done $0x0  }
0xc9: {  	s12 =	sshll.u32 s12, $0x7;
	s14 =	sadd.s32 s28, s14;
	[sflag:s25] =	ssyncadd.s32 $0xFFFFFF80  }
0xca: {  	[tilespmem:s17], [sflag:$0x3] =	stream.linear.gather [hbm4b:s14+s5], $0x800, $0x38;
	[tilespmem:$0x16750] =	vst v63  }
0xcb: {  	s12 =	sor.u32 $0x80, s12;
	_ =	swait.ge [sflag:s25], $0x800  }
0xcc: {  	s14 =	sshrl.u32 s12, $0x3;
	[sflag:s25] =	ssyncset.done $0x0  }
0xcd: {  	s16 =	sadd.s32 s11, s14;
	[sflag:s25] =	ssyncadd.s32 $0xFFFFF800  }
0xce: {  	[tilespmem:s21], [sflag:$0x3] =	stream.linear.gather [hbm4b:s16+s5], $0x80, $0x38;
	[tilespmem:$0x16750] =	vst v63  }
0xcf: {  	_ =	swait.ge [sflag:s25], $0x80  }
0xd0: {  	[sflag:s25] =	ssyncset.done $0x0  }
0xd1: {  	s14 =	sadd.s32 s19, s14;
	s16 =	simm.s32 $0x280;
	[sflag:s25] =	ssyncadd.s32 $0xFFFFFF80  }
0xd2: {  	[tilespmem:s16], [sflag:$0x3] =	stream.linear.gather [hbm4b:s14+s5], $0x80, $0x38;
	[tilespmem:$0x16750] =	vst v63  }
0xd3: {  	s12 =	sshll.u32 s12, $0x1;
	_ =	swait.ge [sflag:s25], $0x80  }
0xd4: {  	s12 =	sand.u32 $0x1FFFFF00, s12;
	[sflag:s25] =	ssyncset.done $0x0  }
0xd5: {  	s12 =	sadd.s32 s28, s12;
	[sflag:s25] =	ssyncadd.s32 $0xFFFFFF80  }
0xd6: {  	[tilespmem:s26], [sflag:$0x3] =	stream.linear.gather [hbm4b:s12+s5], $0x800, $0x38;
	[tilespmem:$0x16750] =	vst v63  }
0xd7: {  	_ =	swait.ge [sflag:s25], $0x800  }
0xd8: {  	[sflag:s25] =	ssyncset.done $0x0  }
0xd9: {  	[sflag:s25] =	ssyncadd.s32 $0xFFFFF800  }
0xda: {  	[tilespmem:s29], [sflag:$0x1] =	stream.indirect.gather [hbm4b:s8+s21], $0x40, s24, s21, $0xb8;
	[tilespmem:$0x16750] =	vst v63  }
0xdb: {  	_ = 	snop  }
0xdc: {  	[tilespmem:s20], [sflag:$0x1] =	stream.indirect.gather [hbm4b:s8+s21], $0x40, s16, s21, $0xb8;
	[tilespmem:$0x16750] =	vst v63  }
0xdd: {  	_ =	swait.ge [sflag:s10], $0x2000  }
0xde: {  	[sflag:s10] =	ssyncset.done $0x0  }
0xdf: {  	[sflag:s10] =	ssyncadd.s32 $0xFFFFE000  }
0xe0: {  	_ =	swait.ge [sflag:s10], $0x2000  }
0xe1: {  	[sflag:s10] =	ssyncset.done $0x0  }
0xe2: {  	s17 =	simm.s32 $0x100;
	[sflag:s10] =	ssyncadd.s32 $0xFFFFE000  }
0xe3: {  	[spmem:s2] =	stream.indirect.scatter.add.f32 [tilespmem:s0], [sflag:$0x3], $0x40, s17, s21, $0xb8;
	[tilespmem:$0x16750] =	vst v63  }
0xe4: {  	_ =	swait.ge [sflag:s25], $0x2000  }
0xe5: {  	[sflag:s25] =	ssyncset.done $0x0  }
0xe6: {  	[sflag:s25] =	ssyncadd.s32 $0xFFFFE000  }
0xe7: {  	[spmem:s3] =	stream.indirect.scatter.add.f32 [tilespmem:s4], [sflag:$0x3], $0x10, s17, s21, $0xb8;
	[tilespmem:$0x16750] =	vst v63  }
0xe8: {  	_ =	swait.ge [sflag:s25], $0x800  }
0xe9: {  	[sflag:s25] =	ssyncset.done $0x0  }
0xea: {  	[sflag:s25] =	ssyncadd.s32 $0xFFFFF800  }
0xeb: {  	[spmem:s2] =	stream.indirect.scatter.add.f32 [tilespmem:s13], [sflag:$0x3], $0x40, s30, s21, $0xb8;
	[tilespmem:$0x16750] =	vst v63  }
0xec: {  	_ =	swait.ge [sflag:s25], $0x2000  }
0xed: {  	[sflag:s25] =	ssyncset.done $0x0  }
0xee: {  	[sflag:s25] =	ssyncadd.s32 $0xFFFFE000  }
0xef: {  	[spmem:s3] =	stream.indirect.scatter.add.f32 [tilespmem:s15], [sflag:$0x3], $0x10, s30, s21, $0xb8;
	[tilespmem:$0x16750] =	vst v63  }
0xf0: {  	_ =	swait.ge [sflag:s25], $0x800  }
0xf1: {  	s22 =	sadd.s32 $0x40, s22;
	s29 =	rddreg [dreg:$0x7]  }
0xf2: {  	p2 =	sne.s32 s29, s22  }
.Ltmp3:
0xf3: {  	_ = 	snop;
	(pc) =	sbr.rel @p2 .LBB2_3-.Ltmp3, $3  }
0xf4: {  	_ =	sdelay $0x1  }
0xf5: {  	s7 =	sadd.s32 $0x400, s7;
	[sflag:s25] =	ssyncset.done $0x0  }
0xf6: {  	s1 =	sadd.s32 $0x1, s1;
	s6 =	sadd.s32 $0x4, s6;
	[sflag:s25] =	ssyncadd.s32 $0xFFFFF800  }
0xf7: {  	_ =	swait.ge [sflag:s23], $0x2000  }
0xf8: {  	[sflag:s23] =	ssyncset.done $0x0  }
0xf9: {  	[sflag:s23] =	ssyncadd.s32 $0xFFFFE000  }
0xfa: {  	_ =	swait.ge [sflag:s23], $0x2000  }
0xfb: {  	[sflag:s23] =	ssyncset.done $0x0  }
0xfc: {  	[sflag:s23] =	ssyncadd.s32 $0xFFFFE000  }
0xfd: {  	[bflag:$0x0] =	sbarrier.arrive $0xFFFF  }
0xfe: {  	s0 =	sld [smem:$0x7F1];
	_ =	sdelay $0x1  }
0xff: {  	s1 =	simm.s32 @p1 $0x1FC3;
	s6 =	rddreg [dreg:$0x1a]  }
0x100: {  	[hbm:s6], [sflag:s1] =	dma.local @p1 [spmem:s0], $0x1040  }
0x101: {  	s6 =	simm.s32 @p1 $0x3  }
0x102: {  	_ =	swait.ge @p1 [sflag:s6], $0x1040  }
0x103: {  	s0 =	sld [smem:$0x7F2]  }
0x104: {  	[sflag:s6] =	ssyncset.done @p1 $0x0  }
0x105: {  	s7 =	rddreg [dreg:$0x1b];
	[sflag:s6] =	ssyncadd.s32 @p1 $0xFFFFEFC0  }
0x106: {  	[hbm:s7], [sflag:s1] =	dma.local @p1 [spmem:s0], $0x410  }
0x107: {  	_ =	swait.ge @p1 [sflag:s6], $0x410  }
0x108: {  	s0 =	sld [smem:$0x7F3]  }
0x109: {  	s4 =	sld [smem:$0x7F5]  }
0x10a: {  	[sflag:s6] =	ssyncset.done @p1 $0x0  }
0x10b: {  	s1 =	rddreg [dreg:$0x15];
	[sflag:s6] =	ssyncadd.s32 @p1 $0xFFFFFBF0  }
0x10c: {  	[hbm:s1], [sflag:s0] =	dma.local @!p1 [spmem:s4], $0x13C0  }
0x10d: {  	s1 =	simm.s32 @!p1 $0x3  }
0x10e: {  	_ =	swait.ge @!p1 [sflag:s1], $0x13C0  }
0x10f: {  	s4 =	sld [smem:$0x7F6]  }
0x110: {  	[sflag:s1] =	ssyncset.done @!p1 $0x0  }
.Ltmp4:
0x111: {  	s6 =	rddreg [dreg:$0x16];
	[sflag:s1] =	ssyncadd.s32 @!p1 $0xFFFFEC40;
	(pc) =	sbr.rel .LBB2_8-.Ltmp4, $4  }
0x112: {  	[hbm:s6], [sflag:s0] =	dma.local @!p1 [spmem:s4], $0x4F0  }
0x113: {  	_ =	swait.ge @!p1 [sflag:s1], $0x4F0  }
0x114: {  	[sflag:s1] =	ssyncset.done @!p1 $0x0  }
0x115: {  	s14 =	smov.u32 s18;
	s7 =	sld [smem:$0x7F0];
	[sflag:s1] =	ssyncadd.s32 @!p1 $0xFFFFFB10  }
.LBB2_5:
0x116: {  	s6 =	rddreg [dreg:$0xc]  }
0x117: {  	[tilespmem:s0], [sflag:$0x3] =	stream.linear.gather [hbm4b:s6+s22], $0x800, $0x38;
	[tilespmem:$0x16750] =	vst v63  }
0x118: {  	_ =	swait.ge [sflag:s25], $0x800  }
0x119: {  	s11 =	sld [smem:$0x7F9]  }
0x11a: {  	[sflag:s25] =	ssyncset.done $0x0  }
0x11b: {  	[sflag:s25] =	ssyncadd.s32 $0xFFFFF800  }
0x11c: {  	[tilespmem:s21], [sflag:$0x3] =	stream.linear.gather [hbm4b:s11+s22], $0x80, $0x38;
	[tilespmem:$0x16750] =	vst v63  }
0x11d: {  	_ =	swait.ge [sflag:s25], $0x80  }
0x11e: {  	[sflag:s25] =	ssyncset.done $0x0  }
0x11f: {  	[sflag:s25] =	ssyncadd.s32 $0xFFFFFF80  }
0x120: {  	[tilespmem:s20], [sflag:$0x3] =	stream.linear.gather [hbm4b:s1+s22], $0x80, $0x38;
	[tilespmem:$0x16750] =	vst v63  }
0x121: {  	_ =	swait.ge [sflag:s25], $0x80  }
0x122: {  	[sflag:s25] =	ssyncset.done $0x0  }
0x123: {  	s30 =	sadd.s32 s19, s12;
	s24 =	rddreg [dreg:$0xe];
	[sflag:s25] =	ssyncadd.s32 $0xFFFFFF80  }
0x124: {  	[tilespmem:s4], [sflag:$0x3] =	stream.linear.gather [hbm4b:s24+s22], $0x800, $0x38;
	[tilespmem:$0x16750] =	vst v63  }
0x125: {  	_ =	swait.ge [sflag:s25], $0x800;
	[dreg:$0x6] =	wrdreg s30  }
0x126: {  	s26 =	sld [smem:$0x7F4]  }
0x127: {  	s6 =	sld [smem:$0x7FB]  }
0x128: {  	s7 =	sld [smem:$0x7FA]  }
0x129: {  	[sflag:s25] =	ssyncset.done $0x0;
	s28 =	rddreg [dreg:$0xa]  }
0x12a: {  	s0 =	simm.s32 $0x4400;
	s31 =	sld [smem:$0x7FD];
	[sflag:s25] =	ssyncadd.s32 $0xFFFFF800  }
0x12b: {  	[tilespmem:s15], [sflag:$0x1] =	stream.indirect.gather [hbm4b:s9+s21], $0x40, s16, s21, $0xb8;
	[tilespmem:$0x16750] =	vst v63  }
0x12c: {  	s1 =	simm.s32 $0x1;
	s11 =	rddreg [dreg:$0x0];
	s29 =	sshll.u32 s26, $0x6  }
0x12d: {  	[tilespmem:s13], [sflag:$0x1] =	stream.indirect.gather [hbm4b:s9+s21], $0x40, s20, s21, $0xb8;
	[tilespmem:$0x16750] =	vst v63  }
0x12e: {  	s15 =	simm.s32 $0x9C00;
	[dreg:$0x5] =	wrdreg s29;
	s13 =	simm.s32 $0x6400  }
.LBB2_6:
0x12f: {  	s12 =	sadd.s32 s22, s14  }
0x130: {  	s14 =	sadd.s32 $0x20, s12  }
0x131: {  	[tilespmem:s17], [sflag:$0x3] =	stream.linear.gather [hbm4b:s14+s5], $0x80, $0x38;
	[tilespmem:$0x16750] =	vst v63  }
0x132: {  	_ =	swait.ge [sflag:s25], $0x80  }
0x133: {  	s20 =	rddreg [dreg:$0x6]  }
0x134: {  	[sflag:s25] =	ssyncset.done $0x0;
	s14 =	sadd.s32 s22, s20  }
0x135: {  	s4 =	simm.s32 $0x300;
	[sflag:s25] =	ssyncadd.s32 $0xFFFFFF80;
	s16 =	sadd.s32 $0x20, s14  }
0x136: {  	[tilespmem:s4], [sflag:$0x3] =	stream.linear.gather [hbm4b:s16+s5], $0x80, $0x38;
	[tilespmem:$0x16750] =	vst v63  }
0x137: {  	_ =	swait.ge [sflag:s25], $0x80  }
0x138: {  	[sflag:s25] =	ssyncset.done $0x0  }
0x139: {  	s24 =	sadd.s32 $0xFFFFFF00, s7;
	s30 =	simm.s32 $0x9400;
	[sflag:s25] =	ssyncadd.s32 $0xFFFFFF80  }
0x13a: {  	[tilespmem:s30], [sflag:$0x3] =	stream.linear.gather [hbm4b:s24+s5], $0x800, $0x38;
	[tilespmem:$0x16750] =	vst v63  }
0x13b: {  	_ =	swait.ge [sflag:s25], $0x800  }
0x13c: {  	[sflag:s25] =	ssyncset.done $0x0  }
0x13d: {  	s12 =	sadd.s32 $0x30, s12;
	s20 =	simm.s32 $0x180;
	[sflag:s25] =	ssyncadd.s32 $0xFFFFF800  }
0x13e: {  	[tilespmem:s20], [sflag:$0x3] =	stream.linear.gather [hbm4b:s12+s5], $0x80, $0x38;
	[tilespmem:$0x16750] =	vst v63  }
0x13f: {  	_ =	swait.ge [sflag:s25], $0x80  }
0x140: {  	[sflag:s25] =	ssyncset.done $0x0  }
0x141: {  	s29 =	simm.s32 $0x380;
	s26 =	sadd.s32 $0x30, s14;
	[sflag:s25] =	ssyncadd.s32 $0xFFFFFF80  }
0x142: {  	[tilespmem:s29], [sflag:$0x3] =	stream.linear.gather [hbm4b:s26+s5], $0x80, $0x38;
	[tilespmem:$0x16750] =	vst v63  }
0x143: {  	_ =	swait.ge [sflag:s25], $0x80  }
0x144: {  	[sflag:s25] =	ssyncset.done $0x0  }
0x145: {  	[sflag:s25] =	ssyncadd.s32 $0xFFFFFF80  }
0x146: {  	[tilespmem:s15], [sflag:$0x3] =	stream.linear.gather [hbm4b:s7+s5], $0x800, $0x38;
	[tilespmem:$0x16750] =	vst v63  }
0x147: {  	_ =	swait.ge [sflag:s25], $0x800  }
0x148: {  	[sflag:s25] =	ssyncset.done $0x0  }
0x149: {  	[sflag:s25] =	ssyncadd.s32 $0xFFFFF800  }
0x14a: {  	[tilespmem:s0], [sflag:$0x2] =	stream.indirect.gather [hbm4b:s9+s21], $0x40, s4, s21, $0xb8;
	[tilespmem:$0x16750] =	vst v63  }
0x14b: {  	_ = 	snop  }
0x14c: {  	[tilespmem:s13], [sflag:$0x2] =	stream.indirect.gather [hbm4b:s9+s21], $0x40, s29, s21, $0xb8;
	[tilespmem:$0x16750] =	vst v63  }
0x14d: {  	_ =	swait.ge [sflag:s23], $0x2000  }
0x14e: {  	[sflag:s23] =	ssyncset.done $0x0  }
0x14f: {  	[sflag:s23] =	ssyncadd.s32 $0xFFFFE000  }
0x150: {  	_ =	swait.ge [sflag:s23], $0x2000  }
0x151: {  	[sflag:s23] =	ssyncset.done $0x0  }
0x152: {  	s29 =	simm.s32 $0x400;
	[sflag:s23] =	ssyncadd.s32 $0xFFFFE000  }
0x153: {  	[spmem:s2] =	stream.indirect.scatter.add.f32 [tilespmem:s29], [sflag:$0x3], $0x40, s5, s21, $0xb8;
	[tilespmem:$0x16750] =	vst v63  }
0x154: {  	_ =	swait.ge [sflag:s25], $0x2000  }
0x155: {  	[sflag:s25] =	ssyncset.done $0x0  }
0x156: {  	s24 =	simm.s32 $0x8400;
	[sflag:s25] =	ssyncadd.s32 $0xFFFFE000  }
0x157: {  	[spmem:s3] =	stream.indirect.scatter.add.f32 [tilespmem:s24], [sflag:$0x3], $0x10, s5, s21, $0xb8;
	[tilespmem:$0x16750] =	vst v63  }
0x158: {  	_ =	swait.ge [sflag:s25], $0x800  }
0x159: {  	[sflag:s25] =	ssyncset.done $0x0  }
0x15a: {  	s20 =	simm.s32 $0x2400;
	[sflag:s25] =	ssyncadd.s32 $0xFFFFF800  }
0x15b: {  	[spmem:s2] =	stream.indirect.scatter.add.f32 [tilespmem:s20], [sflag:$0x3], $0x40, s21, s21, $0xb8;
	[tilespmem:$0x16750] =	vst v63  }
0x15c: {  	_ =	swait.ge [sflag:s25], $0x2000  }
0x15d: {  	[sflag:s25] =	ssyncset.done $0x0;
	s14 =	sld [smem:$0x7F4]  }
0x15e: {  	s26 =	simm.s32 $0x8C00;
	[sflag:s25] =	ssyncadd.s32 $0xFFFFE000  }
0x15f: {  	[spmem:s3] =	stream.indirect.scatter.add.f32 [tilespmem:s26], [sflag:$0x3], $0x10, s21, s21, $0xb8;
	[tilespmem:$0x16750] =	vst v63  }
0x160: {  	s12 =	smov.u32 s31;
	p2 =	slt.u32 s1, s14  }
0x161: {  	s12 =	smov.u32 @p2 s6  }
0x162: {  	_ =	swait.ge [sflag:s25], $0x800;
	s16 =	sshll.u32 s12, $0x4  }
0x163: {  	[sflag:s25] =	ssyncset.done $0x0;
	s14 =	sand.u32 $0x1FFFFFC0, s16  }
0x164: {  	[sflag:s25] =	ssyncadd.s32 $0xFFFFF800;
	s4 =	sadd.s32 s11, s14  }
0x165: {  	[tilespmem:s5], [sflag:$0x3] =	stream.linear.gather [hbm4b:s4+s5], $0x80, $0x38;
	[tilespmem:$0x16750] =	vst v63  }
0x166: {  	_ =	swait.ge [sflag:s25], $0x80  }
0x167: {  	[sflag:s25] =	ssyncset.done $0x0  }
0x168: {  	s14 =	sadd.s32 s19, s14;
	s4 =	simm.s32 $0x200;
	[sflag:s25] =	ssyncadd.s32 $0xFFFFFF80  }
0x169: {  	[tilespmem:s4], [sflag:$0x3] =	stream.linear.gather [hbm4b:s14+s5], $0x80, $0x38;
	[tilespmem:$0x16750] =	vst v63  }
0x16a: {  	s16 =	sshll.u32 s12, $0x8;
	_ =	swait.ge [sflag:s25], $0x80  }
0x16b: {  	s14 =	sand.u32 $0x1FFFFC00, s16;
	[sflag:s25] =	ssyncset.done $0x0  }
0x16c: {  	s12 =	sshll.u32 s12, $0x7;
	s14 =	sadd.s32 s28, s14;
	[sflag:s25] =	ssyncadd.s32 $0xFFFFFF80  }
0x16d: {  	[tilespmem:s24], [sflag:$0x3] =	stream.linear.gather [hbm4b:s14+s5], $0x800, $0x38;
	[tilespmem:$0x16750] =	vst v63  }
0x16e: {  	s12 =	sor.u32 $0x80, s12;
	_ =	swait.ge [sflag:s25], $0x800  }
0x16f: {  	s14 =	sshrl.u32 s12, $0x3;
	[sflag:s25] =	ssyncset.done $0x0  }
0x170: {  	s24 =	sadd.s32 s11, s14;
	[sflag:s25] =	ssyncadd.s32 $0xFFFFF800  }
0x171: {  	[tilespmem:s21], [sflag:$0x3] =	stream.linear.gather [hbm4b:s24+s5], $0x80, $0x38;
	[tilespmem:$0x16750] =	vst v63  }
0x172: {  	_ =	swait.ge [sflag:s25], $0x80  }
0x173: {  	[sflag:s25] =	ssyncset.done $0x0  }
0x174: {  	s14 =	sadd.s32 s19, s14;
	s24 =	simm.s32 $0x280;
	[sflag:s25] =	ssyncadd.s32 $0xFFFFFF80  }
0x175: {  	[tilespmem:s24], [sflag:$0x3] =	stream.linear.gather [hbm4b:s14+s5], $0x80, $0x38;
	[tilespmem:$0x16750] =	vst v63  }
0x176: {  	s12 =	sshll.u32 s12, $0x1;
	_ =	swait.ge [sflag:s25], $0x80  }
0x177: {  	s12 =	sand.u32 $0x1FFFFF00, s12;
	[sflag:s25] =	ssyncset.done $0x0  }
0x178: {  	s12 =	sadd.s32 s28, s12;
	[sflag:s25] =	ssyncadd.s32 $0xFFFFFF80  }
0x179: {  	[tilespmem:s26], [sflag:$0x3] =	stream.linear.gather [hbm4b:s12+s5], $0x800, $0x38;
	[tilespmem:$0x16750] =	vst v63  }
0x17a: {  	_ =	swait.ge [sflag:s25], $0x800  }
0x17b: {  	[sflag:s25] =	ssyncset.done $0x0  }
0x17c: {  	[sflag:s25] =	ssyncadd.s32 $0xFFFFF800  }
0x17d: {  	[tilespmem:s29], [sflag:$0x1] =	stream.indirect.gather [hbm4b:s9+s21], $0x40, s4, s21, $0xb8;
	[tilespmem:$0x16750] =	vst v63  }
0x17e: {  	_ = 	snop  }
0x17f: {  	[tilespmem:s20], [sflag:$0x1] =	stream.indirect.gather [hbm4b:s9+s21], $0x40, s24, s21, $0xb8;
	[tilespmem:$0x16750] =	vst v63  }
0x180: {  	_ =	swait.ge [sflag:s10], $0x2000  }
0x181: {  	[sflag:s10] =	ssyncset.done $0x0  }
0x182: {  	[sflag:s10] =	ssyncadd.s32 $0xFFFFE000  }
0x183: {  	_ =	swait.ge [sflag:s10], $0x2000  }
0x184: {  	[sflag:s10] =	ssyncset.done $0x0  }
0x185: {  	[sflag:s10] =	ssyncadd.s32 $0xFFFFE000  }
0x186: {  	[spmem:s2] =	stream.indirect.scatter.add.f32 [tilespmem:s0], [sflag:$0x3], $0x40, s17, s21, $0xb8;
	[tilespmem:$0x16750] =	vst v63  }
0x187: {  	_ =	swait.ge [sflag:s25], $0x2000  }
0x188: {  	[sflag:s25] =	ssyncset.done $0x0  }
0x189: {  	[sflag:s25] =	ssyncadd.s32 $0xFFFFE000  }
0x18a: {  	[spmem:s3] =	stream.indirect.scatter.add.f32 [tilespmem:s30], [sflag:$0x3], $0x10, s17, s21, $0xb8;
	[tilespmem:$0x16750] =	vst v63  }
0x18b: {  	_ =	swait.ge [sflag:s25], $0x800  }
0x18c: {  	[sflag:s25] =	ssyncset.done $0x0  }
0x18d: {  	s30 =	simm.s32 $0x180;
	[sflag:s25] =	ssyncadd.s32 $0xFFFFF800  }
0x18e: {  	[spmem:s2] =	stream.indirect.scatter.add.f32 [tilespmem:s13], [sflag:$0x3], $0x40, s30, s21, $0xb8;
	[tilespmem:$0x16750] =	vst v63  }
0x18f: {  	_ =	swait.ge [sflag:s25], $0x2000  }
0x190: {  	[sflag:s25] =	ssyncset.done $0x0  }
0x191: {  	[sflag:s25] =	ssyncadd.s32 $0xFFFFE000  }
0x192: {  	[spmem:s3] =	stream.indirect.scatter.add.f32 [tilespmem:s15], [sflag:$0x3], $0x10, s30, s21, $0xb8;
	[tilespmem:$0x16750] =	vst v63  }
0x193: {  	_ =	swait.ge [sflag:s25], $0x800  }
0x194: {  	s22 =	sadd.s32 $0x40, s22;
	s29 =	rddreg [dreg:$0x5]  }
0x195: {  	p2 =	sne.s32 s29, s22  }
.Ltmp5:
0x196: {  	_ = 	snop;
	(pc) =	sbr.rel @p2 .LBB2_6-.Ltmp5, $3  }
0x197: {  	_ =	sdelay $0x1  }
0x198: {  	s7 =	sadd.s32 $0x400, s7;
	s1 =	sadd.s32 $0x1, s1;
	[sflag:s25] =	ssyncset.done $0x0  }
0x199: {  	s6 =	sadd.s32 $0x4, s6;
	s14 =	smov.u32 s18;
	[sflag:s25] =	ssyncadd.s32 $0xFFFFF800  }
.Ltmp6:
0x19a: {  	_ = 	snop;
	(pc) =	sbr.rel .LBB2_7-.Ltmp6, $1  }
0x19b: {  	_ =	sdelay $0x3  }
.LBB2_9:
0x19c: {  	_ =	sfence.sel $0x180000  }
0x19d: {  	[bflag:$0x0] =	sbarrier.arrive $0xFFFF  }
0x19e: {  	_ =	strace $0x90000047  }
0x19f: {  	s0 =	stileid.u32;
	[bflag:$0x2] =	sbarrier.arrive $0xFFFF  }
0x1a0: {  	p0 =	sne.s32 s0, $0x0;
	s0 =	rddreg [dreg:$0x4]  }
0x1a1: {  	s0 =	sadd.s32 @!p0 $0x100000, s0  }
0x1a2: {  	[sflag:s0] =	ssyncadd.tile.s32 @!p0 $0x1;
	_ =	shalt  }
.Lfunc_end2:
_tile_overlayer_lowered:
.L_overlay_start_2:
0x1a3: {  	(tag) =	ssettag $0x2  }
0x1a4: {  	s0 =	rddreg [dreg:$0x0];
	s2 =	stileid.u32  }
0x1a5: {  	s1 =	rddreg [dreg:$0x1];
	p0 =	sne.s32 s2, $0x0  }
0x1a6: {  	s3 =	rddreg [dreg:$0x2];
	[bflag:$0x3] =	sbarrier.arrive $0xFFFF;
	s2 =	simm.s32 @!p0 $0x1C03  }
0x1a7: {  	[timem:s3], [sflag:s2] =	dma.local @!p0 [hbm:s0], s1  }
0x1a8: {  	s0 =	simm.s32 @!p0 $0x3  }
0x1a9: {  	_ =	swait.ge @!p0 [sflag:s0], s1  }
0x1aa: {  	s1 =	ssub.s32 @!p0 $0x0, s1;
	[sflag:s0] =	ssyncset.done @!p0 $0x0  }
0x1ab: {  	[sflag:s0] =	ssyncadd.s32 @!p0 s1  }
0x1ac: {  	[bflag:$0x3] =	sbarrier.arrive $0xFFFF  }
0x1ad: {  	_ =	shalt  }

</sc_bundles>
